<compile_context>
chip_gen: v7x
topology: tpu7x:2x2x1
jax: 0.10.2.dev20260603
libtpu: 0.0.44.dev20260713+nightly
codegen_flags: <defaults>
</compile_context>

<pallas_src>
import functools

import jax
import jax.numpy as jnp
from jax import lax
from jax.experimental import pallas as pl
from jax.experimental.pallas import tpu as pltpu
from jax.experimental.pallas import tpu_sc as plsc

N_NODES = 10000
N_EDGES = 320000
D = 128

CH = 80
CPT = 128
NSLOT = 32 * CPT * CH
NACC = 16 * 640
DUMMY = N_NODES


def _scores_body(x_ref, a_ref, out_ref):
    out_ref[...] = jnp.dot(x_ref[...], a_ref[...],
                           preferred_element_type=jnp.float32)


def _node_scores(x, a2col):
    return pl.pallas_call(
        _scores_body,
        out_shape=jax.ShapeDtypeStruct((N_NODES, 2), jnp.float32),
    )(x, a2col)


def _gat_edges_sc(x, src3d, dst3d, s1, s2):
    mesh = plsc.VectorSubcoreMesh(core_axis_name="c", subcore_axis_name="s")

    @functools.partial(
        pl.kernel,
        out_type=(
            jax.ShapeDtypeStruct((2, N_NODES, D), jnp.float32),
            jax.ShapeDtypeStruct((2, 16, 640), jnp.float32),
        ),
        mesh=mesh,
        scratch_types=[
            [pltpu.VMEM((CH,), jnp.int32) for _ in range(4)],
            [pltpu.VMEM((CH,), jnp.int32) for _ in range(4)],
            [pltpu.VMEM((CH,), jnp.int32) for _ in range(4)],
            [pltpu.VMEM((CH,), jnp.float32) for _ in range(4)],
            [pltpu.VMEM((CH,), jnp.float32) for _ in range(4)],
            [pltpu.VMEM((CH,), jnp.float32) for _ in range(4)],
            [pltpu.VMEM((CH, D), jnp.float32) for _ in range(4)],
            pltpu.VMEM((640,), jnp.float32),
            pltpu.VMEM_SHARED((NACC, D), jnp.float32),
            pltpu.VMEM_SHARED((NACC,), jnp.float32),
            [pltpu.SemaphoreType.DMA for _ in range(4)],
            [pltpu.SemaphoreType.DMA for _ in range(4)],
            [pltpu.SemaphoreType.DMA for _ in range(4)],
            [pltpu.SemaphoreType.DMA for _ in range(4)],
            [pltpu.SemaphoreType.DMA for _ in range(4)],
            [pltpu.SemaphoreType.DMA for _ in range(4)],
            [pltpu.SemaphoreType.DMA for _ in range(4)],
        ],
        compiler_params=pltpu.CompilerParams(needs_layout_passes=False),
    )
    def k(x_hbm, src_hbm, dst_hbm, s1_hbm, s2_hbm,
          hpart_hbm, dpart_hbm,
          src_i, dst_i, dst_s, e1b, e2b, wbuf, rows, zd,
          h_sh, den_sh,
          sis, sid_, sgr, se1, se2, ssr, ssd):
        cid = lax.axis_index("c")
        sid = lax.axis_index("s")
        wid = cid * 16 + sid

        row0 = sid * 640

        def issue_idx(c, k):
            pltpu.async_copy(src_hbm.at[wid, c], src_i[k], sis[k])
            pltpu.async_copy(dst_hbm.at[wid, c], dst_i[k], sid_[k])

        def wait_idx(k):
            pltpu.make_async_copy(src_hbm.at[0, 0], src_i[k], sis[k]).wait()
            pltpu.make_async_copy(dst_hbm.at[0, 0], dst_i[k], sid_[k]).wait()

        def issue_gather(k):
            pltpu.async_copy(x_hbm.at[src_i[k]], rows[k], sgr[k])
            pltpu.async_copy(s1_hbm.at[src_i[k]], e1b[k], se1[k])
            pltpu.async_copy(s2_hbm.at[dst_i[k]], e2b[k], se2[k])

        def wait_gather(k):
            pltpu.make_async_copy(s1_hbm.at[src_i[k]], e1b[k], se1[k]).wait()
            pltpu.make_async_copy(s2_hbm.at[dst_i[k]], e2b[k], se2[k]).wait()
            pltpu.make_async_copy(x_hbm.at[src_i[k]], rows[k], sgr[k]).wait()

        def issue_scatter(k):
            pltpu.async_copy(rows[k], h_sh.at[dst_s[k]], ssr[k], add=True)
            pltpu.async_copy(wbuf[k], den_sh.at[dst_s[k]], ssd[k], add=True)

        def wait_scatter(k):
            pltpu.make_async_copy(rows[k], h_sh.at[dst_s[k]], ssr[k]).wait()
            pltpu.make_async_copy(wbuf[k], den_sh.at[dst_s[k]], ssd[k]).wait()

        def compute(k):
            for j in range(CH // 16):
                dst_s[k][pl.ds(j * 16, 16)] = dst_i[k][pl.ds(j * 16, 16)]
                e = (e1b[k][pl.ds(j * 16, 16)] + e2b[k][pl.ds(j * 16, 16)])
                e = jnp.where(e >= 0.0, e, 0.01 * e)
                wbuf[k][pl.ds(j * 16, 16)] = jnp.exp(e)

            @plsc.parallel_loop(0, CH, 1, unroll=4)
            def _scale(r):
                wb = plsc.load_gather(wbuf[k],
                                      [jnp.full((16,), r, jnp.int32)])
                for cc in range(D // 16):
                    rows[k][r, pl.ds(cc * 16, 16)] = (
                        rows[k][r, pl.ds(cc * 16, 16)] * wb)

        issue_idx(0, 0)
        issue_idx(1, 1)
        issue_idx(2, 2)
        wait_idx(0)
        issue_gather(0)
        wait_idx(1)
        issue_gather(1)

        zv = jnp.zeros((16,), jnp.float32)

        def _zb(i, carry):
            rows[3][i // 8, pl.ds((i % 8) * 16, 16)] = zv
            return carry
        lax.fori_loop(0, 640, _zb, 0)

        def _zd(i, carry):
            zd[pl.ds(i * 16, 16)] = zv
            return carry
        lax.fori_loop(0, 40, _zd, 0)

        pltpu.sync_copy(zd, den_sh.at[pl.ds(row0, 640)])
        for b in range(8):
            pltpu.sync_copy(rows[3], h_sh.at[pl.ds(row0 + b * 80, 80)])

        plsc.subcore_barrier()

        def _iter(i, carry):
            for k in range(4):
                c = 4 * i + k
                k2 = (k + 2) % 4
                k3 = (k + 3) % 4

                @pl.when(c >= 2)
                def _():
                    wait_scatter(k2)

                @pl.when(c + 2 <= CPT - 1)
                def _():
                    wait_idx(k2)
                    issue_gather(k2)

                @pl.when(c + 3 <= CPT - 1)
                def _():
                    issue_idx(c + 3, k3)

                wait_gather(k)
                compute(k)
                issue_scatter(k)
            return carry
        lax.fori_loop(0, CPT // 4, _iter, 0)

        wait_scatter((CPT - 2) % 4)
        wait_scatter((CPT - 1) % 4)

        plsc.subcore_barrier()

        pltpu.sync_copy(den_sh.at[pl.ds(row0, 640)],
                        dpart_hbm.at[cid, sid])

        @pl.when(sid < 15)
        def _():
            pltpu.sync_copy(h_sh.at[pl.ds(row0, 640)],
                            hpart_hbm.at[cid, pl.ds(row0, 640)])

        @pl.when(sid == 15)
        def _():
            pltpu.sync_copy(h_sh.at[pl.ds(9600, 400)],
                            hpart_hbm.at[cid, pl.ds(9600, 400)])

    return k(x, src3d, dst3d, s1, s2)


def _combine_body(h_ref, d_ref, out_ref):
    hs = h_ref[0] + h_ref[1]
    d = d_ref[0] + d_ref[1]
    d = jnp.where(d == 0.0, 1.0, d)
    out_ref[...] = jnp.maximum(hs / d[:, None], 0.0)


def _combine(h_part, den_part):
    return pl.pallas_call(
        _combine_body,
        out_shape=jax.ShapeDtypeStruct((N_NODES, D), jnp.float32),
    )(h_part, den_part)


def _prep_idx(edge_index):
    ei = edge_index.astype(jnp.int32)
    pad = NSLOT - N_EDGES
    src = jnp.pad(ei[0], (0, pad))
    dst = jnp.pad(ei[1], (0, pad), constant_values=DUMMY)
    return src.reshape(32, CPT, CH), dst.reshape(32, CPT, CH)


def kernel(x, edge_index, a_w):
    a2col = a_w.reshape(2, D).T
    s12 = _node_scores(x, a2col)
    s1 = s12[:, 0] + 0.0
    s2 = jnp.pad(s12[:, 1], (0, NACC - N_NODES))
    src3d, dst3d = _prep_idx(edge_index)
    h_part, den_part = _gat_edges_sc(x, src3d, dst3d, s1, s2)
    den = den_part.reshape(2, NACC)[:, :N_NODES]
    return _combine(h_part, den)

# --- scband reference (transcript-rebuilt; emitter-appended) ---
"""Pipeline reference for scband-gatlayer-6416681140653 (READ-ONLY COPY).

The authoritative reference and input builder live on the scoring server;
editing this copy changes nothing except your own understanding.
"""

import jax, jax.numpy as jnp
import numpy as np

N = 10000
E = 320000
D = 128


def setup_inputs(seed: int = 0) -> dict:
    key = jax.random.key(seed)
    k1, k2, k3 = jax.random.split(key, 3)
    x = jax.random.normal(k1, (N, D), dtype=jnp.float32)
    edge_index = jax.random.randint(k2, (2, E), 0, N)
    # attn_fc: Linear(2*out_dim, 1, bias=False); store as [2D, 1] column vector
    bound = 1.0 / np.sqrt(2 * D)
    a_w = jax.random.uniform(k3, (2 * D, 1), dtype=jnp.float32, minval=-bound, maxval=bound)
    return {"x": x, "edge_index": edge_index, "a_w": a_w}


def reference(x, edge_index, a_w):
    src = edge_index[0]
    dst = edge_index[1]
    h_src = x[src]            # gather [E, D]
    h_dst = x[dst]            # gather [E, D]
    # edge_attention: leaky_relu(attn_fc(cat([h_src, h_dst])))
    z2 = jnp.concatenate([h_src, h_dst], axis=1)   # [E, 2D]
    e = z2 @ a_w                                    # [E, 1]
    e = jax.nn.leaky_relu(e, negative_slope=0.01)
    # gat_reduce: softmax over incoming edges per dst node (segment softmax)
    e_max = jax.ops.segment_max(e, dst, num_segments=N)        # [N, 1]
    e_max = jnp.where(jnp.isfinite(e_max), e_max, 0.0)
    ex = jnp.exp(e - e_max[dst])                                # [E, 1]
    denom = jax.ops.segment_sum(ex, dst, num_segments=N)        # [N, 1]
    denom = jnp.where(denom == 0.0, 1.0, denom)
    alpha = ex / denom[dst]                                     # [E, 1]
    h = jax.ops.segment_sum(alpha * h_src, dst, num_segments=N) # scatter-add [N, D]
    # activation = relu; dropout is identity in eval mode
    h = jax.nn.relu(h)
    return h

if __name__ == "__main__":
    import jax
    _d = setup_inputs()
    print(jax.jit(kernel)(*tuple(_d.values())))

</pallas_src>

<mosaic_0001>
#map = affine_map<(d0, d1) -> (0, 0)>
#map1 = affine_map<(d0, d1) -> (0, 0, 0)>
#map2 = affine_map<(d0, d1) -> (0)>
module attributes {stable_mosaic.version = 14 : i64} {
  func.func @k(%arg0: i32, %arg1: i32, %arg2: memref<10000x128xf32, #tpu.memory_space<hbm>>, %arg3: memref<32x128x80xi32, #tpu.memory_space<hbm>>, %arg4: memref<32x128x80xi32, #tpu.memory_space<hbm>>, %arg5: memref<10000xf32, #tpu.memory_space<hbm>>, %arg6: memref<10240xf32, #tpu.memory_space<hbm>>, %arg7: memref<2x10000x128xf32, #tpu.memory_space<hbm>>, %arg8: memref<2x16x640xf32, #tpu.memory_space<hbm>>, %arg9: memref<80xi32, #tpu.memory_space<vmem>>, %arg10: memref<80xi32, #tpu.memory_space<vmem>>, %arg11: memref<80xi32, #tpu.memory_space<vmem>>, %arg12: memref<80xi32, #tpu.memory_space<vmem>>, %arg13: memref<80xi32, #tpu.memory_space<vmem>>, %arg14: memref<80xi32, #tpu.memory_space<vmem>>, %arg15: memref<80xi32, #tpu.memory_space<vmem>>, %arg16: memref<80xi32, #tpu.memory_space<vmem>>, %arg17: memref<80xi32, #tpu.memory_space<vmem>>, %arg18: memref<80xi32, #tpu.memory_space<vmem>>, %arg19: memref<80xi32, #tpu.memory_space<vmem>>, %arg20: memref<80xi32, #tpu.memory_space<vmem>>, %arg21: memref<80xf32, #tpu.memory_space<vmem>>, %arg22: memref<80xf32, #tpu.memory_space<vmem>>, %arg23: memref<80xf32, #tpu.memory_space<vmem>>, %arg24: memref<80xf32, #tpu.memory_space<vmem>>, %arg25: memref<80xf32, #tpu.memory_space<vmem>>, %arg26: memref<80xf32, #tpu.memory_space<vmem>>, %arg27: memref<80xf32, #tpu.memory_space<vmem>>, %arg28: memref<80xf32, #tpu.memory_space<vmem>>, %arg29: memref<80xf32, #tpu.memory_space<vmem>>, %arg30: memref<80xf32, #tpu.memory_space<vmem>>, %arg31: memref<80xf32, #tpu.memory_space<vmem>>, %arg32: memref<80xf32, #tpu.memory_space<vmem>>, %arg33: memref<80x128xf32, #tpu.memory_space<vmem>>, %arg34: memref<80x128xf32, #tpu.memory_space<vmem>>, %arg35: memref<80x128xf32, #tpu.memory_space<vmem>>, %arg36: memref<80x128xf32, #tpu.memory_space<vmem>>, %arg37: memref<640xf32, #tpu.memory_space<vmem>>, %arg38: memref<10240x128xf32, #tpu.memory_space<vmem_shared>>, %arg39: memref<10240xf32, #tpu.memory_space<vmem_shared>>, %arg40: memref<!tpu.dma_semaphore, #tpu.memory_space<semaphore_mem>>, %arg41: memref<!tpu.dma_semaphore, #tpu.memory_space<semaphore_mem>>, %arg42: memref<!tpu.dma_semaphore, #tpu.memory_space<semaphore_mem>>, %arg43: memref<!tpu.dma_semaphore, #tpu.memory_space<semaphore_mem>>, %arg44: memref<!tpu.dma_semaphore, #tpu.memory_space<semaphore_mem>>, %arg45: memref<!tpu.dma_semaphore, #tpu.memory_space<semaphore_mem>>, %arg46: memref<!tpu.dma_semaphore, #tpu.memory_space<semaphore_mem>>, %arg47: memref<!tpu.dma_semaphore, #tpu.memory_space<semaphore_mem>>, %arg48: memref<!tpu.dma_semaphore, #tpu.memory_space<semaphore_mem>>, %arg49: memref<!tpu.dma_semaphore, #tpu.memory_space<semaphore_mem>>, %arg50: memref<!tpu.dma_semaphore, #tpu.memory_space<semaphore_mem>>, %arg51: memref<!tpu.dma_semaphore, #tpu.memory_space<semaphore_mem>>, %arg52: memref<!tpu.dma_semaphore, #tpu.memory_space<semaphore_mem>>, %arg53: memref<!tpu.dma_semaphore, #tpu.memory_space<semaphore_mem>>, %arg54: memref<!tpu.dma_semaphore, #tpu.memory_space<semaphore_mem>>, %arg55: memref<!tpu.dma_semaphore, #tpu.memory_space<semaphore_mem>>, %arg56: memref<!tpu.dma_semaphore, #tpu.memory_space<semaphore_mem>>, %arg57: memref<!tpu.dma_semaphore, #tpu.memory_space<semaphore_mem>>, %arg58: memref<!tpu.dma_semaphore, #tpu.memory_space<semaphore_mem>>, %arg59: memref<!tpu.dma_semaphore, #tpu.memory_space<semaphore_mem>>, %arg60: memref<!tpu.dma_semaphore, #tpu.memory_space<semaphore_mem>>, %arg61: memref<!tpu.dma_semaphore, #tpu.memory_space<semaphore_mem>>, %arg62: memref<!tpu.dma_semaphore, #tpu.memory_space<semaphore_mem>>, %arg63: memref<!tpu.dma_semaphore, #tpu.memory_space<semaphore_mem>>, %arg64: memref<!tpu.dma_semaphore, #tpu.memory_space<semaphore_mem>>, %arg65: memref<!tpu.dma_semaphore, #tpu.memory_space<semaphore_mem>>, %arg66: memref<!tpu.dma_semaphore, #tpu.memory_space<semaphore_mem>>, %arg67: memref<!tpu.dma_semaphore, #tpu.memory_space<semaphore_mem>>) attributes {dimension_semantics = [#tpu.dimension_semantics<core_parallel>, #tpu.dimension_semantics<subcore_parallel>], iteration_bounds = array<i64: 2, 16>, scalar_prefetch = 0 : i64, scratch_operands = 59 : i64, tpu.core_type = #tpu.core_type<sc_vector_subcore>, window_params = [{transform_indices = #map}, {transform_indices = #map1}, {transform_indices = #map1}, {transform_indices = #map2}, {transform_indices = #map2}, {transform_indices = #map1}, {transform_indices = #map1}]} {
    %mul3A = arith.constant 16 : i32
    %mul3A_0 = arith.muli %arg0, %mul3A : i32
    %add3A = arith.addi %mul3A_0, %arg1 : i32
    %mul3A_1 = arith.constant 640 : i32
    %mul3A_2 = arith.muli %arg1, %mul3A_1 : i32
    %dma_start3A = arith.constant 0 : i32
    %dma_start3A_3 = arith.constant 0 : i32
    %dma_start3A_4 = tpu.memref_slice %arg3[%add3A, %dma_start3A, %dma_start3A_3] : memref<32x128x80xi32, #tpu.memory_space<hbm>> -> memref<1x1x80xi32, #tpu.memory_space<hbm>>
    %dma_start3A_5 = tpu.memref_squeeze %dma_start3A_4 : memref<1x1x80xi32, #tpu.memory_space<hbm>> -> memref<80xi32, #tpu.memory_space<hbm>>
    %dma_start3A_6 = arith.constant 0 : i32
    %dma_start3A_7 = tpu.memref_slice %arg3[%add3A, %dma_start3A, %dma_start3A_6] : memref<32x128x80xi32, #tpu.memory_space<hbm>> -> memref<1x1x80xi32, #tpu.memory_space<hbm>>
    %dma_start3A_8 = tpu.memref_squeeze %dma_start3A_7 : memref<1x1x80xi32, #tpu.memory_space<hbm>> -> memref<80xi32, #tpu.memory_space<hbm>>
    tpu.enqueue_dma source(%dma_start3A_8 : memref<80xi32, #tpu.memory_space<hbm>>) target(%arg9 : memref<80xi32, #tpu.memory_space<vmem>>) target_semaphore(%arg40 : memref<!tpu.dma_semaphore, #tpu.memory_space<semaphore_mem>>)
    %dma_start3A_9 = arith.constant 0 : i32
    %dma_start3A_10 = arith.constant 0 : i32
    %dma_start3A_11 = tpu.memref_slice %arg4[%add3A, %dma_start3A_9, %dma_start3A_10] : memref<32x128x80xi32, #tpu.memory_space<hbm>> -> memref<1x1x80xi32, #tpu.memory_space<hbm>>
    %dma_start3A_12 = tpu.memref_squeeze %dma_start3A_11 : memref<1x1x80xi32, #tpu.memory_space<hbm>> -> memref<80xi32, #tpu.memory_space<hbm>>
    %dma_start3A_13 = arith.constant 0 : i32
    %dma_start3A_14 = tpu.memref_slice %arg4[%add3A, %dma_start3A_9, %dma_start3A_13] : memref<32x128x80xi32, #tpu.memory_space<hbm>> -> memref<1x1x80xi32, #tpu.memory_space<hbm>>
    %dma_start3A_15 = tpu.memref_squeeze %dma_start3A_14 : memref<1x1x80xi32, #tpu.memory_space<hbm>> -> memref<80xi32, #tpu.memory_space<hbm>>
    tpu.enqueue_dma source(%dma_start3A_15 : memref<80xi32, #tpu.memory_space<hbm>>) target(%arg13 : memref<80xi32, #tpu.memory_space<vmem>>) target_semaphore(%arg44 : memref<!tpu.dma_semaphore, #tpu.memory_space<semaphore_mem>>)
    %dma_start3A_16 = arith.constant 1 : i32
    %dma_start3A_17 = arith.constant 0 : i32
    %dma_start3A_18 = tpu.memref_slice %arg3[%add3A, %dma_start3A_16, %dma_start3A_17] : memref<32x128x80xi32, #tpu.memory_space<hbm>> -> memref<1x1x80xi32, #tpu.memory_space<hbm>>
    %dma_start3A_19 = tpu.memref_squeeze %dma_start3A_18 : memref<1x1x80xi32, #tpu.memory_space<hbm>> -> memref<80xi32, #tpu.memory_space<hbm>>
    %dma_start3A_20 = arith.constant 0 : i32
    %dma_start3A_21 = tpu.memref_slice %arg3[%add3A, %dma_start3A_16, %dma_start3A_20] : memref<32x128x80xi32, #tpu.memory_space<hbm>> -> memref<1x1x80xi32, #tpu.memory_space<hbm>>
    %dma_start3A_22 = tpu.memref_squeeze %dma_start3A_21 : memref<1x1x80xi32, #tpu.memory_space<hbm>> -> memref<80xi32, #tpu.memory_space<hbm>>
    tpu.enqueue_dma source(%dma_start3A_22 : memref<80xi32, #tpu.memory_space<hbm>>) target(%arg10 : memref<80xi32, #tpu.memory_space<vmem>>) target_semaphore(%arg41 : memref<!tpu.dma_semaphore, #tpu.memory_space<semaphore_mem>>)
    %dma_start3A_23 = arith.constant 1 : i32
    %dma_start3A_24 = arith.constant 0 : i32
    %dma_start3A_25 = tpu.memref_slice %arg4[%add3A, %dma_start3A_23, %dma_start3A_24] : memref<32x128x80xi32, #tpu.memory_space<hbm>> -> memref<1x1x80xi32, #tpu.memory_space<hbm>>
    %dma_start3A_26 = tpu.memref_squeeze %dma_start3A_25 : memref<1x1x80xi32, #tpu.memory_space<hbm>> -> memref<80xi32, #tpu.memory_space<hbm>>
    %dma_start3A_27 = arith.constant 0 : i32
    %dma_start3A_28 = tpu.memref_slice %arg4[%add3A, %dma_start3A_23, %dma_start3A_27] : memref<32x128x80xi32, #tpu.memory_space<hbm>> -> memref<1x1x80xi32, #tpu.memory_space<hbm>>
    %dma_start3A_29 = tpu.memref_squeeze %dma_start3A_28 : memref<1x1x80xi32, #tpu.memory_space<hbm>> -> memref<80xi32, #tpu.memory_space<hbm>>
    tpu.enqueue_dma source(%dma_start3A_29 : memref<80xi32, #tpu.memory_space<hbm>>) target(%arg14 : memref<80xi32, #tpu.memory_space<vmem>>) target_semaphore(%arg45 : memref<!tpu.dma_semaphore, #tpu.memory_space<semaphore_mem>>)
    %dma_start3A_30 = arith.constant 2 : i32
    %dma_start3A_31 = arith.constant 0 : i32
    %dma_start3A_32 = tpu.memref_slice %arg3[%add3A, %dma_start3A_30, %dma_start3A_31] : memref<32x128x80xi32, #tpu.memory_space<hbm>> -> memref<1x1x80xi32, #tpu.memory_space<hbm>>
    %dma_start3A_33 = tpu.memref_squeeze %dma_start3A_32 : memref<1x1x80xi32, #tpu.memory_space<hbm>> -> memref<80xi32, #tpu.memory_space<hbm>>
    %dma_start3A_34 = arith.constant 0 : i32
    %dma_start3A_35 = tpu.memref_slice %arg3[%add3A, %dma_start3A_30, %dma_start3A_34] : memref<32x128x80xi32, #tpu.memory_space<hbm>> -> memref<1x1x80xi32, #tpu.memory_space<hbm>>
    %dma_start3A_36 = tpu.memref_squeeze %dma_start3A_35 : memref<1x1x80xi32, #tpu.memory_space<hbm>> -> memref<80xi32, #tpu.memory_space<hbm>>
    tpu.enqueue_dma source(%dma_start3A_36 : memref<80xi32, #tpu.memory_space<hbm>>) target(%arg11 : memref<80xi32, #tpu.memory_space<vmem>>) target_semaphore(%arg42 : memref<!tpu.dma_semaphore, #tpu.memory_space<semaphore_mem>>)
    %dma_start3A_37 = arith.constant 2 : i32
    %dma_start3A_38 = arith.constant 0 : i32
    %dma_start3A_39 = tpu.memref_slice %arg4[%add3A, %dma_start3A_37, %dma_start3A_38] : memref<32x128x80xi32, #tpu.memory_space<hbm>> -> memref<1x1x80xi32, #tpu.memory_space<hbm>>
    %dma_start3A_40 = tpu.memref_squeeze %dma_start3A_39 : memref<1x1x80xi32, #tpu.memory_space<hbm>> -> memref<80xi32, #tpu.memory_space<hbm>>
    %dma_start3A_41 = arith.constant 0 : i32
    %dma_start3A_42 = tpu.memref_slice %arg4[%add3A, %dma_start3A_37, %dma_start3A_41] : memref<32x128x80xi32, #tpu.memory_space<hbm>> -> memref<1x1x80xi32, #tpu.memory_space<hbm>>
    %dma_start3A_43 = tpu.memref_squeeze %dma_start3A_42 : memref<1x1x80xi32, #tpu.memory_space<hbm>> -> memref<80xi32, #tpu.memory_space<hbm>>
    tpu.enqueue_dma source(%dma_start3A_43 : memref<80xi32, #tpu.memory_space<hbm>>) target(%arg15 : memref<80xi32, #tpu.memory_space<vmem>>) target_semaphore(%arg46 : memref<!tpu.dma_semaphore, #tpu.memory_space<semaphore_mem>>)
    %dma_wait3A = arith.constant 0 : i32
    %dma_wait3A_44 = arith.constant 0 : i32
    %dma_wait3A_45 = arith.constant 0 : i32
    %dma_wait3A_46 = tpu.memref_slice %arg3[%dma_wait3A, %dma_wait3A_44, %dma_wait3A_45] : memref<32x128x80xi32, #tpu.memory_space<hbm>> -> memref<1x1x80xi32, #tpu.memory_space<hbm>>
    %dma_wait3A_47 = tpu.memref_squeeze %dma_wait3A_46 : memref<1x1x80xi32, #tpu.memory_space<hbm>> -> memref<80xi32, #tpu.memory_space<hbm>>
    %dma_wait3A_48 = arith.constant 0 : i32
    %dma_wait3A_49 = tpu.memref_slice %arg3[%dma_wait3A, %dma_wait3A_44, %dma_wait3A_48] : memref<32x128x80xi32, #tpu.memory_space<hbm>> -> memref<1x1x80xi32, #tpu.memory_space<hbm>>
    %dma_wait3A_50 = tpu.memref_squeeze %dma_wait3A_49 : memref<1x1x80xi32, #tpu.memory_space<hbm>> -> memref<80xi32, #tpu.memory_space<hbm>>
    tpu.wait_dma2 semaphore(%arg40 : memref<!tpu.dma_semaphore, #tpu.memory_space<semaphore_mem>>) src(%dma_wait3A_50 : memref<80xi32, #tpu.memory_space<hbm>>) dst(%arg9 : memref<80xi32, #tpu.memory_space<vmem>>)
    %dma_wait3A_51 = arith.constant 0 : i32
    %dma_wait3A_52 = arith.constant 0 : i32
    %dma_wait3A_53 = arith.constant 0 : i32
    %dma_wait3A_54 = tpu.memref_slice %arg4[%dma_wait3A_51, %dma_wait3A_52, %dma_wait3A_53] : memref<32x128x80xi32, #tpu.memory_space<hbm>> -> memref<1x1x80xi32, #tpu.memory_space<hbm>>
    %dma_wait3A_55 = tpu.memref_squeeze %dma_wait3A_54 : memref<1x1x80xi32, #tpu.memory_space<hbm>> -> memref<80xi32, #tpu.memory_space<hbm>>
    %dma_wait3A_56 = arith.constant 0 : i32
    %dma_wait3A_57 = tpu.memref_slice %arg4[%dma_wait3A_51, %dma_wait3A_52, %dma_wait3A_56] : memref<32x128x80xi32, #tpu.memory_space<hbm>> -> memref<1x1x80xi32, #tpu.memory_space<hbm>>
    %dma_wait3A_58 = tpu.memref_squeeze %dma_wait3A_57 : memref<1x1x80xi32, #tpu.memory_space<hbm>> -> memref<80xi32, #tpu.memory_space<hbm>>
    tpu.wait_dma2 semaphore(%arg44 : memref<!tpu.dma_semaphore, #tpu.memory_space<semaphore_mem>>) src(%dma_wait3A_58 : memref<80xi32, #tpu.memory_space<hbm>>) dst(%arg13 : memref<80xi32, #tpu.memory_space<vmem>>)
    %dma_start3A_59 = arith.constant 0 : i32
    %dma_start3A_60 = arith.constant 0 : i32
    %dma_start3A_61 = tpu.memref_slice %arg2[%dma_start3A_59, %dma_start3A_60] : memref<10000x128xf32, #tpu.memory_space<hbm>> -> memref<10000x128xf32, #tpu.memory_space<hbm>>
    tpu.enqueue_indirect_dma source(%dma_start3A_61 : memref<10000x128xf32, #tpu.memory_space<hbm>>) target(%arg33 : memref<80x128xf32, #tpu.memory_space<vmem>>) offsets(%arg9 : memref<80xi32, #tpu.memory_space<vmem>>) semaphore(%arg48 : memref<!tpu.dma_semaphore, #tpu.memory_space<semaphore_mem>>)
    %dma_start3A_62 = arith.constant 0 : i32
    %dma_start3A_63 = tpu.memref_slice %arg5[%dma_start3A_62] : memref<10000xf32, #tpu.memory_space<hbm>> -> memref<10000xf32, #tpu.memory_space<hbm>>
    tpu.enqueue_indirect_dma source(%dma_start3A_63 : memref<10000xf32, #tpu.memory_space<hbm>>) target(%arg21 : memref<80xf32, #tpu.memory_space<vmem>>) offsets(%arg9 : memref<80xi32, #tpu.memory_space<vmem>>) semaphore(%arg52 : memref<!tpu.dma_semaphore, #tpu.memory_space<semaphore_mem>>)
    %dma_start3A_64 = arith.constant 0 : i32
    %dma_start3A_65 = tpu.memref_slice %arg6[%dma_start3A_64] : memref<10240xf32, #tpu.memory_space<hbm>> -> memref<10240xf32, #tpu.memory_space<hbm>>
    tpu.enqueue_indirect_dma source(%dma_start3A_65 : memref<10240xf32, #tpu.memory_space<hbm>>) target(%arg25 : memref<80xf32, #tpu.memory_space<vmem>>) offsets(%arg13 : memref<80xi32, #tpu.memory_space<vmem>>) semaphore(%arg56 : memref<!tpu.dma_semaphore, #tpu.memory_space<semaphore_mem>>)
    %dma_wait3A_66 = arith.constant 0 : i32
    %dma_wait3A_67 = arith.constant 0 : i32
    %dma_wait3A_68 = arith.constant 0 : i32
    %dma_wait3A_69 = tpu.memref_slice %arg3[%dma_wait3A_66, %dma_wait3A_67, %dma_wait3A_68] : memref<32x128x80xi32, #tpu.memory_space<hbm>> -> memref<1x1x80xi32, #tpu.memory_space<hbm>>
    %dma_wait3A_70 = tpu.memref_squeeze %dma_wait3A_69 : memref<1x1x80xi32, #tpu.memory_space<hbm>> -> memref<80xi32, #tpu.memory_space<hbm>>
    %dma_wait3A_71 = arith.constant 0 : i32
    %dma_wait3A_72 = tpu.memref_slice %arg3[%dma_wait3A_66, %dma_wait3A_67, %dma_wait3A_71] : memref<32x128x80xi32, #tpu.memory_space<hbm>> -> memref<1x1x80xi32, #tpu.memory_space<hbm>>
    %dma_wait3A_73 = tpu.memref_squeeze %dma_wait3A_72 : memref<1x1x80xi32, #tpu.memory_space<hbm>> -> memref<80xi32, #tpu.memory_space<hbm>>
    tpu.wait_dma2 semaphore(%arg41 : memref<!tpu.dma_semaphore, #tpu.memory_space<semaphore_mem>>) src(%dma_wait3A_73 : memref<80xi32, #tpu.memory_space<hbm>>) dst(%arg10 : memref<80xi32, #tpu.memory_space<vmem>>)
    %dma_wait3A_74 = arith.constant 0 : i32
    %dma_wait3A_75 = arith.constant 0 : i32
    %dma_wait3A_76 = arith.constant 0 : i32
    %dma_wait3A_77 = tpu.memref_slice %arg4[%dma_wait3A_74, %dma_wait3A_75, %dma_wait3A_76] : memref<32x128x80xi32, #tpu.memory_space<hbm>> -> memref<1x1x80xi32, #tpu.memory_space<hbm>>
    %dma_wait3A_78 = tpu.memref_squeeze %dma_wait3A_77 : memref<1x1x80xi32, #tpu.memory_space<hbm>> -> memref<80xi32, #tpu.memory_space<hbm>>
    %dma_wait3A_79 = arith.constant 0 : i32
    %dma_wait3A_80 = tpu.memref_slice %arg4[%dma_wait3A_74, %dma_wait3A_75, %dma_wait3A_79] : memref<32x128x80xi32, #tpu.memory_space<hbm>> -> memref<1x1x80xi32, #tpu.memory_space<hbm>>
    %dma_wait3A_81 = tpu.memref_squeeze %dma_wait3A_80 : memref<1x1x80xi32, #tpu.memory_space<hbm>> -> memref<80xi32, #tpu.memory_space<hbm>>
    tpu.wait_dma2 semaphore(%arg45 : memref<!tpu.dma_semaphore, #tpu.memory_space<semaphore_mem>>) src(%dma_wait3A_81 : memref<80xi32, #tpu.memory_space<hbm>>) dst(%arg14 : memref<80xi32, #tpu.memory_space<vmem>>)
    %dma_start3A_82 = arith.constant 0 : i32
    %dma_start3A_83 = arith.constant 0 : i32
    %dma_start3A_84 = tpu.memref_slice %arg2[%dma_start3A_82, %dma_start3A_83] : memref<10000x128xf32, #tpu.memory_space<hbm>> -> memref<10000x128xf32, #tpu.memory_space<hbm>>
    tpu.enqueue_indirect_dma source(%dma_start3A_84 : memref<10000x128xf32, #tpu.memory_space<hbm>>) target(%arg34 : memref<80x128xf32, #tpu.memory_space<vmem>>) offsets(%arg10 : memref<80xi32, #tpu.memory_space<vmem>>) semaphore(%arg49 : memref<!tpu.dma_semaphore, #tpu.memory_space<semaphore_mem>>)
    %dma_start3A_85 = arith.constant 0 : i32
    %dma_start3A_86 = tpu.memref_slice %arg5[%dma_start3A_85] : memref<10000xf32, #tpu.memory_space<hbm>> -> memref<10000xf32, #tpu.memory_space<hbm>>
    tpu.enqueue_indirect_dma source(%dma_start3A_86 : memref<10000xf32, #tpu.memory_space<hbm>>) target(%arg22 : memref<80xf32, #tpu.memory_space<vmem>>) offsets(%arg10 : memref<80xi32, #tpu.memory_space<vmem>>) semaphore(%arg53 : memref<!tpu.dma_semaphore, #tpu.memory_space<semaphore_mem>>)
    %dma_start3A_87 = arith.constant 0 : i32
    %dma_start3A_88 = tpu.memref_slice %arg6[%dma_start3A_87] : memref<10240xf32, #tpu.memory_space<hbm>> -> memref<10240xf32, #tpu.memory_space<hbm>>
    tpu.enqueue_indirect_dma source(%dma_start3A_88 : memref<10240xf32, #tpu.memory_space<hbm>>) target(%arg26 : memref<80xf32, #tpu.memory_space<vmem>>) offsets(%arg14 : memref<80xi32, #tpu.memory_space<vmem>>) semaphore(%arg57 : memref<!tpu.dma_semaphore, #tpu.memory_space<semaphore_mem>>)
    %broadcast_in_dim3A = arith.constant 0.000000e+00 : f32
    %broadcast_in_dim3A_89 = vector.broadcast %broadcast_in_dim3A : f32 to vector<16xf32>
    %scan3A = arith.constant 0 : i32
    %scan3A_90 = arith.constant 0 : i32
    %scan3A_91 = arith.constant 640 : i32
    %scan3A_92 = arith.addi %scan3A_90, %scan3A_91 : i32
    %scan3A_93 = arith.constant 1 : i32
    scf.for %scan3A_140 = %scan3A_90 to %scan3A_92 step %scan3A_93  : i32 {
      %jit3A = arith.constant 8 : i32
      %div3A = arith.divsi %scan3A_140, %jit3A : i32
      %sign3A = arith.constant 0 : i32
      %sign3A_141 = arith.cmpi sgt, %scan3A_140, %sign3A : i32
      %sign3A_142 = arith.extui %sign3A_141 : i1 to i32
      %sign3A_143 = arith.constant 0 : i32
      %sign3A_144 = arith.cmpi slt, %scan3A_140, %sign3A_143 : i32
      %sign3A_145 = arith.extui %sign3A_144 : i1 to i32
      %sign3A_146 = arith.subi %sign3A_142, %sign3A_145 : i32
      %sign3A_147 = arith.constant 0 : i32
      %sign3A_148 = arith.cmpi sgt, %jit3A, %sign3A_147 : i32
      %sign3A_149 = arith.extui %sign3A_148 : i1 to i32
      %sign3A_150 = arith.constant 0 : i32
      %sign3A_151 = arith.cmpi slt, %jit3A, %sign3A_150 : i32
      %sign3A_152 = arith.extui %sign3A_151 : i1 to i32
      %sign3A_153 = arith.subi %sign3A_149, %sign3A_152 : i32
      %ne3A = arith.cmpi ne, %sign3A_146, %sign3A_153 : i32
      %rem3A = arith.remsi %scan3A_140, %jit3A : i32
      %ne3A_154 = arith.constant 0 : i32
      %ne3A_155 = arith.cmpi ne, %rem3A, %ne3A_154 : i32
      %and3A = arith.andi %ne3A, %ne3A_155 : i1
      %sub3A = arith.constant 1 : i32
      %sub3A_156 = arith.subi %div3A, %sub3A : i32
      %select_n3A = arith.select %and3A, %sub3A_156, %div3A : i32
      %jit3A_157 = arith.constant 8 : i32
      %eq3A_158 = arith.constant 0 : i32
      %eq3A_159 = arith.cmpi eq, %jit3A_157, %eq3A_158 : i32
      %jit3A_160 = arith.constant 1 : i32
      %select_n3A_161 = arith.select %eq3A_159, %jit3A_160, %jit3A_157 : i32
      %rem3A_162 = arith.remsi %scan3A_140, %select_n3A_161 : i32
      %ne3A_163 = arith.constant 0 : i32
      %ne3A_164 = arith.cmpi ne, %rem3A_162, %ne3A_163 : i32
      %lt3A_165 = arith.constant 0 : i32
      %lt3A_166 = arith.cmpi slt, %rem3A_162, %lt3A_165 : i32
      %lt3A_167 = arith.constant 0 : i32
      %lt3A_168 = arith.cmpi slt, %select_n3A_161, %lt3A_167 : i32
      %ne3A_169 = arith.xori %lt3A_166, %lt3A_168 : i1
      %and3A_170 = arith.andi %ne3A_169, %ne3A_164 : i1
      %add3A_171 = arith.addi %rem3A_162, %select_n3A_161 : i32
      %select_n3A_172 = arith.select %and3A_170, %add3A_171, %rem3A_162 : i32
      %mul3A_173 = arith.constant 16 : i32
      %mul3A_174 = arith.muli %select_n3A_172, %mul3A_173 : i32
      %swap3A = arith.index_cast %select_n3A : i32 to index
      %swap3A_175 = arith.index_cast %mul3A_174 : i32 to index
      %swap3A_176 = tpu.vector_load %arg36[%swap3A, %swap3A_175] {strides = array<i32>} : memref<80x128xf32, #tpu.memory_space<vmem>>, vector<16xf32>,
      tpu.vector_store %arg36[%swap3A, %swap3A_175], %broadcast_in_dim3A_89 {strides = array<i32>} : memref<80x128xf32, #tpu.memory_space<vmem>>, vector<16xf32>,
    }
    %scan3A_94 = arith.constant 640 : i32
    %scan3A_95 = arith.constant 0 : i32
    %scan3A_96 = arith.constant 0 : i32
    %scan3A_97 = arith.constant 40 : i32
    %scan3A_98 = arith.addi %scan3A_96, %scan3A_97 : i32
    %scan3A_99 = arith.constant 1 : i32
    scf.for %scan3A_140 = %scan3A_96 to %scan3A_98 step %scan3A_99  : i32 {
      %mul3A_141 = arith.constant 16 : i32
      %mul3A_142 = arith.muli %scan3A_140, %mul3A_141 : i32
      %swap3A = arith.index_cast %mul3A_142 : i32 to index
      %swap3A_143 = tpu.vector_load %arg37[%swap3A] {strides = array<i32>} : memref<640xf32, #tpu.memory_space<vmem>>, vector<16xf32>,
      tpu.vector_store %arg37[%swap3A], %broadcast_in_dim3A_89 {strides = array<i32>} : memref<640xf32, #tpu.memory_space<vmem>>, vector<16xf32>,
    }
    %scan3A_100 = arith.constant 40 : i32
    "tpu.region"() ({
      %run_scoped3A = tpu.sem_alloc : memref<!tpu.dma_semaphore, #tpu.memory_space<semaphore_mem>>
      %dma_start3A_140 = tpu.memref_slice %arg39[%mul3A_2] : memref<10240xf32, #tpu.memory_space<vmem_shared>> -> memref<640xf32, #tpu.memory_space<vmem_shared>>
      %dma_start3A_141 = tpu.memref_slice %arg39[%mul3A_2] : memref<10240xf32, #tpu.memory_space<vmem_shared>> -> memref<640xf32, #tpu.memory_space<vmem_shared>>
      tpu.enqueue_dma source(%arg37 : memref<640xf32, #tpu.memory_space<vmem>>) target(%dma_start3A_141 : memref<640xf32, #tpu.memory_space<vmem_shared>>) target_semaphore(%run_scoped3A : memref<!tpu.dma_semaphore, #tpu.memory_space<semaphore_mem>>)
      %dma_wait3A_142 = tpu.memref_slice %arg39[%mul3A_2] : memref<10240xf32, #tpu.memory_space<vmem_shared>> -> memref<640xf32, #tpu.memory_space<vmem_shared>>
      %dma_wait3A_143 = tpu.memref_slice %arg39[%mul3A_2] : memref<10240xf32, #tpu.memory_space<vmem_shared>> -> memref<640xf32, #tpu.memory_space<vmem_shared>>
      tpu.wait_dma2 semaphore(%run_scoped3A : memref<!tpu.dma_semaphore, #tpu.memory_space<semaphore_mem>>) src(%arg37 : memref<640xf32, #tpu.memory_space<vmem>>) dst(%dma_wait3A_143 : memref<640xf32, #tpu.memory_space<vmem_shared>>)
      tpu.yield
    }) : () -> ()
    %add3A_101 = arith.constant 0 : i32
    %add3A_102 = arith.addi %mul3A_2, %add3A_101 : i32
    "tpu.region"() ({
      %run_scoped3A = tpu.sem_alloc : memref<!tpu.dma_semaphore, #tpu.memory_space<semaphore_mem>>
      %dma_start3A_140 = arith.constant 0 : i32
      %dma_start3A_141 = tpu.memref_slice %arg38[%add3A_102, %dma_start3A_140] : memref<10240x128xf32, #tpu.memory_space<vmem_shared>> -> memref<80x128xf32, #tpu.memory_space<vmem_shared>>
      %dma_start3A_142 = arith.constant 0 : i32
      %dma_start3A_143 = tpu.memref_slice %arg38[%add3A_102, %dma_start3A_142] : memref<10240x128xf32, #tpu.memory_space<vmem_shared>> -> memref<80x128xf32, #tpu.memory_space<vmem_shared>>
      tpu.enqueue_dma source(%arg36 : memref<80x128xf32, #tpu.memory_space<vmem>>) target(%dma_start3A_143 : memref<80x128xf32, #tpu.memory_space<vmem_shared>>) target_semaphore(%run_scoped3A : memref<!tpu.dma_semaphore, #tpu.memory_space<semaphore_mem>>)
      %dma_wait3A_144 = arith.constant 0 : i32
      %dma_wait3A_145 = tpu.memref_slice %arg38[%add3A_102, %dma_wait3A_144] : memref<10240x128xf32, #tpu.memory_space<vmem_shared>> -> memref<80x128xf32, #tpu.memory_space<vmem_shared>>
      %dma_wait3A_146 = arith.constant 0 : i32
      %dma_wait3A_147 = tpu.memref_slice %arg38[%add3A_102, %dma_wait3A_146] : memref<10240x128xf32, #tpu.memory_space<vmem_shared>> -> memref<80x128xf32, #tpu.memory_space<vmem_shared>>
      tpu.wait_dma2 semaphore(%run_scoped3A : memref<!tpu.dma_semaphore, #tpu.memory_space<semaphore_mem>>) src(%arg36 : memref<80x128xf32, #tpu.memory_space<vmem>>) dst(%dma_wait3A_147 : memref<80x128xf32, #tpu.memory_space<vmem_shared>>)
      tpu.yield
    }) : () -> ()
    %add3A_103 = arith.constant 80 : i32
    %add3A_104 = arith.addi %mul3A_2, %add3A_103 : i32
    "tpu.region"() ({
      %run_scoped3A = tpu.sem_alloc : memref<!tpu.dma_semaphore, #tpu.memory_space<semaphore_mem>>
      %dma_start3A_140 = arith.constant 0 : i32
      %dma_start3A_141 = tpu.memref_slice %arg38[%add3A_104, %dma_start3A_140] : memref<10240x128xf32, #tpu.memory_space<vmem_shared>> -> memref<80x128xf32, #tpu.memory_space<vmem_shared>>
      %dma_start3A_142 = arith.constant 0 : i32
      %dma_start3A_143 = tpu.memref_slice %arg38[%add3A_104, %dma_start3A_142] : memref<10240x128xf32, #tpu.memory_space<vmem_shared>> -> memref<80x128xf32, #tpu.memory_space<vmem_shared>>
      tpu.enqueue_dma source(%arg36 : memref<80x128xf32, #tpu.memory_space<vmem>>) target(%dma_start3A_143 : memref<80x128xf32, #tpu.memory_space<vmem_shared>>) target_semaphore(%run_scoped3A : memref<!tpu.dma_semaphore, #tpu.memory_space<semaphore_mem>>)
      %dma_wait3A_144 = arith.constant 0 : i32
      %dma_wait3A_145 = tpu.memref_slice %arg38[%add3A_104, %dma_wait3A_144] : memref<10240x128xf32, #tpu.memory_space<vmem_shared>> -> memref<80x128xf32, #tpu.memory_space<vmem_shared>>
      %dma_wait3A_146 = arith.constant 0 : i32
      %dma_wait3A_147 = tpu.memref_slice %arg38[%add3A_104, %dma_wait3A_146] : memref<10240x128xf32, #tpu.memory_space<vmem_shared>> -> memref<80x128xf32, #tpu.memory_space<vmem_shared>>
      tpu.wait_dma2 semaphore(%run_scoped3A : memref<!tpu.dma_semaphore, #tpu.memory_space<semaphore_mem>>) src(%arg36 : memref<80x128xf32, #tpu.memory_space<vmem>>) dst(%dma_wait3A_147 : memref<80x128xf32, #tpu.memory_space<vmem_shared>>)
      tpu.yield
    }) : () -> ()
    %add3A_105 = arith.constant 160 : i32
    %add3A_106 = arith.addi %mul3A_2, %add3A_105 : i32
    "tpu.region"() ({
      %run_scoped3A = tpu.sem_alloc : memref<!tpu.dma_semaphore, #tpu.memory_space<semaphore_mem>>
      %dma_start3A_140 = arith.constant 0 : i32
      %dma_start3A_141 = tpu.memref_slice %arg38[%add3A_106, %dma_start3A_140] : memref<10240x128xf32, #tpu.memory_space<vmem_shared>> -> memref<80x128xf32, #tpu.memory_space<vmem_shared>>
      %dma_start3A_142 = arith.constant 0 : i32
      %dma_start3A_143 = tpu.memref_slice %arg38[%add3A_106, %dma_start3A_142] : memref<10240x128xf32, #tpu.memory_space<vmem_shared>> -> memref<80x128xf32, #tpu.memory_space<vmem_shared>>
      tpu.enqueue_dma source(%arg36 : memref<80x128xf32, #tpu.memory_space<vmem>>) target(%dma_start3A_143 : memref<80x128xf32, #tpu.memory_space<vmem_shared>>) target_semaphore(%run_scoped3A : memref<!tpu.dma_semaphore, #tpu.memory_space<semaphore_mem>>)
      %dma_wait3A_144 = arith.constant 0 : i32
      %dma_wait3A_145 = tpu.memref_slice %arg38[%add3A_106, %dma_wait3A_144] : memref<10240x128xf32, #tpu.memory_space<vmem_shared>> -> memref<80x128xf32, #tpu.memory_space<vmem_shared>>
      %dma_wait3A_146 = arith.constant 0 : i32
      %dma_wait3A_147 = tpu.memref_slice %arg38[%add3A_106, %dma_wait3A_146] : memref<10240x128xf32, #tpu.memory_space<vmem_shared>> -> memref<80x128xf32, #tpu.memory_space<vmem_shared>>
      tpu.wait_dma2 semaphore(%run_scoped3A : memref<!tpu.dma_semaphore, #tpu.memory_space<semaphore_mem>>) src(%arg36 : memref<80x128xf32, #tpu.memory_space<vmem>>) dst(%dma_wait3A_147 : memref<80x128xf32, #tpu.memory_space<vmem_shared>>)
      tpu.yield
    }) : () -> ()
    %add3A_107 = arith.constant 240 : i32
    %add3A_108 = arith.addi %mul3A_2, %add3A_107 : i32
    "tpu.region"() ({
      %run_scoped3A = tpu.sem_alloc : memref<!tpu.dma_semaphore, #tpu.memory_space<semaphore_mem>>
      %dma_start3A_140 = arith.constant 0 : i32
      %dma_start3A_141 = tpu.memref_slice %arg38[%add3A_108, %dma_start3A_140] : memref<10240x128xf32, #tpu.memory_space<vmem_shared>> -> memref<80x128xf32, #tpu.memory_space<vmem_shared>>
      %dma_start3A_142 = arith.constant 0 : i32
      %dma_start3A_143 = tpu.memref_slice %arg38[%add3A_108, %dma_start3A_142] : memref<10240x128xf32, #tpu.memory_space<vmem_shared>> -> memref<80x128xf32, #tpu.memory_space<vmem_shared>>
      tpu.enqueue_dma source(%arg36 : memref<80x128xf32, #tpu.memory_space<vmem>>) target(%dma_start3A_143 : memref<80x128xf32, #tpu.memory_space<vmem_shared>>) target_semaphore(%run_scoped3A : memref<!tpu.dma_semaphore, #tpu.memory_space<semaphore_mem>>)
      %dma_wait3A_144 = arith.constant 0 : i32
      %dma_wait3A_145 = tpu.memref_slice %arg38[%add3A_108, %dma_wait3A_144] : memref<10240x128xf32, #tpu.memory_space<vmem_shared>> -> memref<80x128xf32, #tpu.memory_space<vmem_shared>>
      %dma_wait3A_146 = arith.constant 0 : i32
      %dma_wait3A_147 = tpu.memref_slice %arg38[%add3A_108, %dma_wait3A_146] : memref<10240x128xf32, #tpu.memory_space<vmem_shared>> -> memref<80x128xf32, #tpu.memory_space<vmem_shared>>
      tpu.wait_dma2 semaphore(%run_scoped3A : memref<!tpu.dma_semaphore, #tpu.memory_space<semaphore_mem>>) src(%arg36 : memref<80x128xf32, #tpu.memory_space<vmem>>) dst(%dma_wait3A_147 : memref<80x128xf32, #tpu.memory_space<vmem_shared>>)
      tpu.yield
    }) : () -> ()
    %add3A_109 = arith.constant 320 : i32
    %add3A_110 = arith.addi %mul3A_2, %add3A_109 : i32
    "tpu.region"() ({
      %run_scoped3A = tpu.sem_alloc : memref<!tpu.dma_semaphore, #tpu.memory_space<semaphore_mem>>
      %dma_start3A_140 = arith.constant 0 : i32
      %dma_start3A_141 = tpu.memref_slice %arg38[%add3A_110, %dma_start3A_140] : memref<10240x128xf32, #tpu.memory_space<vmem_shared>> -> memref<80x128xf32, #tpu.memory_space<vmem_shared>>
      %dma_start3A_142 = arith.constant 0 : i32
      %dma_start3A_143 = tpu.memref_slice %arg38[%add3A_110, %dma_start3A_142] : memref<10240x128xf32, #tpu.memory_space<vmem_shared>> -> memref<80x128xf32, #tpu.memory_space<vmem_shared>>
      tpu.enqueue_dma source(%arg36 : memref<80x128xf32, #tpu.memory_space<vmem>>) target(%dma_start3A_143 : memref<80x128xf32, #tpu.memory_space<vmem_shared>>) target_semaphore(%run_scoped3A : memref<!tpu.dma_semaphore, #tpu.memory_space<semaphore_mem>>)
      %dma_wait3A_144 = arith.constant 0 : i32
      %dma_wait3A_145 = tpu.memref_slice %arg38[%add3A_110, %dma_wait3A_144] : memref<10240x128xf32, #tpu.memory_space<vmem_shared>> -> memref<80x128xf32, #tpu.memory_space<vmem_shared>>
      %dma_wait3A_146 = arith.constant 0 : i32
      %dma_wait3A_147 = tpu.memref_slice %arg38[%add3A_110, %dma_wait3A_146] : memref<10240x128xf32, #tpu.memory_space<vmem_shared>> -> memref<80x128xf32, #tpu.memory_space<vmem_shared>>
      tpu.wait_dma2 semaphore(%run_scoped3A : memref<!tpu.dma_semaphore, #tpu.memory_space<semaphore_mem>>) src(%arg36 : memref<80x128xf32, #tpu.memory_space<vmem>>) dst(%dma_wait3A_147 : memref<80x128xf32, #tpu.memory_space<vmem_shared>>)
      tpu.yield
    }) : () -> ()
    %add3A_111 = arith.constant 400 : i32
    %add3A_112 = arith.addi %mul3A_2, %add3A_111 : i32
    "tpu.region"() ({
      %run_scoped3A = tpu.sem_alloc : memref<!tpu.dma_semaphore, #tpu.memory_space<semaphore_mem>>
      %dma_start3A_140 = arith.constant 0 : i32
      %dma_start3A_141 = tpu.memref_slice %arg38[%add3A_112, %dma_start3A_140] : memref<10240x128xf32, #tpu.memory_space<vmem_shared>> -> memref<80x128xf32, #tpu.memory_space<vmem_shared>>
      %dma_start3A_142 = arith.constant 0 : i32
      %dma_start3A_143 = tpu.memref_slice %arg38[%add3A_112, %dma_start3A_142] : memref<10240x128xf32, #tpu.memory_space<vmem_shared>> -> memref<80x128xf32, #tpu.memory_space<vmem_shared>>
      tpu.enqueue_dma source(%arg36 : memref<80x128xf32, #tpu.memory_space<vmem>>) target(%dma_start3A_143 : memref<80x128xf32, #tpu.memory_space<vmem_shared>>) target_semaphore(%run_scoped3A : memref<!tpu.dma_semaphore, #tpu.memory_space<semaphore_mem>>)
      %dma_wait3A_144 = arith.constant 0 : i32
      %dma_wait3A_145 = tpu.memref_slice %arg38[%add3A_112, %dma_wait3A_144] : memref<10240x128xf32, #tpu.memory_space<vmem_shared>> -> memref<80x128xf32, #tpu.memory_space<vmem_shared>>
      %dma_wait3A_146 = arith.constant 0 : i32
      %dma_wait3A_147 = tpu.memref_slice %arg38[%add3A_112, %dma_wait3A_146] : memref<10240x128xf32, #tpu.memory_space<vmem_shared>> -> memref<80x128xf32, #tpu.memory_space<vmem_shared>>
      tpu.wait_dma2 semaphore(%run_scoped3A : memref<!tpu.dma_semaphore, #tpu.memory_space<semaphore_mem>>) src(%arg36 : memref<80x128xf32, #tpu.memory_space<vmem>>) dst(%dma_wait3A_147 : memref<80x128xf32, #tpu.memory_space<vmem_shared>>)
      tpu.yield
    }) : () -> ()
    %add3A_113 = arith.constant 480 : i32
    %add3A_114 = arith.addi %mul3A_2, %add3A_113 : i32
    "tpu.region"() ({
      %run_scoped3A = tpu.sem_alloc : memref<!tpu.dma_semaphore, #tpu.memory_space<semaphore_mem>>
      %dma_start3A_140 = arith.constant 0 : i32
      %dma_start3A_141 = tpu.memref_slice %arg38[%add3A_114, %dma_start3A_140] : memref<10240x128xf32, #tpu.memory_space<vmem_shared>> -> memref<80x128xf32, #tpu.memory_space<vmem_shared>>
      %dma_start3A_142 = arith.constant 0 : i32
      %dma_start3A_143 = tpu.memref_slice %arg38[%add3A_114, %dma_start3A_142] : memref<10240x128xf32, #tpu.memory_space<vmem_shared>> -> memref<80x128xf32, #tpu.memory_space<vmem_shared>>
      tpu.enqueue_dma source(%arg36 : memref<80x128xf32, #tpu.memory_space<vmem>>) target(%dma_start3A_143 : memref<80x128xf32, #tpu.memory_space<vmem_shared>>) target_semaphore(%run_scoped3A : memref<!tpu.dma_semaphore, #tpu.memory_space<semaphore_mem>>)
      %dma_wait3A_144 = arith.constant 0 : i32
      %dma_wait3A_145 = tpu.memref_slice %arg38[%add3A_114, %dma_wait3A_144] : memref<10240x128xf32, #tpu.memory_space<vmem_shared>> -> memref<80x128xf32, #tpu.memory_space<vmem_shared>>
      %dma_wait3A_146 = arith.constant 0 : i32
      %dma_wait3A_147 = tpu.memref_slice %arg38[%add3A_114, %dma_wait3A_146] : memref<10240x128xf32, #tpu.memory_space<vmem_shared>> -> memref<80x128xf32, #tpu.memory_space<vmem_shared>>
      tpu.wait_dma2 semaphore(%run_scoped3A : memref<!tpu.dma_semaphore, #tpu.memory_space<semaphore_mem>>) src(%arg36 : memref<80x128xf32, #tpu.memory_space<vmem>>) dst(%dma_wait3A_147 : memref<80x128xf32, #tpu.memory_space<vmem_shared>>)
      tpu.yield
    }) : () -> ()
    %add3A_115 = arith.constant 560 : i32
    %add3A_116 = arith.addi %mul3A_2, %add3A_115 : i32
    "tpu.region"() ({
      %run_scoped3A = tpu.sem_alloc : memref<!tpu.dma_semaphore, #tpu.memory_space<semaphore_mem>>
      %dma_start3A_140 = arith.constant 0 : i32
      %dma_start3A_141 = tpu.memref_slice %arg38[%add3A_116, %dma_start3A_140] : memref<10240x128xf32, #tpu.memory_space<vmem_shared>> -> memref<80x128xf32, #tpu.memory_space<vmem_shared>>
      %dma_start3A_142 = arith.constant 0 : i32
      %dma_start3A_143 = tpu.memref_slice %arg38[%add3A_116, %dma_start3A_142] : memref<10240x128xf32, #tpu.memory_space<vmem_shared>> -> memref<80x128xf32, #tpu.memory_space<vmem_shared>>
      tpu.enqueue_dma source(%arg36 : memref<80x128xf32, #tpu.memory_space<vmem>>) target(%dma_start3A_143 : memref<80x128xf32, #tpu.memory_space<vmem_shared>>) target_semaphore(%run_scoped3A : memref<!tpu.dma_semaphore, #tpu.memory_space<semaphore_mem>>)
      %dma_wait3A_144 = arith.constant 0 : i32
      %dma_wait3A_145 = tpu.memref_slice %arg38[%add3A_116, %dma_wait3A_144] : memref<10240x128xf32, #tpu.memory_space<vmem_shared>> -> memref<80x128xf32, #tpu.memory_space<vmem_shared>>
      %dma_wait3A_146 = arith.constant 0 : i32
      %dma_wait3A_147 = tpu.memref_slice %arg38[%add3A_116, %dma_wait3A_146] : memref<10240x128xf32, #tpu.memory_space<vmem_shared>> -> memref<80x128xf32, #tpu.memory_space<vmem_shared>>
      tpu.wait_dma2 semaphore(%run_scoped3A : memref<!tpu.dma_semaphore, #tpu.memory_space<semaphore_mem>>) src(%arg36 : memref<80x128xf32, #tpu.memory_space<vmem>>) dst(%dma_wait3A_147 : memref<80x128xf32, #tpu.memory_space<vmem_shared>>)
      tpu.yield
    }) : () -> ()
    %barrier3A = arith.constant 0 : index
    tpu.barrier barrier_id(%barrier3A)
    %scan3A_117 = arith.constant 0 : i32
    %scan3A_118 = arith.constant 0 : i32
    %scan3A_119 = arith.constant 32 : i32
    %scan3A_120 = arith.addi %scan3A_118, %scan3A_119 : i32
    %scan3A_121 = arith.constant 1 : i32
    scf.for %scan3A_140 = %scan3A_118 to %scan3A_120 step %scan3A_121  : i32 {
      %mul3A_141 = arith.constant 4 : i32
      %mul3A_142 = arith.muli %mul3A_141, %scan3A_140 : i32
      %add3A_143 = arith.constant 0 : i32
      %add3A_144 = arith.addi %mul3A_142, %add3A_143 : i32
      %ge3A = arith.constant 2 : i32
      %ge3A_145 = arith.cmpi sge, %add3A_144, %ge3A : i32
      %convert_element_type3A_146 = arith.extui %ge3A_145 : i1 to i32
      %cond3A_147 = arith.constant 0 : i32
      %cond3A_148 = arith.cmpi ne, %convert_element_type3A_146, %cond3A_147 : i32
      scf.if %cond3A_148 {
        %dma_wait3A_666 = arith.constant 0 : i32
        %dma_wait3A_667 = arith.constant 0 : i32
        %dma_wait3A_668 = tpu.memref_slice %arg38[%dma_wait3A_666, %dma_wait3A_667] : memref<10240x128xf32, #tpu.memory_space<vmem_shared>> -> memref<10240x128xf32, #tpu.memory_space<vmem_shared>>
        tpu.wait_indirect_dma semaphore(%arg62 : memref<!tpu.dma_semaphore, #tpu.memory_space<semaphore_mem>>) src(%arg35 : memref<80x128xf32, #tpu.memory_space<vmem>>) dst(%dma_wait3A_668 : memref<10240x128xf32, #tpu.memory_space<vmem_shared>>)
        %dma_wait3A_669 = arith.constant 0 : i32
        %dma_wait3A_670 = tpu.memref_slice %arg39[%dma_wait3A_669] : memref<10240xf32, #tpu.memory_space<vmem_shared>> -> memref<10240xf32, #tpu.memory_space<vmem_shared>>
        tpu.wait_indirect_dma semaphore(%arg66 : memref<!tpu.dma_semaphore, #tpu.memory_space<semaphore_mem>>) src(%arg31 : memref<80xf32, #tpu.memory_space<vmem>>) dst(%dma_wait3A_670 : memref<10240xf32, #tpu.memory_space<vmem_shared>>)
      } else {
      }
      %add3A_149 = arith.constant 2 : i32
      %add3A_150 = arith.addi %add3A_144, %add3A_149 : i32
      %le3A = arith.constant 127 : i32
      %le3A_151 = arith.cmpi sle, %add3A_150, %le3A : i32
      %convert_element_type3A_152 = arith.extui %le3A_151 : i1 to i32
      %cond3A_153 = arith.constant 0 : i32
      %cond3A_154 = arith.cmpi ne, %convert_element_type3A_152, %cond3A_153 : i32
      scf.if %cond3A_154 {
        %dma_wait3A_666 = arith.constant 0 : i32
        %dma_wait3A_667 = arith.constant 0 : i32
        %dma_wait3A_668 = arith.constant 0 : i32
        %dma_wait3A_669 = tpu.memref_slice %arg3[%dma_wait3A_666, %dma_wait3A_667, %dma_wait3A_668] : memref<32x128x80xi32, #tpu.memory_space<hbm>> -> memref<1x1x80xi32, #tpu.memory_space<hbm>>
        %dma_wait3A_670 = tpu.memref_squeeze %dma_wait3A_669 : memref<1x1x80xi32, #tpu.memory_space<hbm>> -> memref<80xi32, #tpu.memory_space<hbm>>
        %dma_wait3A_671 = arith.constant 0 : i32
        %dma_wait3A_672 = tpu.memref_slice %arg3[%dma_wait3A_666, %dma_wait3A_667, %dma_wait3A_671] : memref<32x128x80xi32, #tpu.memory_space<hbm>> -> memref<1x1x80xi32, #tpu.memory_space<hbm>>
        %dma_wait3A_673 = tpu.memref_squeeze %dma_wait3A_672 : memref<1x1x80xi32, #tpu.memory_space<hbm>> -> memref<80xi32, #tpu.memory_space<hbm>>
        tpu.wait_dma2 semaphore(%arg42 : memref<!tpu.dma_semaphore, #tpu.memory_space<semaphore_mem>>) src(%dma_wait3A_673 : memref<80xi32, #tpu.memory_space<hbm>>) dst(%arg11 : memref<80xi32, #tpu.memory_space<vmem>>)
        %dma_wait3A_674 = arith.constant 0 : i32
        %dma_wait3A_675 = arith.constant 0 : i32
        %dma_wait3A_676 = arith.constant 0 : i32
        %dma_wait3A_677 = tpu.memref_slice %arg4[%dma_wait3A_674, %dma_wait3A_675, %dma_wait3A_676] : memref<32x128x80xi32, #tpu.memory_space<hbm>> -> memref<1x1x80xi32, #tpu.memory_space<hbm>>
        %dma_wait3A_678 = tpu.memref_squeeze %dma_wait3A_677 : memref<1x1x80xi32, #tpu.memory_space<hbm>> -> memref<80xi32, #tpu.memory_space<hbm>>
        %dma_wait3A_679 = arith.constant 0 : i32
        %dma_wait3A_680 = tpu.memref_slice %arg4[%dma_wait3A_674, %dma_wait3A_675, %dma_wait3A_679] : memref<32x128x80xi32, #tpu.memory_space<hbm>> -> memref<1x1x80xi32, #tpu.memory_space<hbm>>
        %dma_wait3A_681 = tpu.memref_squeeze %dma_wait3A_680 : memref<1x1x80xi32, #tpu.memory_space<hbm>> -> memref<80xi32, #tpu.memory_space<hbm>>
        tpu.wait_dma2 semaphore(%arg46 : memref<!tpu.dma_semaphore, #tpu.memory_space<semaphore_mem>>) src(%dma_wait3A_681 : memref<80xi32, #tpu.memory_space<hbm>>) dst(%arg15 : memref<80xi32, #tpu.memory_space<vmem>>)
        %dma_start3A_682 = arith.constant 0 : i32
        %dma_start3A_683 = arith.constant 0 : i32
        %dma_start3A_684 = tpu.memref_slice %arg2[%dma_start3A_682, %dma_start3A_683] : memref<10000x128xf32, #tpu.memory_space<hbm>> -> memref<10000x128xf32, #tpu.memory_space<hbm>>
        tpu.enqueue_indirect_dma source(%dma_start3A_684 : memref<10000x128xf32, #tpu.memory_space<hbm>>) target(%arg35 : memref<80x128xf32, #tpu.memory_space<vmem>>) offsets(%arg11 : memref<80xi32, #tpu.memory_space<vmem>>) semaphore(%arg50 : memref<!tpu.dma_semaphore, #tpu.memory_space<semaphore_mem>>)
        %dma_start3A_685 = arith.constant 0 : i32
        %dma_start3A_686 = tpu.memref_slice %arg5[%dma_start3A_685] : memref<10000xf32, #tpu.memory_space<hbm>> -> memref<10000xf32, #tpu.memory_space<hbm>>
        tpu.enqueue_indirect_dma source(%dma_start3A_686 : memref<10000xf32, #tpu.memory_space<hbm>>) target(%arg23 : memref<80xf32, #tpu.memory_space<vmem>>) offsets(%arg11 : memref<80xi32, #tpu.memory_space<vmem>>) semaphore(%arg54 : memref<!tpu.dma_semaphore, #tpu.memory_space<semaphore_mem>>)
        %dma_start3A_687 = arith.constant 0 : i32
        %dma_start3A_688 = tpu.memref_slice %arg6[%dma_start3A_687] : memref<10240xf32, #tpu.memory_space<hbm>> -> memref<10240xf32, #tpu.memory_space<hbm>>
        tpu.enqueue_indirect_dma source(%dma_start3A_688 : memref<10240xf32, #tpu.memory_space<hbm>>) target(%arg27 : memref<80xf32, #tpu.memory_space<vmem>>) offsets(%arg15 : memref<80xi32, #tpu.memory_space<vmem>>) semaphore(%arg58 : memref<!tpu.dma_semaphore, #tpu.memory_space<semaphore_mem>>)
      } else {
      }
      %add3A_155 = arith.constant 3 : i32
      %add3A_156 = arith.addi %add3A_144, %add3A_155 : i32
      %le3A_157 = arith.constant 127 : i32
      %le3A_158 = arith.cmpi sle, %add3A_156, %le3A_157 : i32
      %convert_element_type3A_159 = arith.extui %le3A_158 : i1 to i32
      %cond3A_160 = arith.constant 0 : i32
      %cond3A_161 = arith.cmpi ne, %convert_element_type3A_159, %cond3A_160 : i32
      scf.if %cond3A_161 {
        %add3A_666 = arith.constant 3 : i32
        %add3A_667 = arith.addi %add3A_144, %add3A_666 : i32
        %dma_start3A_668 = arith.constant 0 : i32
        %dma_start3A_669 = tpu.memref_slice %arg3[%add3A, %add3A_667, %dma_start3A_668] : memref<32x128x80xi32, #tpu.memory_space<hbm>> -> memref<1x1x80xi32, #tpu.memory_space<hbm>>
        %dma_start3A_670 = tpu.memref_squeeze %dma_start3A_669 : memref<1x1x80xi32, #tpu.memory_space<hbm>> -> memref<80xi32, #tpu.memory_space<hbm>>
        %dma_start3A_671 = arith.constant 0 : i32
        %dma_start3A_672 = tpu.memref_slice %arg3[%add3A, %add3A_667, %dma_start3A_671] : memref<32x128x80xi32, #tpu.memory_space<hbm>> -> memref<1x1x80xi32, #tpu.memory_space<hbm>>
        %dma_start3A_673 = tpu.memref_squeeze %dma_start3A_672 : memref<1x1x80xi32, #tpu.memory_space<hbm>> -> memref<80xi32, #tpu.memory_space<hbm>>
        tpu.enqueue_dma source(%dma_start3A_673 : memref<80xi32, #tpu.memory_space<hbm>>) target(%arg12 : memref<80xi32, #tpu.memory_space<vmem>>) target_semaphore(%arg43 : memref<!tpu.dma_semaphore, #tpu.memory_space<semaphore_mem>>)
        %dma_start3A_674 = arith.constant 0 : i32
        %dma_start3A_675 = tpu.memref_slice %arg4[%add3A, %add3A_667, %dma_start3A_674] : memref<32x128x80xi32, #tpu.memory_space<hbm>> -> memref<1x1x80xi32, #tpu.memory_space<hbm>>
        %dma_start3A_676 = tpu.memref_squeeze %dma_start3A_675 : memref<1x1x80xi32, #tpu.memory_space<hbm>> -> memref<80xi32, #tpu.memory_space<hbm>>
        %dma_start3A_677 = arith.constant 0 : i32
        %dma_start3A_678 = tpu.memref_slice %arg4[%add3A, %add3A_667, %dma_start3A_677] : memref<32x128x80xi32, #tpu.memory_space<hbm>> -> memref<1x1x80xi32, #tpu.memory_space<hbm>>
        %dma_start3A_679 = tpu.memref_squeeze %dma_start3A_678 : memref<1x1x80xi32, #tpu.memory_space<hbm>> -> memref<80xi32, #tpu.memory_space<hbm>>
        tpu.enqueue_dma source(%dma_start3A_679 : memref<80xi32, #tpu.memory_space<hbm>>) target(%arg16 : memref<80xi32, #tpu.memory_space<vmem>>) target_semaphore(%arg47 : memref<!tpu.dma_semaphore, #tpu.memory_space<semaphore_mem>>)
      } else {
      }
      %dma_wait3A_162 = arith.constant 0 : i32
      %dma_wait3A_163 = tpu.memref_slice %arg5[%dma_wait3A_162] : memref<10000xf32, #tpu.memory_space<hbm>> -> memref<10000xf32, #tpu.memory_space<hbm>>
      tpu.wait_indirect_dma semaphore(%arg52 : memref<!tpu.dma_semaphore, #tpu.memory_space<semaphore_mem>>) src(%dma_wait3A_163 : memref<10000xf32, #tpu.memory_space<hbm>>) dst(%arg21 : memref<80xf32, #tpu.memory_space<vmem>>)
      %dma_wait3A_164 = arith.constant 0 : i32
      %dma_wait3A_165 = tpu.memref_slice %arg6[%dma_wait3A_164] : memref<10240xf32, #tpu.memory_space<hbm>> -> memref<10240xf32, #tpu.memory_space<hbm>>
      tpu.wait_indirect_dma semaphore(%arg56 : memref<!tpu.dma_semaphore, #tpu.memory_space<semaphore_mem>>) src(%dma_wait3A_165 : memref<10240xf32, #tpu.memory_space<hbm>>) dst(%arg25 : memref<80xf32, #tpu.memory_space<vmem>>)
      %dma_wait3A_166 = arith.constant 0 : i32
      %dma_wait3A_167 = arith.constant 0 : i32
      %dma_wait3A_168 = tpu.memref_slice %arg2[%dma_wait3A_166, %dma_wait3A_167] : memref<10000x128xf32, #tpu.memory_space<hbm>> -> memref<10000x128xf32, #tpu.memory_space<hbm>>
      tpu.wait_indirect_dma semaphore(%arg48 : memref<!tpu.dma_semaphore, #tpu.memory_space<semaphore_mem>>) src(%dma_wait3A_168 : memref<10000x128xf32, #tpu.memory_space<hbm>>) dst(%arg33 : memref<80x128xf32, #tpu.memory_space<vmem>>)
      %get3A = arith.constant 0 : index
      %get3A_169 = tpu.vector_load %arg13[%get3A] {strides = array<i32>} : memref<80xi32, #tpu.memory_space<vmem>>, vector<16xi32>,
      %swap3A = arith.constant 0 : index
      %swap3A_170 = tpu.vector_load %arg17[%swap3A] {strides = array<i32>} : memref<80xi32, #tpu.memory_space<vmem>>, vector<16xi32>,
      tpu.vector_store %arg17[%swap3A], %get3A_169 {strides = array<i32>} : memref<80xi32, #tpu.memory_space<vmem>>, vector<16xi32>,
      %get3A_171 = arith.constant 0 : index
      %get3A_172 = tpu.vector_load %arg21[%get3A_171] {strides = array<i32>} : memref<80xf32, #tpu.memory_space<vmem>>, vector<16xf32>,
      %get3A_173 = arith.constant 0 : index
      %get3A_174 = tpu.vector_load %arg25[%get3A_173] {strides = array<i32>} : memref<80xf32, #tpu.memory_space<vmem>>, vector<16xf32>,
      %add3A_175 = arith.addf %get3A_172, %get3A_174 : vector<16xf32>
      %ge3A_176 = arith.constant 0.000000e+00 : f32
      %ge3A_177 = vector.broadcast %ge3A_176 : f32 to vector<16xf32>
      %ge3A_178 = arith.cmpf oge, %add3A_175, %ge3A_177 : vector<16xf32>
      %mul3A_179 = arith.constant 0.00999999977 : f32
      %mul3A_180 = vector.broadcast %mul3A_179 : f32 to vector<16xf32>
      %mul3A_181 = arith.mulf %mul3A_180, %add3A_175 : vector<16xf32>
      %select_n3A = arith.select %ge3A_178, %add3A_175, %mul3A_181 : vector<16xi1>, vector<16xf32>
      %exp3A = math.exp %select_n3A : vector<16xf32>
      %swap3A_182 = arith.constant 0 : index
      %swap3A_183 = tpu.vector_load %arg29[%swap3A_182] {strides = array<i32>} : memref<80xf32, #tpu.memory_space<vmem>>, vector<16xf32>,
      tpu.vector_store %arg29[%swap3A_182], %exp3A {strides = array<i32>} : memref<80xf32, #tpu.memory_space<vmem>>, vector<16xf32>,
      %get3A_184 = arith.constant 16 : index
      %get3A_185 = tpu.vector_load %arg13[%get3A_184] {strides = array<i32>} : memref<80xi32, #tpu.memory_space<vmem>>, vector<16xi32>,
      %swap3A_186 = arith.constant 16 : index
      %swap3A_187 = tpu.vector_load %arg17[%swap3A_186] {strides = array<i32>} : memref<80xi32, #tpu.memory_space<vmem>>, vector<16xi32>,
      tpu.vector_store %arg17[%swap3A_186], %get3A_185 {strides = array<i32>} : memref<80xi32, #tpu.memory_space<vmem>>, vector<16xi32>,
      %get3A_188 = arith.constant 16 : index
      %get3A_189 = tpu.vector_load %arg21[%get3A_188] {strides = array<i32>} : memref<80xf32, #tpu.memory_space<vmem>>, vector<16xf32>,
      %get3A_190 = arith.constant 16 : index
      %get3A_191 = tpu.vector_load %arg25[%get3A_190] {strides = array<i32>} : memref<80xf32, #tpu.memory_space<vmem>>, vector<16xf32>,
      %add3A_192 = arith.addf %get3A_189, %get3A_191 : vector<16xf32>
      %ge3A_193 = arith.constant 0.000000e+00 : f32
      %ge3A_194 = vector.broadcast %ge3A_193 : f32 to vector<16xf32>
      %ge3A_195 = arith.cmpf oge, %add3A_192, %ge3A_194 : vector<16xf32>
      %mul3A_196 = arith.constant 0.00999999977 : f32
      %mul3A_197 = vector.broadcast %mul3A_196 : f32 to vector<16xf32>
      %mul3A_198 = arith.mulf %mul3A_197, %add3A_192 : vector<16xf32>
      %select_n3A_199 = arith.select %ge3A_195, %add3A_192, %mul3A_198 : vector<16xi1>, vector<16xf32>
      %exp3A_200 = math.exp %select_n3A_199 : vector<16xf32>
      %swap3A_201 = arith.constant 16 : index
      %swap3A_202 = tpu.vector_load %arg29[%swap3A_201] {strides = array<i32>} : memref<80xf32, #tpu.memory_space<vmem>>, vector<16xf32>,
      tpu.vector_store %arg29[%swap3A_201], %exp3A_200 {strides = array<i32>} : memref<80xf32, #tpu.memory_space<vmem>>, vector<16xf32>,
      %get3A_203 = arith.constant 32 : index
      %get3A_204 = tpu.vector_load %arg13[%get3A_203] {strides = array<i32>} : memref<80xi32, #tpu.memory_space<vmem>>, vector<16xi32>,
      %swap3A_205 = arith.constant 32 : index
      %swap3A_206 = tpu.vector_load %arg17[%swap3A_205] {strides = array<i32>} : memref<80xi32, #tpu.memory_space<vmem>>, vector<16xi32>,
      tpu.vector_store %arg17[%swap3A_205], %get3A_204 {strides = array<i32>} : memref<80xi32, #tpu.memory_space<vmem>>, vector<16xi32>,
      %get3A_207 = arith.constant 32 : index
      %get3A_208 = tpu.vector_load %arg21[%get3A_207] {strides = array<i32>} : memref<80xf32, #tpu.memory_space<vmem>>, vector<16xf32>,
      %get3A_209 = arith.constant 32 : index
      %get3A_210 = tpu.vector_load %arg25[%get3A_209] {strides = array<i32>} : memref<80xf32, #tpu.memory_space<vmem>>, vector<16xf32>,
      %add3A_211 = arith.addf %get3A_208, %get3A_210 : vector<16xf32>
      %ge3A_212 = arith.constant 0.000000e+00 : f32
      %ge3A_213 = vector.broadcast %ge3A_212 : f32 to vector<16xf32>
      %ge3A_214 = arith.cmpf oge, %add3A_211, %ge3A_213 : vector<16xf32>
      %mul3A_215 = arith.constant 0.00999999977 : f32
      %mul3A_216 = vector.broadcast %mul3A_215 : f32 to vector<16xf32>
      %mul3A_217 = arith.mulf %mul3A_216, %add3A_211 : vector<16xf32>
      %select_n3A_218 = arith.select %ge3A_214, %add3A_211, %mul3A_217 : vector<16xi1>, vector<16xf32>
      %exp3A_219 = math.exp %select_n3A_218 : vector<16xf32>
      %swap3A_220 = arith.constant 32 : index
      %swap3A_221 = tpu.vector_load %arg29[%swap3A_220] {strides = array<i32>} : memref<80xf32, #tpu.memory_space<vmem>>, vector<16xf32>,
      tpu.vector_store %arg29[%swap3A_220], %exp3A_219 {strides = array<i32>} : memref<80xf32, #tpu.memory_space<vmem>>, vector<16xf32>,
      %get3A_222 = arith.constant 48 : index
      %get3A_223 = tpu.vector_load %arg13[%get3A_222] {strides = array<i32>} : memref<80xi32, #tpu.memory_space<vmem>>, vector<16xi32>,
      %swap3A_224 = arith.constant 48 : index
      %swap3A_225 = tpu.vector_load %arg17[%swap3A_224] {strides = array<i32>} : memref<80xi32, #tpu.memory_space<vmem>>, vector<16xi32>,
      tpu.vector_store %arg17[%swap3A_224], %get3A_223 {strides = array<i32>} : memref<80xi32, #tpu.memory_space<vmem>>, vector<16xi32>,
      %get3A_226 = arith.constant 48 : index
      %get3A_227 = tpu.vector_load %arg21[%get3A_226] {strides = array<i32>} : memref<80xf32, #tpu.memory_space<vmem>>, vector<16xf32>,
      %get3A_228 = arith.constant 48 : index
      %get3A_229 = tpu.vector_load %arg25[%get3A_228] {strides = array<i32>} : memref<80xf32, #tpu.memory_space<vmem>>, vector<16xf32>,
      %add3A_230 = arith.addf %get3A_227, %get3A_229 : vector<16xf32>
      %ge3A_231 = arith.constant 0.000000e+00 : f32
      %ge3A_232 = vector.broadcast %ge3A_231 : f32 to vector<16xf32>
      %ge3A_233 = arith.cmpf oge, %add3A_230, %ge3A_232 : vector<16xf32>
      %mul3A_234 = arith.constant 0.00999999977 : f32
      %mul3A_235 = vector.broadcast %mul3A_234 : f32 to vector<16xf32>
      %mul3A_236 = arith.mulf %mul3A_235, %add3A_230 : vector<16xf32>
      %select_n3A_237 = arith.select %ge3A_233, %add3A_230, %mul3A_236 : vector<16xi1>, vector<16xf32>
      %exp3A_238 = math.exp %select_n3A_237 : vector<16xf32>
      %swap3A_239 = arith.constant 48 : index
      %swap3A_240 = tpu.vector_load %arg29[%swap3A_239] {strides = array<i32>} : memref<80xf32, #tpu.memory_space<vmem>>, vector<16xf32>,
      tpu.vector_store %arg29[%swap3A_239], %exp3A_238 {strides = array<i32>} : memref<80xf32, #tpu.memory_space<vmem>>, vector<16xf32>,
      %get3A_241 = arith.constant 64 : index
      %get3A_242 = tpu.vector_load %arg13[%get3A_241] {strides = array<i32>} : memref<80xi32, #tpu.memory_space<vmem>>, vector<16xi32>,
      %swap3A_243 = arith.constant 64 : index
      %swap3A_244 = tpu.vector_load %arg17[%swap3A_243] {strides = array<i32>} : memref<80xi32, #tpu.memory_space<vmem>>, vector<16xi32>,
      tpu.vector_store %arg17[%swap3A_243], %get3A_242 {strides = array<i32>} : memref<80xi32, #tpu.memory_space<vmem>>, vector<16xi32>,
      %get3A_245 = arith.constant 64 : index
      %get3A_246 = tpu.vector_load %arg21[%get3A_245] {strides = array<i32>} : memref<80xf32, #tpu.memory_space<vmem>>, vector<16xf32>,
      %get3A_247 = arith.constant 64 : index
      %get3A_248 = tpu.vector_load %arg25[%get3A_247] {strides = array<i32>} : memref<80xf32, #tpu.memory_space<vmem>>, vector<16xf32>,
      %add3A_249 = arith.addf %get3A_246, %get3A_248 : vector<16xf32>
      %ge3A_250 = arith.constant 0.000000e+00 : f32
      %ge3A_251 = vector.broadcast %ge3A_250 : f32 to vector<16xf32>
      %ge3A_252 = arith.cmpf oge, %add3A_249, %ge3A_251 : vector<16xf32>
      %mul3A_253 = arith.constant 0.00999999977 : f32
      %mul3A_254 = vector.broadcast %mul3A_253 : f32 to vector<16xf32>
      %mul3A_255 = arith.mulf %mul3A_254, %add3A_249 : vector<16xf32>
      %select_n3A_256 = arith.select %ge3A_252, %add3A_249, %mul3A_255 : vector<16xi1>, vector<16xf32>
      %exp3A_257 = math.exp %select_n3A_256 : vector<16xf32>
      %swap3A_258 = arith.constant 64 : index
      %swap3A_259 = tpu.vector_load %arg29[%swap3A_258] {strides = array<i32>} : memref<80xf32, #tpu.memory_space<vmem>>, vector<16xf32>,
      tpu.vector_store %arg29[%swap3A_258], %exp3A_257 {strides = array<i32>} : memref<80xf32, #tpu.memory_space<vmem>>, vector<16xf32>,
      %parallel_loop3A = arith.constant 0 : i32
      %parallel_loop3A_260 = arith.constant 80 : i32
      %parallel_loop3A_261 = arith.constant 1 : i32
      scf.for %parallel_loop3A_666 = %parallel_loop3A to %parallel_loop3A_260 step %parallel_loop3A_261  : i32 {
        %parallel_loop3A_667 = vector.broadcast %parallel_loop3A_666 : i32 to vector<16xi32>
        %parallel_loop3A_668 = tpu.vector_load_idx %arg29[%parallel_loop3A_667] : memref<80xf32, #tpu.memory_space<vmem>>[vector<16xi32>], vector<16xf32>,
        %parallel_loop3A_669 = arith.index_cast %parallel_loop3A_666 : i32 to index
        %parallel_loop3A_670 = arith.constant 0 : index
        %parallel_loop3A_671 = tpu.vector_load %arg33[%parallel_loop3A_669, %parallel_loop3A_670] {strides = array<i32>} : memref<80x128xf32, #tpu.memory_space<vmem>>, vector<16xf32>,
        %parallel_loop3A_672 = arith.mulf %parallel_loop3A_671, %parallel_loop3A_668 : vector<16xf32>
        %parallel_loop3A_673 = arith.index_cast %parallel_loop3A_666 : i32 to index
        %parallel_loop3A_674 = arith.constant 0 : index
        %parallel_loop3A_675 = tpu.vector_load %arg33[%parallel_loop3A_673, %parallel_loop3A_674] {strides = array<i32>} : memref<80x128xf32, #tpu.memory_space<vmem>>, vector<16xf32>,
        tpu.vector_store %arg33[%parallel_loop3A_673, %parallel_loop3A_674], %parallel_loop3A_672 {strides = array<i32>} : memref<80x128xf32, #tpu.memory_space<vmem>>, vector<16xf32>,
        %parallel_loop3A_676 = arith.index_cast %parallel_loop3A_666 : i32 to index
        %parallel_loop3A_677 = arith.constant 16 : index
        %parallel_loop3A_678 = tpu.vector_load %arg33[%parallel_loop3A_676, %parallel_loop3A_677] {strides = array<i32>} : memref<80x128xf32, #tpu.memory_space<vmem>>, vector<16xf32>,
        %parallel_loop3A_679 = arith.mulf %parallel_loop3A_678, %parallel_loop3A_668 : vector<16xf32>
        %parallel_loop3A_680 = arith.index_cast %parallel_loop3A_666 : i32 to index
        %parallel_loop3A_681 = arith.constant 16 : index
        %parallel_loop3A_682 = tpu.vector_load %arg33[%parallel_loop3A_680, %parallel_loop3A_681] {strides = array<i32>} : memref<80x128xf32, #tpu.memory_space<vmem>>, vector<16xf32>,
        tpu.vector_store %arg33[%parallel_loop3A_680, %parallel_loop3A_681], %parallel_loop3A_679 {strides = array<i32>} : memref<80x128xf32, #tpu.memory_space<vmem>>, vector<16xf32>,
        %parallel_loop3A_683 = arith.index_cast %parallel_loop3A_666 : i32 to index
        %parallel_loop3A_684 = arith.constant 32 : index
        %parallel_loop3A_685 = tpu.vector_load %arg33[%parallel_loop3A_683, %parallel_loop3A_684] {strides = array<i32>} : memref<80x128xf32, #tpu.memory_space<vmem>>, vector<16xf32>,
        %parallel_loop3A_686 = arith.mulf %parallel_loop3A_685, %parallel_loop3A_668 : vector<16xf32>
        %parallel_loop3A_687 = arith.index_cast %parallel_loop3A_666 : i32 to index
        %parallel_loop3A_688 = arith.constant 32 : index
        %parallel_loop3A_689 = tpu.vector_load %arg33[%parallel_loop3A_687, %parallel_loop3A_688] {strides = array<i32>} : memref<80x128xf32, #tpu.memory_space<vmem>>, vector<16xf32>,
        tpu.vector_store %arg33[%parallel_loop3A_687, %parallel_loop3A_688], %parallel_loop3A_686 {strides = array<i32>} : memref<80x128xf32, #tpu.memory_space<vmem>>, vector<16xf32>,
        %parallel_loop3A_690 = arith.index_cast %parallel_loop3A_666 : i32 to index
        %parallel_loop3A_691 = arith.constant 48 : index
        %parallel_loop3A_692 = tpu.vector_load %arg33[%parallel_loop3A_690, %parallel_loop3A_691] {strides = array<i32>} : memref<80x128xf32, #tpu.memory_space<vmem>>, vector<16xf32>,
        %parallel_loop3A_693 = arith.mulf %parallel_loop3A_692, %parallel_loop3A_668 : vector<16xf32>
        %parallel_loop3A_694 = arith.index_cast %parallel_loop3A_666 : i32 to index
        %parallel_loop3A_695 = arith.constant 48 : index
        %parallel_loop3A_696 = tpu.vector_load %arg33[%parallel_loop3A_694, %parallel_loop3A_695] {strides = array<i32>} : memref<80x128xf32, #tpu.memory_space<vmem>>, vector<16xf32>,
        tpu.vector_store %arg33[%parallel_loop3A_694, %parallel_loop3A_695], %parallel_loop3A_693 {strides = array<i32>} : memref<80x128xf32, #tpu.memory_space<vmem>>, vector<16xf32>,
        %parallel_loop3A_697 = arith.index_cast %parallel_loop3A_666 : i32 to index
        %parallel_loop3A_698 = arith.constant 64 : index
        %parallel_loop3A_699 = tpu.vector_load %arg33[%parallel_loop3A_697, %parallel_loop3A_698] {strides = array<i32>} : memref<80x128xf32, #tpu.memory_space<vmem>>, vector<16xf32>,
        %parallel_loop3A_700 = arith.mulf %parallel_loop3A_699, %parallel_loop3A_668 : vector<16xf32>
        %parallel_loop3A_701 = arith.index_cast %parallel_loop3A_666 : i32 to index
        %parallel_loop3A_702 = arith.constant 64 : index
        %parallel_loop3A_703 = tpu.vector_load %arg33[%parallel_loop3A_701, %parallel_loop3A_702] {strides = array<i32>} : memref<80x128xf32, #tpu.memory_space<vmem>>, vector<16xf32>,
        tpu.vector_store %arg33[%parallel_loop3A_701, %parallel_loop3A_702], %parallel_loop3A_700 {strides = array<i32>} : memref<80x128xf32, #tpu.memory_space<vmem>>, vector<16xf32>,
        %parallel_loop3A_704 = arith.index_cast %parallel_loop3A_666 : i32 to index
        %parallel_loop3A_705 = arith.constant 80 : index
        %parallel_loop3A_706 = tpu.vector_load %arg33[%parallel_loop3A_704, %parallel_loop3A_705] {strides = array<i32>} : memref<80x128xf32, #tpu.memory_space<vmem>>, vector<16xf32>,
        %parallel_loop3A_707 = arith.mulf %parallel_loop3A_706, %parallel_loop3A_668 : vector<16xf32>
        %parallel_loop3A_708 = arith.index_cast %parallel_loop3A_666 : i32 to index
        %parallel_loop3A_709 = arith.constant 80 : index
        %parallel_loop3A_710 = tpu.vector_load %arg33[%parallel_loop3A_708, %parallel_loop3A_709] {strides = array<i32>} : memref<80x128xf32, #tpu.memory_space<vmem>>, vector<16xf32>,
        tpu.vector_store %arg33[%parallel_loop3A_708, %parallel_loop3A_709], %parallel_loop3A_707 {strides = array<i32>} : memref<80x128xf32, #tpu.memory_space<vmem>>, vector<16xf32>,
        %parallel_loop3A_711 = arith.index_cast %parallel_loop3A_666 : i32 to index
        %parallel_loop3A_712 = arith.constant 96 : index
        %parallel_loop3A_713 = tpu.vector_load %arg33[%parallel_loop3A_711, %parallel_loop3A_712] {strides = array<i32>} : memref<80x128xf32, #tpu.memory_space<vmem>>, vector<16xf32>,
        %parallel_loop3A_714 = arith.mulf %parallel_loop3A_713, %parallel_loop3A_668 : vector<16xf32>
        %parallel_loop3A_715 = arith.index_cast %parallel_loop3A_666 : i32 to index
        %parallel_loop3A_716 = arith.constant 96 : index
        %parallel_loop3A_717 = tpu.vector_load %arg33[%parallel_loop3A_715, %parallel_loop3A_716] {strides = array<i32>} : memref<80x128xf32, #tpu.memory_space<vmem>>, vector<16xf32>,
        tpu.vector_store %arg33[%parallel_loop3A_715, %parallel_loop3A_716], %parallel_loop3A_714 {strides = array<i32>} : memref<80x128xf32, #tpu.memory_space<vmem>>, vector<16xf32>,
        %parallel_loop3A_718 = arith.index_cast %parallel_loop3A_666 : i32 to index
        %parallel_loop3A_719 = arith.constant 112 : index
        %parallel_loop3A_720 = tpu.vector_load %arg33[%parallel_loop3A_718, %parallel_loop3A_719] {strides = array<i32>} : memref<80x128xf32, #tpu.memory_space<vmem>>, vector<16xf32>,
        %parallel_loop3A_721 = arith.mulf %parallel_loop3A_720, %parallel_loop3A_668 : vector<16xf32>
        %parallel_loop3A_722 = arith.index_cast %parallel_loop3A_666 : i32 to index
        %parallel_loop3A_723 = arith.constant 112 : index
        %parallel_loop3A_724 = tpu.vector_load %arg33[%parallel_loop3A_722, %parallel_loop3A_723] {strides = array<i32>} : memref<80x128xf32, #tpu.memory_space<vmem>>, vector<16xf32>,
        tpu.vector_store %arg33[%parallel_loop3A_722, %parallel_loop3A_723], %parallel_loop3A_721 {strides = array<i32>} : memref<80x128xf32, #tpu.memory_space<vmem>>, vector<16xf32>,
      } {sc.loop_unroll_factor = 4 : i64, sc.parallel_access}
      %dma_start3A_262 = arith.constant 0 : i32
      %dma_start3A_263 = arith.constant 0 : i32
      %dma_start3A_264 = tpu.memref_slice %arg38[%dma_start3A_262, %dma_start3A_263] : memref<10240x128xf32, #tpu.memory_space<vmem_shared>> -> memref<10240x128xf32, #tpu.memory_space<vmem_shared>>
      tpu.enqueue_indirect_dma source(%arg33 : memref<80x128xf32, #tpu.memory_space<vmem>>) target(%dma_start3A_264 : memref<10240x128xf32, #tpu.memory_space<vmem_shared>>) offsets(%arg17 : memref<80xi32, #tpu.memory_space<vmem>>) semaphore(%arg60 : memref<!tpu.dma_semaphore, #tpu.memory_space<semaphore_mem>>) {add = true}
      %dma_start3A_265 = arith.constant 0 : i32
      %dma_start3A_266 = tpu.memref_slice %arg39[%dma_start3A_265] : memref<10240xf32, #tpu.memory_space<vmem_shared>> -> memref<10240xf32, #tpu.memory_space<vmem_shared>>
      tpu.enqueue_indirect_dma source(%arg29 : memref<80xf32, #tpu.memory_space<vmem>>) target(%dma_start3A_266 : memref<10240xf32, #tpu.memory_space<vmem_shared>>) offsets(%arg17 : memref<80xi32, #tpu.memory_space<vmem>>) semaphore(%arg64 : memref<!tpu.dma_semaphore, #tpu.memory_space<semaphore_mem>>) {add = true}
      %mul3A_267 = arith.constant 4 : i32
      %mul3A_268 = arith.muli %mul3A_267, %scan3A_140 : i32
      %add3A_269 = arith.constant 1 : i32
      %add3A_270 = arith.addi %mul3A_268, %add3A_269 : i32
      %ge3A_271 = arith.constant 2 : i32
      %ge3A_272 = arith.cmpi sge, %add3A_270, %ge3A_271 : i32
      %convert_element_type3A_273 = arith.extui %ge3A_272 : i1 to i32
      %cond3A_274 = arith.constant 0 : i32
      %cond3A_275 = arith.cmpi ne, %convert_element_type3A_273, %cond3A_274 : i32
      scf.if %cond3A_275 {
        %dma_wait3A_666 = arith.constant 0 : i32
        %dma_wait3A_667 = arith.constant 0 : i32
        %dma_wait3A_668 = tpu.memref_slice %arg38[%dma_wait3A_666, %dma_wait3A_667] : memref<10240x128xf32, #tpu.memory_space<vmem_shared>> -> memref<10240x128xf32, #tpu.memory_space<vmem_shared>>
        tpu.wait_indirect_dma semaphore(%arg63 : memref<!tpu.dma_semaphore, #tpu.memory_space<semaphore_mem>>) src(%arg36 : memref<80x128xf32, #tpu.memory_space<vmem>>) dst(%dma_wait3A_668 : memref<10240x128xf32, #tpu.memory_space<vmem_shared>>)
        %dma_wait3A_669 = arith.constant 0 : i32
        %dma_wait3A_670 = tpu.memref_slice %arg39[%dma_wait3A_669] : memref<10240xf32, #tpu.memory_space<vmem_shared>> -> memref<10240xf32, #tpu.memory_space<vmem_shared>>
        tpu.wait_indirect_dma semaphore(%arg67 : memref<!tpu.dma_semaphore, #tpu.memory_space<semaphore_mem>>) src(%arg32 : memref<80xf32, #tpu.memory_space<vmem>>) dst(%dma_wait3A_670 : memref<10240xf32, #tpu.memory_space<vmem_shared>>)
      } else {
      }
      %add3A_276 = arith.constant 2 : i32
      %add3A_277 = arith.addi %add3A_270, %add3A_276 : i32
      %le3A_278 = arith.constant 127 : i32
      %le3A_279 = arith.cmpi sle, %add3A_277, %le3A_278 : i32
      %convert_element_type3A_280 = arith.extui %le3A_279 : i1 to i32
      %cond3A_281 = arith.constant 0 : i32
      %cond3A_282 = arith.cmpi ne, %convert_element_type3A_280, %cond3A_281 : i32
      scf.if %cond3A_282 {
        %dma_wait3A_666 = arith.constant 0 : i32
        %dma_wait3A_667 = arith.constant 0 : i32
        %dma_wait3A_668 = arith.constant 0 : i32
        %dma_wait3A_669 = tpu.memref_slice %arg3[%dma_wait3A_666, %dma_wait3A_667, %dma_wait3A_668] : memref<32x128x80xi32, #tpu.memory_space<hbm>> -> memref<1x1x80xi32, #tpu.memory_space<hbm>>
        %dma_wait3A_670 = tpu.memref_squeeze %dma_wait3A_669 : memref<1x1x80xi32, #tpu.memory_space<hbm>> -> memref<80xi32, #tpu.memory_space<hbm>>
        %dma_wait3A_671 = arith.constant 0 : i32
        %dma_wait3A_672 = tpu.memref_slice %arg3[%dma_wait3A_666, %dma_wait3A_667, %dma_wait3A_671] : memref<32x128x80xi32, #tpu.memory_space<hbm>> -> memref<1x1x80xi32, #tpu.memory_space<hbm>>
        %dma_wait3A_673 = tpu.memref_squeeze %dma_wait3A_672 : memref<1x1x80xi32, #tpu.memory_space<hbm>> -> memref<80xi32, #tpu.memory_space<hbm>>
        tpu.wait_dma2 semaphore(%arg43 : memref<!tpu.dma_semaphore, #tpu.memory_space<semaphore_mem>>) src(%dma_wait3A_673 : memref<80xi32, #tpu.memory_space<hbm>>) dst(%arg12 : memref<80xi32, #tpu.memory_space<vmem>>)
        %dma_wait3A_674 = arith.constant 0 : i32
        %dma_wait3A_675 = arith.constant 0 : i32
        %dma_wait3A_676 = arith.constant 0 : i32
        %dma_wait3A_677 = tpu.memref_slice %arg4[%dma_wait3A_674, %dma_wait3A_675, %dma_wait3A_676] : memref<32x128x80xi32, #tpu.memory_space<hbm>> -> memref<1x1x80xi32, #tpu.memory_space<hbm>>
        %dma_wait3A_678 = tpu.memref_squeeze %dma_wait3A_677 : memref<1x1x80xi32, #tpu.memory_space<hbm>> -> memref<80xi32, #tpu.memory_space<hbm>>
        %dma_wait3A_679 = arith.constant 0 : i32
        %dma_wait3A_680 = tpu.memref_slice %arg4[%dma_wait3A_674, %dma_wait3A_675, %dma_wait3A_679] : memref<32x128x80xi32, #tpu.memory_space<hbm>> -> memref<1x1x80xi32, #tpu.memory_space<hbm>>
        %dma_wait3A_681 = tpu.memref_squeeze %dma_wait3A_680 : memref<1x1x80xi32, #tpu.memory_space<hbm>> -> memref<80xi32, #tpu.memory_space<hbm>>
        tpu.wait_dma2 semaphore(%arg47 : memref<!tpu.dma_semaphore, #tpu.memory_space<semaphore_mem>>) src(%dma_wait3A_681 : memref<80xi32, #tpu.memory_space<hbm>>) dst(%arg16 : memref<80xi32, #tpu.memory_space<vmem>>)
        %dma_start3A_682 = arith.constant 0 : i32
        %dma_start3A_683 = arith.constant 0 : i32
        %dma_start3A_684 = tpu.memref_slice %arg2[%dma_start3A_682, %dma_start3A_683] : memref<10000x128xf32, #tpu.memory_space<hbm>> -> memref<10000x128xf32, #tpu.memory_space<hbm>>
        tpu.enqueue_indirect_dma source(%dma_start3A_684 : memref<10000x128xf32, #tpu.memory_space<hbm>>) target(%arg36 : memref<80x128xf32, #tpu.memory_space<vmem>>) offsets(%arg12 : memref<80xi32, #tpu.memory_space<vmem>>) semaphore(%arg51 : memref<!tpu.dma_semaphore, #tpu.memory_space<semaphore_mem>>)
        %dma_start3A_685 = arith.constant 0 : i32
        %dma_start3A_686 = tpu.memref_slice %arg5[%dma_start3A_685] : memref<10000xf32, #tpu.memory_space<hbm>> -> memref<10000xf32, #tpu.memory_space<hbm>>
        tpu.enqueue_indirect_dma source(%dma_start3A_686 : memref<10000xf32, #tpu.memory_space<hbm>>) target(%arg24 : memref<80xf32, #tpu.memory_space<vmem>>) offsets(%arg12 : memref<80xi32, #tpu.memory_space<vmem>>) semaphore(%arg55 : memref<!tpu.dma_semaphore, #tpu.memory_space<semaphore_mem>>)
        %dma_start3A_687 = arith.constant 0 : i32
        %dma_start3A_688 = tpu.memref_slice %arg6[%dma_start3A_687] : memref<10240xf32, #tpu.memory_space<hbm>> -> memref<10240xf32, #tpu.memory_space<hbm>>
        tpu.enqueue_indirect_dma source(%dma_start3A_688 : memref<10240xf32, #tpu.memory_space<hbm>>) target(%arg28 : memref<80xf32, #tpu.memory_space<vmem>>) offsets(%arg16 : memref<80xi32, #tpu.memory_space<vmem>>) semaphore(%arg59 : memref<!tpu.dma_semaphore, #tpu.memory_space<semaphore_mem>>)
      } else {
      }
      %add3A_283 = arith.constant 3 : i32
      %add3A_284 = arith.addi %add3A_270, %add3A_283 : i32
      %le3A_285 = arith.constant 127 : i32
      %le3A_286 = arith.cmpi sle, %add3A_284, %le3A_285 : i32
      %convert_element_type3A_287 = arith.extui %le3A_286 : i1 to i32
      %cond3A_288 = arith.constant 0 : i32
      %cond3A_289 = arith.cmpi ne, %convert_element_type3A_287, %cond3A_288 : i32
      scf.if %cond3A_289 {
        %add3A_666 = arith.constant 3 : i32
        %add3A_667 = arith.addi %add3A_270, %add3A_666 : i32
        %dma_start3A_668 = arith.constant 0 : i32
        %dma_start3A_669 = tpu.memref_slice %arg3[%add3A, %add3A_667, %dma_start3A_668] : memref<32x128x80xi32, #tpu.memory_space<hbm>> -> memref<1x1x80xi32, #tpu.memory_space<hbm>>
        %dma_start3A_670 = tpu.memref_squeeze %dma_start3A_669 : memref<1x1x80xi32, #tpu.memory_space<hbm>> -> memref<80xi32, #tpu.memory_space<hbm>>
        %dma_start3A_671 = arith.constant 0 : i32
        %dma_start3A_672 = tpu.memref_slice %arg3[%add3A, %add3A_667, %dma_start3A_671] : memref<32x128x80xi32, #tpu.memory_space<hbm>> -> memref<1x1x80xi32, #tpu.memory_space<hbm>>
        %dma_start3A_673 = tpu.memref_squeeze %dma_start3A_672 : memref<1x1x80xi32, #tpu.memory_space<hbm>> -> memref<80xi32, #tpu.memory_space<hbm>>
        tpu.enqueue_dma source(%dma_start3A_673 : memref<80xi32, #tpu.memory_space<hbm>>) target(%arg9 : memref<80xi32, #tpu.memory_space<vmem>>) target_semaphore(%arg40 : memref<!tpu.dma_semaphore, #tpu.memory_space<semaphore_mem>>)
        %dma_start3A_674 = arith.constant 0 : i32
        %dma_start3A_675 = tpu.memref_slice %arg4[%add3A, %add3A_667, %dma_start3A_674] : memref<32x128x80xi32, #tpu.memory_space<hbm>> -> memref<1x1x80xi32, #tpu.memory_space<hbm>>
        %dma_start3A_676 = tpu.memref_squeeze %dma_start3A_675 : memref<1x1x80xi32, #tpu.memory_space<hbm>> -> memref<80xi32, #tpu.memory_space<hbm>>
        %dma_start3A_677 = arith.constant 0 : i32
        %dma_start3A_678 = tpu.memref_slice %arg4[%add3A, %add3A_667, %dma_start3A_677] : memref<32x128x80xi32, #tpu.memory_space<hbm>> -> memref<1x1x80xi32, #tpu.memory_space<hbm>>
        %dma_start3A_679 = tpu.memref_squeeze %dma_start3A_678 : memref<1x1x80xi32, #tpu.memory_space<hbm>> -> memref<80xi32, #tpu.memory_space<hbm>>
        tpu.enqueue_dma source(%dma_start3A_679 : memref<80xi32, #tpu.memory_space<hbm>>) target(%arg13 : memref<80xi32, #tpu.memory_space<vmem>>) target_semaphore(%arg44 : memref<!tpu.dma_semaphore, #tpu.memory_space<semaphore_mem>>)
      } else {
      }
      %dma_wait3A_290 = arith.constant 0 : i32
      %dma_wait3A_291 = tpu.memref_slice %arg5[%dma_wait3A_290] : memref<10000xf32, #tpu.memory_space<hbm>> -> memref<10000xf32, #tpu.memory_space<hbm>>
      tpu.wait_indirect_dma semaphore(%arg53 : memref<!tpu.dma_semaphore, #tpu.memory_space<semaphore_mem>>) src(%dma_wait3A_291 : memref<10000xf32, #tpu.memory_space<hbm>>) dst(%arg22 : memref<80xf32, #tpu.memory_space<vmem>>)
      %dma_wait3A_292 = arith.constant 0 : i32
      %dma_wait3A_293 = tpu.memref_slice %arg6[%dma_wait3A_292] : memref<10240xf32, #tpu.memory_space<hbm>> -> memref<10240xf32, #tpu.memory_space<hbm>>
      tpu.wait_indirect_dma semaphore(%arg57 : memref<!tpu.dma_semaphore, #tpu.memory_space<semaphore_mem>>) src(%dma_wait3A_293 : memref<10240xf32, #tpu.memory_space<hbm>>) dst(%arg26 : memref<80xf32, #tpu.memory_space<vmem>>)
      %dma_wait3A_294 = arith.constant 0 : i32
      %dma_wait3A_295 = arith.constant 0 : i32
      %dma_wait3A_296 = tpu.memref_slice %arg2[%dma_wait3A_294, %dma_wait3A_295] : memref<10000x128xf32, #tpu.memory_space<hbm>> -> memref<10000x128xf32, #tpu.memory_space<hbm>>
      tpu.wait_indirect_dma semaphore(%arg49 : memref<!tpu.dma_semaphore, #tpu.memory_space<semaphore_mem>>) src(%dma_wait3A_296 : memref<10000x128xf32, #tpu.memory_space<hbm>>) dst(%arg34 : memref<80x128xf32, #tpu.memory_space<vmem>>)
      %get3A_297 = arith.constant 0 : index
      %get3A_298 = tpu.vector_load %arg14[%get3A_297] {strides = array<i32>} : memref<80xi32, #tpu.memory_space<vmem>>, vector<16xi32>,
      %swap3A_299 = arith.constant 0 : index
      %swap3A_300 = tpu.vector_load %arg18[%swap3A_299] {strides = array<i32>} : memref<80xi32, #tpu.memory_space<vmem>>, vector<16xi32>,
      tpu.vector_store %arg18[%swap3A_299], %get3A_298 {strides = array<i32>} : memref<80xi32, #tpu.memory_space<vmem>>, vector<16xi32>,
      %get3A_301 = arith.constant 0 : index
      %get3A_302 = tpu.vector_load %arg22[%get3A_301] {strides = array<i32>} : memref<80xf32, #tpu.memory_space<vmem>>, vector<16xf32>,
      %get3A_303 = arith.constant 0 : index
      %get3A_304 = tpu.vector_load %arg26[%get3A_303] {strides = array<i32>} : memref<80xf32, #tpu.memory_space<vmem>>, vector<16xf32>,
      %add3A_305 = arith.addf %get3A_302, %get3A_304 : vector<16xf32>
      %ge3A_306 = arith.constant 0.000000e+00 : f32
      %ge3A_307 = vector.broadcast %ge3A_306 : f32 to vector<16xf32>
      %ge3A_308 = arith.cmpf oge, %add3A_305, %ge3A_307 : vector<16xf32>
      %mul3A_309 = arith.constant 0.00999999977 : f32
      %mul3A_310 = vector.broadcast %mul3A_309 : f32 to vector<16xf32>
      %mul3A_311 = arith.mulf %mul3A_310, %add3A_305 : vector<16xf32>
      %select_n3A_312 = arith.select %ge3A_308, %add3A_305, %mul3A_311 : vector<16xi1>, vector<16xf32>
      %exp3A_313 = math.exp %select_n3A_312 : vector<16xf32>
      %swap3A_314 = arith.constant 0 : index
      %swap3A_315 = tpu.vector_load %arg30[%swap3A_314] {strides = array<i32>} : memref<80xf32, #tpu.memory_space<vmem>>, vector<16xf32>,
      tpu.vector_store %arg30[%swap3A_314], %exp3A_313 {strides = array<i32>} : memref<80xf32, #tpu.memory_space<vmem>>, vector<16xf32>,
      %get3A_316 = arith.constant 16 : index
      %get3A_317 = tpu.vector_load %arg14[%get3A_316] {strides = array<i32>} : memref<80xi32, #tpu.memory_space<vmem>>, vector<16xi32>,
      %swap3A_318 = arith.constant 16 : index
      %swap3A_319 = tpu.vector_load %arg18[%swap3A_318] {strides = array<i32>} : memref<80xi32, #tpu.memory_space<vmem>>, vector<16xi32>,
      tpu.vector_store %arg18[%swap3A_318], %get3A_317 {strides = array<i32>} : memref<80xi32, #tpu.memory_space<vmem>>, vector<16xi32>,
      %get3A_320 = arith.constant 16 : index
      %get3A_321 = tpu.vector_load %arg22[%get3A_320] {strides = array<i32>} : memref<80xf32, #tpu.memory_space<vmem>>, vector<16xf32>,
      %get3A_322 = arith.constant 16 : index
      %get3A_323 = tpu.vector_load %arg26[%get3A_322] {strides = array<i32>} : memref<80xf32, #tpu.memory_space<vmem>>, vector<16xf32>,
      %add3A_324 = arith.addf %get3A_321, %get3A_323 : vector<16xf32>
      %ge3A_325 = arith.constant 0.000000e+00 : f32
      %ge3A_326 = vector.broadcast %ge3A_325 : f32 to vector<16xf32>
      %ge3A_327 = arith.cmpf oge, %add3A_324, %ge3A_326 : vector<16xf32>
      %mul3A_328 = arith.constant 0.00999999977 : f32
      %mul3A_329 = vector.broadcast %mul3A_328 : f32 to vector<16xf32>
      %mul3A_330 = arith.mulf %mul3A_329, %add3A_324 : vector<16xf32>
      %select_n3A_331 = arith.select %ge3A_327, %add3A_324, %mul3A_330 : vector<16xi1>, vector<16xf32>
      %exp3A_332 = math.exp %select_n3A_331 : vector<16xf32>
      %swap3A_333 = arith.constant 16 : index
      %swap3A_334 = tpu.vector_load %arg30[%swap3A_333] {strides = array<i32>} : memref<80xf32, #tpu.memory_space<vmem>>, vector<16xf32>,
      tpu.vector_store %arg30[%swap3A_333], %exp3A_332 {strides = array<i32>} : memref<80xf32, #tpu.memory_space<vmem>>, vector<16xf32>,
      %get3A_335 = arith.constant 32 : index
      %get3A_336 = tpu.vector_load %arg14[%get3A_335] {strides = array<i32>} : memref<80xi32, #tpu.memory_space<vmem>>, vector<16xi32>,
      %swap3A_337 = arith.constant 32 : index
      %swap3A_338 = tpu.vector_load %arg18[%swap3A_337] {strides = array<i32>} : memref<80xi32, #tpu.memory_space<vmem>>, vector<16xi32>,
      tpu.vector_store %arg18[%swap3A_337], %get3A_336 {strides = array<i32>} : memref<80xi32, #tpu.memory_space<vmem>>, vector<16xi32>,
      %get3A_339 = arith.constant 32 : index
      %get3A_340 = tpu.vector_load %arg22[%get3A_339] {strides = array<i32>} : memref<80xf32, #tpu.memory_space<vmem>>, vector<16xf32>,
      %get3A_341 = arith.constant 32 : index
      %get3A_342 = tpu.vector_load %arg26[%get3A_341] {strides = array<i32>} : memref<80xf32, #tpu.memory_space<vmem>>, vector<16xf32>,
      %add3A_343 = arith.addf %get3A_340, %get3A_342 : vector<16xf32>
      %ge3A_344 = arith.constant 0.000000e+00 : f32
      %ge3A_345 = vector.broadcast %ge3A_344 : f32 to vector<16xf32>
      %ge3A_346 = arith.cmpf oge, %add3A_343, %ge3A_345 : vector<16xf32>
      %mul3A_347 = arith.constant 0.00999999977 : f32
      %mul3A_348 = vector.broadcast %mul3A_347 : f32 to vector<16xf32>
      %mul3A_349 = arith.mulf %mul3A_348, %add3A_343 : vector<16xf32>
      %select_n3A_350 = arith.select %ge3A_346, %add3A_343, %mul3A_349 : vector<16xi1>, vector<16xf32>
      %exp3A_351 = math.exp %select_n3A_350 : vector<16xf32>
      %swap3A_352 = arith.constant 32 : index
      %swap3A_353 = tpu.vector_load %arg30[%swap3A_352] {strides = array<i32>} : memref<80xf32, #tpu.memory_space<vmem>>, vector<16xf32>,
      tpu.vector_store %arg30[%swap3A_352], %exp3A_351 {strides = array<i32>} : memref<80xf32, #tpu.memory_space<vmem>>, vector<16xf32>,
      %get3A_354 = arith.constant 48 : index
      %get3A_355 = tpu.vector_load %arg14[%get3A_354] {strides = array<i32>} : memref<80xi32, #tpu.memory_space<vmem>>, vector<16xi32>,
      %swap3A_356 = arith.constant 48 : index
      %swap3A_357 = tpu.vector_load %arg18[%swap3A_356] {strides = array<i32>} : memref<80xi32, #tpu.memory_space<vmem>>, vector<16xi32>,
      tpu.vector_store %arg18[%swap3A_356], %get3A_355 {strides = array<i32>} : memref<80xi32, #tpu.memory_space<vmem>>, vector<16xi32>,
      %get3A_358 = arith.constant 48 : index
      %get3A_359 = tpu.vector_load %arg22[%get3A_358] {strides = array<i32>} : memref<80xf32, #tpu.memory_space<vmem>>, vector<16xf32>,
      %get3A_360 = arith.constant 48 : index
      %get3A_361 = tpu.vector_load %arg26[%get3A_360] {strides = array<i32>} : memref<80xf32, #tpu.memory_space<vmem>>, vector<16xf32>,
      %add3A_362 = arith.addf %get3A_359, %get3A_361 : vector<16xf32>
      %ge3A_363 = arith.constant 0.000000e+00 : f32
      %ge3A_364 = vector.broadcast %ge3A_363 : f32 to vector<16xf32>
      %ge3A_365 = arith.cmpf oge, %add3A_362, %ge3A_364 : vector<16xf32>
      %mul3A_366 = arith.constant 0.00999999977 : f32
      %mul3A_367 = vector.broadcast %mul3A_366 : f32 to vector<16xf32>
      %mul3A_368 = arith.mulf %mul3A_367, %add3A_362 : vector<16xf32>
      %select_n3A_369 = arith.select %ge3A_365, %add3A_362, %mul3A_368 : vector<16xi1>, vector<16xf32>
      %exp3A_370 = math.exp %select_n3A_369 : vector<16xf32>
      %swap3A_371 = arith.constant 48 : index
      %swap3A_372 = tpu.vector_load %arg30[%swap3A_371] {strides = array<i32>} : memref<80xf32, #tpu.memory_space<vmem>>, vector<16xf32>,
      tpu.vector_store %arg30[%swap3A_371], %exp3A_370 {strides = array<i32>} : memref<80xf32, #tpu.memory_space<vmem>>, vector<16xf32>,
      %get3A_373 = arith.constant 64 : index
      %get3A_374 = tpu.vector_load %arg14[%get3A_373] {strides = array<i32>} : memref<80xi32, #tpu.memory_space<vmem>>, vector<16xi32>,
      %swap3A_375 = arith.constant 64 : index
      %swap3A_376 = tpu.vector_load %arg18[%swap3A_375] {strides = array<i32>} : memref<80xi32, #tpu.memory_space<vmem>>, vector<16xi32>,
      tpu.vector_store %arg18[%swap3A_375], %get3A_374 {strides = array<i32>} : memref<80xi32, #tpu.memory_space<vmem>>, vector<16xi32>,
      %get3A_377 = arith.constant 64 : index
      %get3A_378 = tpu.vector_load %arg22[%get3A_377] {strides = array<i32>} : memref<80xf32, #tpu.memory_space<vmem>>, vector<16xf32>,
      %get3A_379 = arith.constant 64 : index
      %get3A_380 = tpu.vector_load %arg26[%get3A_379] {strides = array<i32>} : memref<80xf32, #tpu.memory_space<vmem>>, vector<16xf32>,
      %add3A_381 = arith.addf %get3A_378, %get3A_380 : vector<16xf32>
      %ge3A_382 = arith.constant 0.000000e+00 : f32
      %ge3A_383 = vector.broadcast %ge3A_382 : f32 to vector<16xf32>
      %ge3A_384 = arith.cmpf oge, %add3A_381, %ge3A_383 : vector<16xf32>
      %mul3A_385 = arith.constant 0.00999999977 : f32
      %mul3A_386 = vector.broadcast %mul3A_385 : f32 to vector<16xf32>
      %mul3A_387 = arith.mulf %mul3A_386, %add3A_381 : vector<16xf32>
      %select_n3A_388 = arith.select %ge3A_384, %add3A_381, %mul3A_387 : vector<16xi1>, vector<16xf32>
      %exp3A_389 = math.exp %select_n3A_388 : vector<16xf32>
      %swap3A_390 = arith.constant 64 : index
      %swap3A_391 = tpu.vector_load %arg30[%swap3A_390] {strides = array<i32>} : memref<80xf32, #tpu.memory_space<vmem>>, vector<16xf32>,
      tpu.vector_store %arg30[%swap3A_390], %exp3A_389 {strides = array<i32>} : memref<80xf32, #tpu.memory_space<vmem>>, vector<16xf32>,
      %parallel_loop3A_392 = arith.constant 0 : i32
      %parallel_loop3A_393 = arith.constant 80 : i32
      %parallel_loop3A_394 = arith.constant 1 : i32
      scf.for %parallel_loop3A_666 = %parallel_loop3A_392 to %parallel_loop3A_393 step %parallel_loop3A_394  : i32 {
        %parallel_loop3A_667 = vector.broadcast %parallel_loop3A_666 : i32 to vector<16xi32>
        %parallel_loop3A_668 = tpu.vector_load_idx %arg30[%parallel_loop3A_667] : memref<80xf32, #tpu.memory_space<vmem>>[vector<16xi32>], vector<16xf32>,
        %parallel_loop3A_669 = arith.index_cast %parallel_loop3A_666 : i32 to index
        %parallel_loop3A_670 = arith.constant 0 : index
        %parallel_loop3A_671 = tpu.vector_load %arg34[%parallel_loop3A_669, %parallel_loop3A_670] {strides = array<i32>} : memref<80x128xf32, #tpu.memory_space<vmem>>, vector<16xf32>,
        %parallel_loop3A_672 = arith.mulf %parallel_loop3A_671, %parallel_loop3A_668 : vector<16xf32>
        %parallel_loop3A_673 = arith.index_cast %parallel_loop3A_666 : i32 to index
        %parallel_loop3A_674 = arith.constant 0 : index
        %parallel_loop3A_675 = tpu.vector_load %arg34[%parallel_loop3A_673, %parallel_loop3A_674] {strides = array<i32>} : memref<80x128xf32, #tpu.memory_space<vmem>>, vector<16xf32>,
        tpu.vector_store %arg34[%parallel_loop3A_673, %parallel_loop3A_674], %parallel_loop3A_672 {strides = array<i32>} : memref<80x128xf32, #tpu.memory_space<vmem>>, vector<16xf32>,
        %parallel_loop3A_676 = arith.index_cast %parallel_loop3A_666 : i32 to index
        %parallel_loop3A_677 = arith.constant 16 : index
        %parallel_loop3A_678 = tpu.vector_load %arg34[%parallel_loop3A_676, %parallel_loop3A_677] {strides = array<i32>} : memref<80x128xf32, #tpu.memory_space<vmem>>, vector<16xf32>,
        %parallel_loop3A_679 = arith.mulf %parallel_loop3A_678, %parallel_loop3A_668 : vector<16xf32>
        %parallel_loop3A_680 = arith.index_cast %parallel_loop3A_666 : i32 to index
        %parallel_loop3A_681 = arith.constant 16 : index
        %parallel_loop3A_682 = tpu.vector_load %arg34[%parallel_loop3A_680, %parallel_loop3A_681] {strides = array<i32>} : memref<80x128xf32, #tpu.memory_space<vmem>>, vector<16xf32>,
        tpu.vector_store %arg34[%parallel_loop3A_680, %parallel_loop3A_681], %parallel_loop3A_679 {strides = array<i32>} : memref<80x128xf32, #tpu.memory_space<vmem>>, vector<16xf32>,
        %parallel_loop3A_683 = arith.index_cast %parallel_loop3A_666 : i32 to index
        %parallel_loop3A_684 = arith.constant 32 : index
        %parallel_loop3A_685 = tpu.vector_load %arg34[%parallel_loop3A_683, %parallel_loop3A_684] {strides = array<i32>} : memref<80x128xf32, #tpu.memory_space<vmem>>, vector<16xf32>,
        %parallel_loop3A_686 = arith.mulf %parallel_loop3A_685, %parallel_loop3A_668 : vector<16xf32>
        %parallel_loop3A_687 = arith.index_cast %parallel_loop3A_666 : i32 to index
        %parallel_loop3A_688 = arith.constant 32 : index
        %parallel_loop3A_689 = tpu.vector_load %arg34[%parallel_loop3A_687, %parallel_loop3A_688] {strides = array<i32>} : memref<80x128xf32, #tpu.memory_space<vmem>>, vector<16xf32>,
        tpu.vector_store %arg34[%parallel_loop3A_687, %parallel_loop3A_688], %parallel_loop3A_686 {strides = array<i32>} : memref<80x128xf32, #tpu.memory_space<vmem>>, vector<16xf32>,
        %parallel_loop3A_690 = arith.index_cast %parallel_loop3A_666 : i32 to index
        %parallel_loop3A_691 = arith.constant 48 : index
        %parallel_loop3A_692 = tpu.vector_load %arg34[%parallel_loop3A_690, %parallel_loop3A_691] {strides = array<i32>} : memref<80x128xf32, #tpu.memory_space<vmem>>, vector<16xf32>,
        %parallel_loop3A_693 = arith.mulf %parallel_loop3A_692, %parallel_loop3A_668 : vector<16xf32>
        %parallel_loop3A_694 = arith.index_cast %parallel_loop3A_666 : i32 to index
        %parallel_loop3A_695 = arith.constant 48 : index
        %parallel_loop3A_696 = tpu.vector_load %arg34[%parallel_loop3A_694, %parallel_loop3A_695] {strides = array<i32>} : memref<80x128xf32, #tpu.memory_space<vmem>>, vector<16xf32>,
        tpu.vector_store %arg34[%parallel_loop3A_694, %parallel_loop3A_695], %parallel_loop3A_693 {strides = array<i32>} : memref<80x128xf32, #tpu.memory_space<vmem>>, vector<16xf32>,
        %parallel_loop3A_697 = arith.index_cast %parallel_loop3A_666 : i32 to index
        %parallel_loop3A_698 = arith.constant 64 : index
        %parallel_loop3A_699 = tpu.vector_load %arg34[%parallel_loop3A_697, %parallel_loop3A_698] {strides = array<i32>} : memref<80x128xf32, #tpu.memory_space<vmem>>, vector<16xf32>,
        %parallel_loop3A_700 = arith.mulf %parallel_loop3A_699, %parallel_loop3A_668 : vector<16xf32>
        %parallel_loop3A_701 = arith.index_cast %parallel_loop3A_666 : i32 to index
        %parallel_loop3A_702 = arith.constant 64 : index
        %parallel_loop3A_703 = tpu.vector_load %arg34[%parallel_loop3A_701, %parallel_loop3A_702] {strides = array<i32>} : memref<80x128xf32, #tpu.memory_space<vmem>>, vector<16xf32>,
        tpu.vector_store %arg34[%parallel_loop3A_701, %parallel_loop3A_702], %parallel_loop3A_700 {strides = array<i32>} : memref<80x128xf32, #tpu.memory_space<vmem>>, vector<16xf32>,
        %parallel_loop3A_704 = arith.index_cast %parallel_loop3A_666 : i32 to index
        %parallel_loop3A_705 = arith.constant 80 : index
        %parallel_loop3A_706 = tpu.vector_load %arg34[%parallel_loop3A_704, %parallel_loop3A_705] {strides = array<i32>} : memref<80x128xf32, #tpu.memory_space<vmem>>, vector<16xf32>,
        %parallel_loop3A_707 = arith.mulf %parallel_loop3A_706, %parallel_loop3A_668 : vector<16xf32>
        %parallel_loop3A_708 = arith.index_cast %parallel_loop3A_666 : i32 to index
        %parallel_loop3A_709 = arith.constant 80 : index
        %parallel_loop3A_710 = tpu.vector_load %arg34[%parallel_loop3A_708, %parallel_loop3A_709] {strides = array<i32>} : memref<80x128xf32, #tpu.memory_space<vmem>>, vector<16xf32>,
        tpu.vector_store %arg34[%parallel_loop3A_708, %parallel_loop3A_709], %parallel_loop3A_707 {strides = array<i32>} : memref<80x128xf32, #tpu.memory_space<vmem>>, vector<16xf32>,
        %parallel_loop3A_711 = arith.index_cast %parallel_loop3A_666 : i32 to index
        %parallel_loop3A_712 = arith.constant 96 : index
        %parallel_loop3A_713 = tpu.vector_load %arg34[%parallel_loop3A_711, %parallel_loop3A_712] {strides = array<i32>} : memref<80x128xf32, #tpu.memory_space<vmem>>, vector<16xf32>,
        %parallel_loop3A_714 = arith.mulf %parallel_loop3A_713, %parallel_loop3A_668 : vector<16xf32>
        %parallel_loop3A_715 = arith.index_cast %parallel_loop3A_666 : i32 to index
        %parallel_loop3A_716 = arith.constant 96 : index
        %parallel_loop3A_717 = tpu.vector_load %arg34[%parallel_loop3A_715, %parallel_loop3A_716] {strides = array<i32>} : memref<80x128xf32, #tpu.memory_space<vmem>>, vector<16xf32>,
        tpu.vector_store %arg34[%parallel_loop3A_715, %parallel_loop3A_716], %parallel_loop3A_714 {strides = array<i32>} : memref<80x128xf32, #tpu.memory_space<vmem>>, vector<16xf32>,
        %parallel_loop3A_718 = arith.index_cast %parallel_loop3A_666 : i32 to index
        %parallel_loop3A_719 = arith.constant 112 : index
        %parallel_loop3A_720 = tpu.vector_load %arg34[%parallel_loop3A_718, %parallel_loop3A_719] {strides = array<i32>} : memref<80x128xf32, #tpu.memory_space<vmem>>, vector<16xf32>,
        %parallel_loop3A_721 = arith.mulf %parallel_loop3A_720, %parallel_loop3A_668 : vector<16xf32>
        %parallel_loop3A_722 = arith.index_cast %parallel_loop3A_666 : i32 to index
        %parallel_loop3A_723 = arith.constant 112 : index
        %parallel_loop3A_724 = tpu.vector_load %arg34[%parallel_loop3A_722, %parallel_loop3A_723] {strides = array<i32>} : memref<80x128xf32, #tpu.memory_space<vmem>>, vector<16xf32>,
        tpu.vector_store %arg34[%parallel_loop3A_722, %parallel_loop3A_723], %parallel_loop3A_721 {strides = array<i32>} : memref<80x128xf32, #tpu.memory_space<vmem>>, vector<16xf32>,
      } {sc.loop_unroll_factor = 4 : i64, sc.parallel_access}
      %dma_start3A_395 = arith.constant 0 : i32
      %dma_start3A_396 = arith.constant 0 : i32
      %dma_start3A_397 = tpu.memref_slice %arg38[%dma_start3A_395, %dma_start3A_396] : memref<10240x128xf32, #tpu.memory_space<vmem_shared>> -> memref<10240x128xf32, #tpu.memory_space<vmem_shared>>
      tpu.enqueue_indirect_dma source(%arg34 : memref<80x128xf32, #tpu.memory_space<vmem>>) target(%dma_start3A_397 : memref<10240x128xf32, #tpu.memory_space<vmem_shared>>) offsets(%arg18 : memref<80xi32, #tpu.memory_space<vmem>>) semaphore(%arg61 : memref<!tpu.dma_semaphore, #tpu.memory_space<semaphore_mem>>) {add = true}
      %dma_start3A_398 = arith.constant 0 : i32
      %dma_start3A_399 = tpu.memref_slice %arg39[%dma_start3A_398] : memref<10240xf32, #tpu.memory_space<vmem_shared>> -> memref<10240xf32, #tpu.memory_space<vmem_shared>>
      tpu.enqueue_indirect_dma source(%arg30 : memref<80xf32, #tpu.memory_space<vmem>>) target(%dma_start3A_399 : memref<10240xf32, #tpu.memory_space<vmem_shared>>) offsets(%arg18 : memref<80xi32, #tpu.memory_space<vmem>>) semaphore(%arg65 : memref<!tpu.dma_semaphore, #tpu.memory_space<semaphore_mem>>) {add = true}
      %mul3A_400 = arith.constant 4 : i32
      %mul3A_401 = arith.muli %mul3A_400, %scan3A_140 : i32
      %add3A_402 = arith.constant 2 : i32
      %add3A_403 = arith.addi %mul3A_401, %add3A_402 : i32
      %ge3A_404 = arith.constant 2 : i32
      %ge3A_405 = arith.cmpi sge, %add3A_403, %ge3A_404 : i32
      %convert_element_type3A_406 = arith.extui %ge3A_405 : i1 to i32
      %cond3A_407 = arith.constant 0 : i32
      %cond3A_408 = arith.cmpi ne, %convert_element_type3A_406, %cond3A_407 : i32
      scf.if %cond3A_408 {
        %dma_wait3A_666 = arith.constant 0 : i32
        %dma_wait3A_667 = arith.constant 0 : i32
        %dma_wait3A_668 = tpu.memref_slice %arg38[%dma_wait3A_666, %dma_wait3A_667] : memref<10240x128xf32, #tpu.memory_space<vmem_shared>> -> memref<10240x128xf32, #tpu.memory_space<vmem_shared>>
        tpu.wait_indirect_dma semaphore(%arg60 : memref<!tpu.dma_semaphore, #tpu.memory_space<semaphore_mem>>) src(%arg33 : memref<80x128xf32, #tpu.memory_space<vmem>>) dst(%dma_wait3A_668 : memref<10240x128xf32, #tpu.memory_space<vmem_shared>>)
        %dma_wait3A_669 = arith.constant 0 : i32
        %dma_wait3A_670 = tpu.memref_slice %arg39[%dma_wait3A_669] : memref<10240xf32, #tpu.memory_space<vmem_shared>> -> memref<10240xf32, #tpu.memory_space<vmem_shared>>
        tpu.wait_indirect_dma semaphore(%arg64 : memref<!tpu.dma_semaphore, #tpu.memory_space<semaphore_mem>>) src(%arg29 : memref<80xf32, #tpu.memory_space<vmem>>) dst(%dma_wait3A_670 : memref<10240xf32, #tpu.memory_space<vmem_shared>>)
      } else {
      }
      %add3A_409 = arith.constant 2 : i32
      %add3A_410 = arith.addi %add3A_403, %add3A_409 : i32
      %le3A_411 = arith.constant 127 : i32
      %le3A_412 = arith.cmpi sle, %add3A_410, %le3A_411 : i32
      %convert_element_type3A_413 = arith.extui %le3A_412 : i1 to i32
      %cond3A_414 = arith.constant 0 : i32
      %cond3A_415 = arith.cmpi ne, %convert_element_type3A_413, %cond3A_414 : i32
      scf.if %cond3A_415 {
        %dma_wait3A_666 = arith.constant 0 : i32
        %dma_wait3A_667 = arith.constant 0 : i32
        %dma_wait3A_668 = arith.constant 0 : i32
        %dma_wait3A_669 = tpu.memref_slice %arg3[%dma_wait3A_666, %dma_wait3A_667, %dma_wait3A_668] : memref<32x128x80xi32, #tpu.memory_space<hbm>> -> memref<1x1x80xi32, #tpu.memory_space<hbm>>
        %dma_wait3A_670 = tpu.memref_squeeze %dma_wait3A_669 : memref<1x1x80xi32, #tpu.memory_space<hbm>> -> memref<80xi32, #tpu.memory_space<hbm>>
        %dma_wait3A_671 = arith.constant 0 : i32
        %dma_wait3A_672 = tpu.memref_slice %arg3[%dma_wait3A_666, %dma_wait3A_667, %dma_wait3A_671] : memref<32x128x80xi32, #tpu.memory_space<hbm>> -> memref<1x1x80xi32, #tpu.memory_space<hbm>>
        %dma_wait3A_673 = tpu.memref_squeeze %dma_wait3A_672 : memref<1x1x80xi32, #tpu.memory_space<hbm>> -> memref<80xi32, #tpu.memory_space<hbm>>
        tpu.wait_dma2 semaphore(%arg40 : memref<!tpu.dma_semaphore, #tpu.memory_space<semaphore_mem>>) src(%dma_wait3A_673 : memref<80xi32, #tpu.memory_space<hbm>>) dst(%arg9 : memref<80xi32, #tpu.memory_space<vmem>>)
        %dma_wait3A_674 = arith.constant 0 : i32
        %dma_wait3A_675 = arith.constant 0 : i32
        %dma_wait3A_676 = arith.constant 0 : i32
        %dma_wait3A_677 = tpu.memref_slice %arg4[%dma_wait3A_674, %dma_wait3A_675, %dma_wait3A_676] : memref<32x128x80xi32, #tpu.memory_space<hbm>> -> memref<1x1x80xi32, #tpu.memory_space<hbm>>
        %dma_wait3A_678 = tpu.memref_squeeze %dma_wait3A_677 : memref<1x1x80xi32, #tpu.memory_space<hbm>> -> memref<80xi32, #tpu.memory_space<hbm>>
        %dma_wait3A_679 = arith.constant 0 : i32
        %dma_wait3A_680 = tpu.memref_slice %arg4[%dma_wait3A_674, %dma_wait3A_675, %dma_wait3A_679] : memref<32x128x80xi32, #tpu.memory_space<hbm>> -> memref<1x1x80xi32, #tpu.memory_space<hbm>>
        %dma_wait3A_681 = tpu.memref_squeeze %dma_wait3A_680 : memref<1x1x80xi32, #tpu.memory_space<hbm>> -> memref<80xi32, #tpu.memory_space<hbm>>
        tpu.wait_dma2 semaphore(%arg44 : memref<!tpu.dma_semaphore, #tpu.memory_space<semaphore_mem>>) src(%dma_wait3A_681 : memref<80xi32, #tpu.memory_space<hbm>>) dst(%arg13 : memref<80xi32, #tpu.memory_space<vmem>>)
        %dma_start3A_682 = arith.constant 0 : i32
        %dma_start3A_683 = arith.constant 0 : i32
        %dma_start3A_684 = tpu.memref_slice %arg2[%dma_start3A_682, %dma_start3A_683] : memref<10000x128xf32, #tpu.memory_space<hbm>> -> memref<10000x128xf32, #tpu.memory_space<hbm>>
        tpu.enqueue_indirect_dma source(%dma_start3A_684 : memref<10000x128xf32, #tpu.memory_space<hbm>>) target(%arg33 : memref<80x128xf32, #tpu.memory_space<vmem>>) offsets(%arg9 : memref<80xi32, #tpu.memory_space<vmem>>) semaphore(%arg48 : memref<!tpu.dma_semaphore, #tpu.memory_space<semaphore_mem>>)
        %dma_start3A_685 = arith.constant 0 : i32
        %dma_start3A_686 = tpu.memref_slice %arg5[%dma_start3A_685] : memref<10000xf32, #tpu.memory_space<hbm>> -> memref<10000xf32, #tpu.memory_space<hbm>>
        tpu.enqueue_indirect_dma source(%dma_start3A_686 : memref<10000xf32, #tpu.memory_space<hbm>>) target(%arg21 : memref<80xf32, #tpu.memory_space<vmem>>) offsets(%arg9 : memref<80xi32, #tpu.memory_space<vmem>>) semaphore(%arg52 : memref<!tpu.dma_semaphore, #tpu.memory_space<semaphore_mem>>)
        %dma_start3A_687 = arith.constant 0 : i32
        %dma_start3A_688 = tpu.memref_slice %arg6[%dma_start3A_687] : memref<10240xf32, #tpu.memory_space<hbm>> -> memref<10240xf32, #tpu.memory_space<hbm>>
        tpu.enqueue_indirect_dma source(%dma_start3A_688 : memref<10240xf32, #tpu.memory_space<hbm>>) target(%arg25 : memref<80xf32, #tpu.memory_space<vmem>>) offsets(%arg13 : memref<80xi32, #tpu.memory_space<vmem>>) semaphore(%arg56 : memref<!tpu.dma_semaphore, #tpu.memory_space<semaphore_mem>>)
      } else {
      }
      %add3A_416 = arith.constant 3 : i32
      %add3A_417 = arith.addi %add3A_403, %add3A_416 : i32
      %le3A_418 = arith.constant 127 : i32
      %le3A_419 = arith.cmpi sle, %add3A_417, %le3A_418 : i32
      %convert_element_type3A_420 = arith.extui %le3A_419 : i1 to i32
      %cond3A_421 = arith.constant 0 : i32
      %cond3A_422 = arith.cmpi ne, %convert_element_type3A_420, %cond3A_421 : i32
      scf.if %cond3A_422 {
        %add3A_666 = arith.constant 3 : i32
        %add3A_667 = arith.addi %add3A_403, %add3A_666 : i32
        %dma_start3A_668 = arith.constant 0 : i32
        %dma_start3A_669 = tpu.memref_slice %arg3[%add3A, %add3A_667, %dma_start3A_668] : memref<32x128x80xi32, #tpu.memory_space<hbm>> -> memref<1x1x80xi32, #tpu.memory_space<hbm>>
        %dma_start3A_670 = tpu.memref_squeeze %dma_start3A_669 : memref<1x1x80xi32, #tpu.memory_space<hbm>> -> memref<80xi32, #tpu.memory_space<hbm>>
        %dma_start3A_671 = arith.constant 0 : i32
        %dma_start3A_672 = tpu.memref_slice %arg3[%add3A, %add3A_667, %dma_start3A_671] : memref<32x128x80xi32, #tpu.memory_space<hbm>> -> memref<1x1x80xi32, #tpu.memory_space<hbm>>
        %dma_start3A_673 = tpu.memref_squeeze %dma_start3A_672 : memref<1x1x80xi32, #tpu.memory_space<hbm>> -> memref<80xi32, #tpu.memory_space<hbm>>
        tpu.enqueue_dma source(%dma_start3A_673 : memref<80xi32, #tpu.memory_space<hbm>>) target(%arg10 : memref<80xi32, #tpu.memory_space<vmem>>) target_semaphore(%arg41 : memref<!tpu.dma_semaphore, #tpu.memory_space<semaphore_mem>>)
        %dma_start3A_674 = arith.constant 0 : i32
        %dma_start3A_675 = tpu.memref_slice %arg4[%add3A, %add3A_667, %dma_start3A_674] : memref<32x128x80xi32, #tpu.memory_space<hbm>> -> memref<1x1x80xi32, #tpu.memory_space<hbm>>
        %dma_start3A_676 = tpu.memref_squeeze %dma_start3A_675 : memref<1x1x80xi32, #tpu.memory_space<hbm>> -> memref<80xi32, #tpu.memory_space<hbm>>
        %dma_start3A_677 = arith.constant 0 : i32
        %dma_start3A_678 = tpu.memref_slice %arg4[%add3A, %add3A_667, %dma_start3A_677] : memref<32x128x80xi32, #tpu.memory_space<hbm>> -> memref<1x1x80xi32, #tpu.memory_space<hbm>>
        %dma_start3A_679 = tpu.memref_squeeze %dma_start3A_678 : memref<1x1x80xi32, #tpu.memory_space<hbm>> -> memref<80xi32, #tpu.memory_space<hbm>>
        tpu.enqueue_dma source(%dma_start3A_679 : memref<80xi32, #tpu.memory_space<hbm>>) target(%arg14 : memref<80xi32, #tpu.memory_space<vmem>>) target_semaphore(%arg45 : memref<!tpu.dma_semaphore, #tpu.memory_space<semaphore_mem>>)
      } else {
      }
      %dma_wait3A_423 = arith.constant 0 : i32
      %dma_wait3A_424 = tpu.memref_slice %arg5[%dma_wait3A_423] : memref<10000xf32, #tpu.memory_space<hbm>> -> memref<10000xf32, #tpu.memory_space<hbm>>
      tpu.wait_indirect_dma semaphore(%arg54 : memref<!tpu.dma_semaphore, #tpu.memory_space<semaphore_mem>>) src(%dma_wait3A_424 : memref<10000xf32, #tpu.memory_space<hbm>>) dst(%arg23 : memref<80xf32, #tpu.memory_space<vmem>>)
      %dma_wait3A_425 = arith.constant 0 : i32
      %dma_wait3A_426 = tpu.memref_slice %arg6[%dma_wait3A_425] : memref<10240xf32, #tpu.memory_space<hbm>> -> memref<10240xf32, #tpu.memory_space<hbm>>
      tpu.wait_indirect_dma semaphore(%arg58 : memref<!tpu.dma_semaphore, #tpu.memory_space<semaphore_mem>>) src(%dma_wait3A_426 : memref<10240xf32, #tpu.memory_space<hbm>>) dst(%arg27 : memref<80xf32, #tpu.memory_space<vmem>>)
      %dma_wait3A_427 = arith.constant 0 : i32
      %dma_wait3A_428 = arith.constant 0 : i32
      %dma_wait3A_429 = tpu.memref_slice %arg2[%dma_wait3A_427, %dma_wait3A_428] : memref<10000x128xf32, #tpu.memory_space<hbm>> -> memref<10000x128xf32, #tpu.memory_space<hbm>>
      tpu.wait_indirect_dma semaphore(%arg50 : memref<!tpu.dma_semaphore, #tpu.memory_space<semaphore_mem>>) src(%dma_wait3A_429 : memref<10000x128xf32, #tpu.memory_space<hbm>>) dst(%arg35 : memref<80x128xf32, #tpu.memory_space<vmem>>)
      %get3A_430 = arith.constant 0 : index
      %get3A_431 = tpu.vector_load %arg15[%get3A_430] {strides = array<i32>} : memref<80xi32, #tpu.memory_space<vmem>>, vector<16xi32>,
      %swap3A_432 = arith.constant 0 : index
      %swap3A_433 = tpu.vector_load %arg19[%swap3A_432] {strides = array<i32>} : memref<80xi32, #tpu.memory_space<vmem>>, vector<16xi32>,
      tpu.vector_store %arg19[%swap3A_432], %get3A_431 {strides = array<i32>} : memref<80xi32, #tpu.memory_space<vmem>>, vector<16xi32>,
      %get3A_434 = arith.constant 0 : index
      %get3A_435 = tpu.vector_load %arg23[%get3A_434] {strides = array<i32>} : memref<80xf32, #tpu.memory_space<vmem>>, vector<16xf32>,
      %get3A_436 = arith.constant 0 : index
      %get3A_437 = tpu.vector_load %arg27[%get3A_436] {strides = array<i32>} : memref<80xf32, #tpu.memory_space<vmem>>, vector<16xf32>,
      %add3A_438 = arith.addf %get3A_435, %get3A_437 : vector<16xf32>
      %ge3A_439 = arith.constant 0.000000e+00 : f32
      %ge3A_440 = vector.broadcast %ge3A_439 : f32 to vector<16xf32>
      %ge3A_441 = arith.cmpf oge, %add3A_438, %ge3A_440 : vector<16xf32>
      %mul3A_442 = arith.constant 0.00999999977 : f32
      %mul3A_443 = vector.broadcast %mul3A_442 : f32 to vector<16xf32>
      %mul3A_444 = arith.mulf %mul3A_443, %add3A_438 : vector<16xf32>
      %select_n3A_445 = arith.select %ge3A_441, %add3A_438, %mul3A_444 : vector<16xi1>, vector<16xf32>
      %exp3A_446 = math.exp %select_n3A_445 : vector<16xf32>
      %swap3A_447 = arith.constant 0 : index
      %swap3A_448 = tpu.vector_load %arg31[%swap3A_447] {strides = array<i32>} : memref<80xf32, #tpu.memory_space<vmem>>, vector<16xf32>,
      tpu.vector_store %arg31[%swap3A_447], %exp3A_446 {strides = array<i32>} : memref<80xf32, #tpu.memory_space<vmem>>, vector<16xf32>,
      %get3A_449 = arith.constant 16 : index
      %get3A_450 = tpu.vector_load %arg15[%get3A_449] {strides = array<i32>} : memref<80xi32, #tpu.memory_space<vmem>>, vector<16xi32>,
      %swap3A_451 = arith.constant 16 : index
      %swap3A_452 = tpu.vector_load %arg19[%swap3A_451] {strides = array<i32>} : memref<80xi32, #tpu.memory_space<vmem>>, vector<16xi32>,
      tpu.vector_store %arg19[%swap3A_451], %get3A_450 {strides = array<i32>} : memref<80xi32, #tpu.memory_space<vmem>>, vector<16xi32>,
      %get3A_453 = arith.constant 16 : index
      %get3A_454 = tpu.vector_load %arg23[%get3A_453] {strides = array<i32>} : memref<80xf32, #tpu.memory_space<vmem>>, vector<16xf32>,
      %get3A_455 = arith.constant 16 : index
      %get3A_456 = tpu.vector_load %arg27[%get3A_455] {strides = array<i32>} : memref<80xf32, #tpu.memory_space<vmem>>, vector<16xf32>,
      %add3A_457 = arith.addf %get3A_454, %get3A_456 : vector<16xf32>
      %ge3A_458 = arith.constant 0.000000e+00 : f32
      %ge3A_459 = vector.broadcast %ge3A_458 : f32 to vector<16xf32>
      %ge3A_460 = arith.cmpf oge, %add3A_457, %ge3A_459 : vector<16xf32>
      %mul3A_461 = arith.constant 0.00999999977 : f32
      %mul3A_462 = vector.broadcast %mul3A_461 : f32 to vector<16xf32>
      %mul3A_463 = arith.mulf %mul3A_462, %add3A_457 : vector<16xf32>
      %select_n3A_464 = arith.select %ge3A_460, %add3A_457, %mul3A_463 : vector<16xi1>, vector<16xf32>
      %exp3A_465 = math.exp %select_n3A_464 : vector<16xf32>
      %swap3A_466 = arith.constant 16 : index
      %swap3A_467 = tpu.vector_load %arg31[%swap3A_466] {strides = array<i32>} : memref<80xf32, #tpu.memory_space<vmem>>, vector<16xf32>,
      tpu.vector_store %arg31[%swap3A_466], %exp3A_465 {strides = array<i32>} : memref<80xf32, #tpu.memory_space<vmem>>, vector<16xf32>,
      %get3A_468 = arith.constant 32 : index
      %get3A_469 = tpu.vector_load %arg15[%get3A_468] {strides = array<i32>} : memref<80xi32, #tpu.memory_space<vmem>>, vector<16xi32>,
      %swap3A_470 = arith.constant 32 : index
      %swap3A_471 = tpu.vector_load %arg19[%swap3A_470] {strides = array<i32>} : memref<80xi32, #tpu.memory_space<vmem>>, vector<16xi32>,
      tpu.vector_store %arg19[%swap3A_470], %get3A_469 {strides = array<i32>} : memref<80xi32, #tpu.memory_space<vmem>>, vector<16xi32>,
      %get3A_472 = arith.constant 32 : index
      %get3A_473 = tpu.vector_load %arg23[%get3A_472] {strides = array<i32>} : memref<80xf32, #tpu.memory_space<vmem>>, vector<16xf32>,
      %get3A_474 = arith.constant 32 : index
      %get3A_475 = tpu.vector_load %arg27[%get3A_474] {strides = array<i32>} : memref<80xf32, #tpu.memory_space<vmem>>, vector<16xf32>,
      %add3A_476 = arith.addf %get3A_473, %get3A_475 : vector<16xf32>
      %ge3A_477 = arith.constant 0.000000e+00 : f32
      %ge3A_478 = vector.broadcast %ge3A_477 : f32 to vector<16xf32>
      %ge3A_479 = arith.cmpf oge, %add3A_476, %ge3A_478 : vector<16xf32>
      %mul3A_480 = arith.constant 0.00999999977 : f32
      %mul3A_481 = vector.broadcast %mul3A_480 : f32 to vector<16xf32>
      %mul3A_482 = arith.mulf %mul3A_481, %add3A_476 : vector<16xf32>
      %select_n3A_483 = arith.select %ge3A_479, %add3A_476, %mul3A_482 : vector<16xi1>, vector<16xf32>
      %exp3A_484 = math.exp %select_n3A_483 : vector<16xf32>
      %swap3A_485 = arith.constant 32 : index
      %swap3A_486 = tpu.vector_load %arg31[%swap3A_485] {strides = array<i32>} : memref<80xf32, #tpu.memory_space<vmem>>, vector<16xf32>,
      tpu.vector_store %arg31[%swap3A_485], %exp3A_484 {strides = array<i32>} : memref<80xf32, #tpu.memory_space<vmem>>, vector<16xf32>,
      %get3A_487 = arith.constant 48 : index
      %get3A_488 = tpu.vector_load %arg15[%get3A_487] {strides = array<i32>} : memref<80xi32, #tpu.memory_space<vmem>>, vector<16xi32>,
      %swap3A_489 = arith.constant 48 : index
      %swap3A_490 = tpu.vector_load %arg19[%swap3A_489] {strides = array<i32>} : memref<80xi32, #tpu.memory_space<vmem>>, vector<16xi32>,
      tpu.vector_store %arg19[%swap3A_489], %get3A_488 {strides = array<i32>} : memref<80xi32, #tpu.memory_space<vmem>>, vector<16xi32>,
      %get3A_491 = arith.constant 48 : index
      %get3A_492 = tpu.vector_load %arg23[%get3A_491] {strides = array<i32>} : memref<80xf32, #tpu.memory_space<vmem>>, vector<16xf32>,
      %get3A_493 = arith.constant 48 : index
      %get3A_494 = tpu.vector_load %arg27[%get3A_493] {strides = array<i32>} : memref<80xf32, #tpu.memory_space<vmem>>, vector<16xf32>,
      %add3A_495 = arith.addf %get3A_492, %get3A_494 : vector<16xf32>
      %ge3A_496 = arith.constant 0.000000e+00 : f32
      %ge3A_497 = vector.broadcast %ge3A_496 : f32 to vector<16xf32>
      %ge3A_498 = arith.cmpf oge, %add3A_495, %ge3A_497 : vector<16xf32>
      %mul3A_499 = arith.constant 0.00999999977 : f32
      %mul3A_500 = vector.broadcast %mul3A_499 : f32 to vector<16xf32>
      %mul3A_501 = arith.mulf %mul3A_500, %add3A_495 : vector<16xf32>
      %select_n3A_502 = arith.select %ge3A_498, %add3A_495, %mul3A_501 : vector<16xi1>, vector<16xf32>
      %exp3A_503 = math.exp %select_n3A_502 : vector<16xf32>
      %swap3A_504 = arith.constant 48 : index
      %swap3A_505 = tpu.vector_load %arg31[%swap3A_504] {strides = array<i32>} : memref<80xf32, #tpu.memory_space<vmem>>, vector<16xf32>,
      tpu.vector_store %arg31[%swap3A_504], %exp3A_503 {strides = array<i32>} : memref<80xf32, #tpu.memory_space<vmem>>, vector<16xf32>,
      %get3A_506 = arith.constant 64 : index
      %get3A_507 = tpu.vector_load %arg15[%get3A_506] {strides = array<i32>} : memref<80xi32, #tpu.memory_space<vmem>>, vector<16xi32>,
      %swap3A_508 = arith.constant 64 : index
      %swap3A_509 = tpu.vector_load %arg19[%swap3A_508] {strides = array<i32>} : memref<80xi32, #tpu.memory_space<vmem>>, vector<16xi32>,
      tpu.vector_store %arg19[%swap3A_508], %get3A_507 {strides = array<i32>} : memref<80xi32, #tpu.memory_space<vmem>>, vector<16xi32>,
      %get3A_510 = arith.constant 64 : index
      %get3A_511 = tpu.vector_load %arg23[%get3A_510] {strides = array<i32>} : memref<80xf32, #tpu.memory_space<vmem>>, vector<16xf32>,
      %get3A_512 = arith.constant 64 : index
      %get3A_513 = tpu.vector_load %arg27[%get3A_512] {strides = array<i32>} : memref<80xf32, #tpu.memory_space<vmem>>, vector<16xf32>,
      %add3A_514 = arith.addf %get3A_511, %get3A_513 : vector<16xf32>
      %ge3A_515 = arith.constant 0.000000e+00 : f32
      %ge3A_516 = vector.broadcast %ge3A_515 : f32 to vector<16xf32>
      %ge3A_517 = arith.cmpf oge, %add3A_514, %ge3A_516 : vector<16xf32>
      %mul3A_518 = arith.constant 0.00999999977 : f32
      %mul3A_519 = vector.broadcast %mul3A_518 : f32 to vector<16xf32>
      %mul3A_520 = arith.mulf %mul3A_519, %add3A_514 : vector<16xf32>
      %select_n3A_521 = arith.select %ge3A_517, %add3A_514, %mul3A_520 : vector<16xi1>, vector<16xf32>
      %exp3A_522 = math.exp %select_n3A_521 : vector<16xf32>
      %swap3A_523 = arith.constant 64 : index
      %swap3A_524 = tpu.vector_load %arg31[%swap3A_523] {strides = array<i32>} : memref<80xf32, #tpu.memory_space<vmem>>, vector<16xf32>,
      tpu.vector_store %arg31[%swap3A_523], %exp3A_522 {strides = array<i32>} : memref<80xf32, #tpu.memory_space<vmem>>, vector<16xf32>,
      %parallel_loop3A_525 = arith.constant 0 : i32
      %parallel_loop3A_526 = arith.constant 80 : i32
      %parallel_loop3A_527 = arith.constant 1 : i32
      scf.for %parallel_loop3A_666 = %parallel_loop3A_525 to %parallel_loop3A_526 step %parallel_loop3A_527  : i32 {
        %parallel_loop3A_667 = vector.broadcast %parallel_loop3A_666 : i32 to vector<16xi32>
        %parallel_loop3A_668 = tpu.vector_load_idx %arg31[%parallel_loop3A_667] : memref<80xf32, #tpu.memory_space<vmem>>[vector<16xi32>], vector<16xf32>,
        %parallel_loop3A_669 = arith.index_cast %parallel_loop3A_666 : i32 to index
        %parallel_loop3A_670 = arith.constant 0 : index
        %parallel_loop3A_671 = tpu.vector_load %arg35[%parallel_loop3A_669, %parallel_loop3A_670] {strides = array<i32>} : memref<80x128xf32, #tpu.memory_space<vmem>>, vector<16xf32>,
        %parallel_loop3A_672 = arith.mulf %parallel_loop3A_671, %parallel_loop3A_668 : vector<16xf32>
        %parallel_loop3A_673 = arith.index_cast %parallel_loop3A_666 : i32 to index
        %parallel_loop3A_674 = arith.constant 0 : index
        %parallel_loop3A_675 = tpu.vector_load %arg35[%parallel_loop3A_673, %parallel_loop3A_674] {strides = array<i32>} : memref<80x128xf32, #tpu.memory_space<vmem>>, vector<16xf32>,
        tpu.vector_store %arg35[%parallel_loop3A_673, %parallel_loop3A_674], %parallel_loop3A_672 {strides = array<i32>} : memref<80x128xf32, #tpu.memory_space<vmem>>, vector<16xf32>,
        %parallel_loop3A_676 = arith.index_cast %parallel_loop3A_666 : i32 to index
        %parallel_loop3A_677 = arith.constant 16 : index
        %parallel_loop3A_678 = tpu.vector_load %arg35[%parallel_loop3A_676, %parallel_loop3A_677] {strides = array<i32>} : memref<80x128xf32, #tpu.memory_space<vmem>>, vector<16xf32>,
        %parallel_loop3A_679 = arith.mulf %parallel_loop3A_678, %parallel_loop3A_668 : vector<16xf32>
        %parallel_loop3A_680 = arith.index_cast %parallel_loop3A_666 : i32 to index
        %parallel_loop3A_681 = arith.constant 16 : index
        %parallel_loop3A_682 = tpu.vector_load %arg35[%parallel_loop3A_680, %parallel_loop3A_681] {strides = array<i32>} : memref<80x128xf32, #tpu.memory_space<vmem>>, vector<16xf32>,
        tpu.vector_store %arg35[%parallel_loop3A_680, %parallel_loop3A_681], %parallel_loop3A_679 {strides = array<i32>} : memref<80x128xf32, #tpu.memory_space<vmem>>, vector<16xf32>,
        %parallel_loop3A_683 = arith.index_cast %parallel_loop3A_666 : i32 to index
        %parallel_loop3A_684 = arith.constant 32 : index
        %parallel_loop3A_685 = tpu.vector_load %arg35[%parallel_loop3A_683, %parallel_loop3A_684] {strides = array<i32>} : memref<80x128xf32, #tpu.memory_space<vmem>>, vector<16xf32>,
        %parallel_loop3A_686 = arith.mulf %parallel_loop3A_685, %parallel_loop3A_668 : vector<16xf32>
        %parallel_loop3A_687 = arith.index_cast %parallel_loop3A_666 : i32 to index
        %parallel_loop3A_688 = arith.constant 32 : index
        %parallel_loop3A_689 = tpu.vector_load %arg35[%parallel_loop3A_687, %parallel_loop3A_688] {strides = array<i32>} : memref<80x128xf32, #tpu.memory_space<vmem>>, vector<16xf32>,
        tpu.vector_store %arg35[%parallel_loop3A_687, %parallel_loop3A_688], %parallel_loop3A_686 {strides = array<i32>} : memref<80x128xf32, #tpu.memory_space<vmem>>, vector<16xf32>,
        %parallel_loop3A_690 = arith.index_cast %parallel_loop3A_666 : i32 to index
        %parallel_loop3A_691 = arith.constant 48 : index
        %parallel_loop3A_692 = tpu.vector_load %arg35[%parallel_loop3A_690, %parallel_loop3A_691] {strides = array<i32>} : memref<80x128xf32, #tpu.memory_space<vmem>>, vector<16xf32>,
        %parallel_loop3A_693 = arith.mulf %parallel_loop3A_692, %parallel_loop3A_668 : vector<16xf32>
        %parallel_loop3A_694 = arith.index_cast %parallel_loop3A_666 : i32 to index
        %parallel_loop3A_695 = arith.constant 48 : index
        %parallel_loop3A_696 = tpu.vector_load %arg35[%parallel_loop3A_694, %parallel_loop3A_695] {strides = array<i32>} : memref<80x128xf32, #tpu.memory_space<vmem>>, vector<16xf32>,
        tpu.vector_store %arg35[%parallel_loop3A_694, %parallel_loop3A_695], %parallel_loop3A_693 {strides = array<i32>} : memref<80x128xf32, #tpu.memory_space<vmem>>, vector<16xf32>,
        %parallel_loop3A_697 = arith.index_cast %parallel_loop3A_666 : i32 to index
        %parallel_loop3A_698 = arith.constant 64 : index
        %parallel_loop3A_699 = tpu.vector_load %arg35[%parallel_loop3A_697, %parallel_loop3A_698] {strides = array<i32>} : memref<80x128xf32, #tpu.memory_space<vmem>>, vector<16xf32>,
        %parallel_loop3A_700 = arith.mulf %parallel_loop3A_699, %parallel_loop3A_668 : vector<16xf32>
        %parallel_loop3A_701 = arith.index_cast %parallel_loop3A_666 : i32 to index
        %parallel_loop3A_702 = arith.constant 64 : index
        %parallel_loop3A_703 = tpu.vector_load %arg35[%parallel_loop3A_701, %parallel_loop3A_702] {strides = array<i32>} : memref<80x128xf32, #tpu.memory_space<vmem>>, vector<16xf32>,
        tpu.vector_store %arg35[%parallel_loop3A_701, %parallel_loop3A_702], %parallel_loop3A_700 {strides = array<i32>} : memref<80x128xf32, #tpu.memory_space<vmem>>, vector<16xf32>,
        %parallel_loop3A_704 = arith.index_cast %parallel_loop3A_666 : i32 to index
        %parallel_loop3A_705 = arith.constant 80 : index
        %parallel_loop3A_706 = tpu.vector_load %arg35[%parallel_loop3A_704, %parallel_loop3A_705] {strides = array<i32>} : memref<80x128xf32, #tpu.memory_space<vmem>>, vector<16xf32>,
        %parallel_loop3A_707 = arith.mulf %parallel_loop3A_706, %parallel_loop3A_668 : vector<16xf32>
        %parallel_loop3A_708 = arith.index_cast %parallel_loop3A_666 : i32 to index
        %parallel_loop3A_709 = arith.constant 80 : index
        %parallel_loop3A_710 = tpu.vector_load %arg35[%parallel_loop3A_708, %parallel_loop3A_709] {strides = array<i32>} : memref<80x128xf32, #tpu.memory_space<vmem>>, vector<16xf32>,
        tpu.vector_store %arg35[%parallel_loop3A_708, %parallel_loop3A_709], %parallel_loop3A_707 {strides = array<i32>} : memref<80x128xf32, #tpu.memory_space<vmem>>, vector<16xf32>,
        %parallel_loop3A_711 = arith.index_cast %parallel_loop3A_666 : i32 to index
        %parallel_loop3A_712 = arith.constant 96 : index
        %parallel_loop3A_713 = tpu.vector_load %arg35[%parallel_loop3A_711, %parallel_loop3A_712] {strides = array<i32>} : memref<80x128xf32, #tpu.memory_space<vmem>>, vector<16xf32>,
        %parallel_loop3A_714 = arith.mulf %parallel_loop3A_713, %parallel_loop3A_668 : vector<16xf32>
        %parallel_loop3A_715 = arith.index_cast %parallel_loop3A_666 : i32 to index
        %parallel_loop3A_716 = arith.constant 96 : index
        %parallel_loop3A_717 = tpu.vector_load %arg35[%parallel_loop3A_715, %parallel_loop3A_716] {strides = array<i32>} : memref<80x128xf32, #tpu.memory_space<vmem>>, vector<16xf32>,
        tpu.vector_store %arg35[%parallel_loop3A_715, %parallel_loop3A_716], %parallel_loop3A_714 {strides = array<i32>} : memref<80x128xf32, #tpu.memory_space<vmem>>, vector<16xf32>,
        %parallel_loop3A_718 = arith.index_cast %parallel_loop3A_666 : i32 to index
        %parallel_loop3A_719 = arith.constant 112 : index
        %parallel_loop3A_720 = tpu.vector_load %arg35[%parallel_loop3A_718, %parallel_loop3A_719] {strides = array<i32>} : memref<80x128xf32, #tpu.memory_space<vmem>>, vector<16xf32>,
        %parallel_loop3A_721 = arith.mulf %parallel_loop3A_720, %parallel_loop3A_668 : vector<16xf32>
        %parallel_loop3A_722 = arith.index_cast %parallel_loop3A_666 : i32 to index
        %parallel_loop3A_723 = arith.constant 112 : index
        %parallel_loop3A_724 = tpu.vector_load %arg35[%parallel_loop3A_722, %parallel_loop3A_723] {strides = array<i32>} : memref<80x128xf32, #tpu.memory_space<vmem>>, vector<16xf32>,
        tpu.vector_store %arg35[%parallel_loop3A_722, %parallel_loop3A_723], %parallel_loop3A_721 {strides = array<i32>} : memref<80x128xf32, #tpu.memory_space<vmem>>, vector<16xf32>,
      } {sc.loop_unroll_factor = 4 : i64, sc.parallel_access}
      %dma_start3A_528 = arith.constant 0 : i32
      %dma_start3A_529 = arith.constant 0 : i32
      %dma_start3A_530 = tpu.memref_slice %arg38[%dma_start3A_528, %dma_start3A_529] : memref<10240x128xf32, #tpu.memory_space<vmem_shared>> -> memref<10240x128xf32, #tpu.memory_space<vmem_shared>>
      tpu.enqueue_indirect_dma source(%arg35 : memref<80x128xf32, #tpu.memory_space<vmem>>) target(%dma_start3A_530 : memref<10240x128xf32, #tpu.memory_space<vmem_shared>>) offsets(%arg19 : memref<80xi32, #tpu.memory_space<vmem>>) semaphore(%arg62 : memref<!tpu.dma_semaphore, #tpu.memory_space<semaphore_mem>>) {add = true}
      %dma_start3A_531 = arith.constant 0 : i32
      %dma_start3A_532 = tpu.memref_slice %arg39[%dma_start3A_531] : memref<10240xf32, #tpu.memory_space<vmem_shared>> -> memref<10240xf32, #tpu.memory_space<vmem_shared>>
      tpu.enqueue_indirect_dma source(%arg31 : memref<80xf32, #tpu.memory_space<vmem>>) target(%dma_start3A_532 : memref<10240xf32, #tpu.memory_space<vmem_shared>>) offsets(%arg19 : memref<80xi32, #tpu.memory_space<vmem>>) semaphore(%arg66 : memref<!tpu.dma_semaphore, #tpu.memory_space<semaphore_mem>>) {add = true}
      %mul3A_533 = arith.constant 4 : i32
      %mul3A_534 = arith.muli %mul3A_533, %scan3A_140 : i32
      %add3A_535 = arith.constant 3 : i32
      %add3A_536 = arith.addi %mul3A_534, %add3A_535 : i32
      %ge3A_537 = arith.constant 2 : i32
      %ge3A_538 = arith.cmpi sge, %add3A_536, %ge3A_537 : i32
      %convert_element_type3A_539 = arith.extui %ge3A_538 : i1 to i32
      %cond3A_540 = arith.constant 0 : i32
      %cond3A_541 = arith.cmpi ne, %convert_element_type3A_539, %cond3A_540 : i32
      scf.if %cond3A_541 {
        %dma_wait3A_666 = arith.constant 0 : i32
        %dma_wait3A_667 = arith.constant 0 : i32
        %dma_wait3A_668 = tpu.memref_slice %arg38[%dma_wait3A_666, %dma_wait3A_667] : memref<10240x128xf32, #tpu.memory_space<vmem_shared>> -> memref<10240x128xf32, #tpu.memory_space<vmem_shared>>
        tpu.wait_indirect_dma semaphore(%arg61 : memref<!tpu.dma_semaphore, #tpu.memory_space<semaphore_mem>>) src(%arg34 : memref<80x128xf32, #tpu.memory_space<vmem>>) dst(%dma_wait3A_668 : memref<10240x128xf32, #tpu.memory_space<vmem_shared>>)
        %dma_wait3A_669 = arith.constant 0 : i32
        %dma_wait3A_670 = tpu.memref_slice %arg39[%dma_wait3A_669] : memref<10240xf32, #tpu.memory_space<vmem_shared>> -> memref<10240xf32, #tpu.memory_space<vmem_shared>>
        tpu.wait_indirect_dma semaphore(%arg65 : memref<!tpu.dma_semaphore, #tpu.memory_space<semaphore_mem>>) src(%arg30 : memref<80xf32, #tpu.memory_space<vmem>>) dst(%dma_wait3A_670 : memref<10240xf32, #tpu.memory_space<vmem_shared>>)
      } else {
      }
      %add3A_542 = arith.constant 2 : i32
      %add3A_543 = arith.addi %add3A_536, %add3A_542 : i32
      %le3A_544 = arith.constant 127 : i32
      %le3A_545 = arith.cmpi sle, %add3A_543, %le3A_544 : i32
      %convert_element_type3A_546 = arith.extui %le3A_545 : i1 to i32
      %cond3A_547 = arith.constant 0 : i32
      %cond3A_548 = arith.cmpi ne, %convert_element_type3A_546, %cond3A_547 : i32
      scf.if %cond3A_548 {
        %dma_wait3A_666 = arith.constant 0 : i32
        %dma_wait3A_667 = arith.constant 0 : i32
        %dma_wait3A_668 = arith.constant 0 : i32
        %dma_wait3A_669 = tpu.memref_slice %arg3[%dma_wait3A_666, %dma_wait3A_667, %dma_wait3A_668] : memref<32x128x80xi32, #tpu.memory_space<hbm>> -> memref<1x1x80xi32, #tpu.memory_space<hbm>>
        %dma_wait3A_670 = tpu.memref_squeeze %dma_wait3A_669 : memref<1x1x80xi32, #tpu.memory_space<hbm>> -> memref<80xi32, #tpu.memory_space<hbm>>
        %dma_wait3A_671 = arith.constant 0 : i32
        %dma_wait3A_672 = tpu.memref_slice %arg3[%dma_wait3A_666, %dma_wait3A_667, %dma_wait3A_671] : memref<32x128x80xi32, #tpu.memory_space<hbm>> -> memref<1x1x80xi32, #tpu.memory_space<hbm>>
        %dma_wait3A_673 = tpu.memref_squeeze %dma_wait3A_672 : memref<1x1x80xi32, #tpu.memory_space<hbm>> -> memref<80xi32, #tpu.memory_space<hbm>>
        tpu.wait_dma2 semaphore(%arg41 : memref<!tpu.dma_semaphore, #tpu.memory_space<semaphore_mem>>) src(%dma_wait3A_673 : memref<80xi32, #tpu.memory_space<hbm>>) dst(%arg10 : memref<80xi32, #tpu.memory_space<vmem>>)
        %dma_wait3A_674 = arith.constant 0 : i32
        %dma_wait3A_675 = arith.constant 0 : i32
        %dma_wait3A_676 = arith.constant 0 : i32
        %dma_wait3A_677 = tpu.memref_slice %arg4[%dma_wait3A_674, %dma_wait3A_675, %dma_wait3A_676] : memref<32x128x80xi32, #tpu.memory_space<hbm>> -> memref<1x1x80xi32, #tpu.memory_space<hbm>>
        %dma_wait3A_678 = tpu.memref_squeeze %dma_wait3A_677 : memref<1x1x80xi32, #tpu.memory_space<hbm>> -> memref<80xi32, #tpu.memory_space<hbm>>
        %dma_wait3A_679 = arith.constant 0 : i32
        %dma_wait3A_680 = tpu.memref_slice %arg4[%dma_wait3A_674, %dma_wait3A_675, %dma_wait3A_679] : memref<32x128x80xi32, #tpu.memory_space<hbm>> -> memref<1x1x80xi32, #tpu.memory_space<hbm>>
        %dma_wait3A_681 = tpu.memref_squeeze %dma_wait3A_680 : memref<1x1x80xi32, #tpu.memory_space<hbm>> -> memref<80xi32, #tpu.memory_space<hbm>>
        tpu.wait_dma2 semaphore(%arg45 : memref<!tpu.dma_semaphore, #tpu.memory_space<semaphore_mem>>) src(%dma_wait3A_681 : memref<80xi32, #tpu.memory_space<hbm>>) dst(%arg14 : memref<80xi32, #tpu.memory_space<vmem>>)
        %dma_start3A_682 = arith.constant 0 : i32
        %dma_start3A_683 = arith.constant 0 : i32
        %dma_start3A_684 = tpu.memref_slice %arg2[%dma_start3A_682, %dma_start3A_683] : memref<10000x128xf32, #tpu.memory_space<hbm>> -> memref<10000x128xf32, #tpu.memory_space<hbm>>
        tpu.enqueue_indirect_dma source(%dma_start3A_684 : memref<10000x128xf32, #tpu.memory_space<hbm>>) target(%arg34 : memref<80x128xf32, #tpu.memory_space<vmem>>) offsets(%arg10 : memref<80xi32, #tpu.memory_space<vmem>>) semaphore(%arg49 : memref<!tpu.dma_semaphore, #tpu.memory_space<semaphore_mem>>)
        %dma_start3A_685 = arith.constant 0 : i32
        %dma_start3A_686 = tpu.memref_slice %arg5[%dma_start3A_685] : memref<10000xf32, #tpu.memory_space<hbm>> -> memref<10000xf32, #tpu.memory_space<hbm>>
        tpu.enqueue_indirect_dma source(%dma_start3A_686 : memref<10000xf32, #tpu.memory_space<hbm>>) target(%arg22 : memref<80xf32, #tpu.memory_space<vmem>>) offsets(%arg10 : memref<80xi32, #tpu.memory_space<vmem>>) semaphore(%arg53 : memref<!tpu.dma_semaphore, #tpu.memory_space<semaphore_mem>>)
        %dma_start3A_687 = arith.constant 0 : i32
        %dma_start3A_688 = tpu.memref_slice %arg6[%dma_start3A_687] : memref<10240xf32, #tpu.memory_space<hbm>> -> memref<10240xf32, #tpu.memory_space<hbm>>
        tpu.enqueue_indirect_dma source(%dma_start3A_688 : memref<10240xf32, #tpu.memory_space<hbm>>) target(%arg26 : memref<80xf32, #tpu.memory_space<vmem>>) offsets(%arg14 : memref<80xi32, #tpu.memory_space<vmem>>) semaphore(%arg57 : memref<!tpu.dma_semaphore, #tpu.memory_space<semaphore_mem>>)
      } else {
      }
      %add3A_549 = arith.constant 3 : i32
      %add3A_550 = arith.addi %add3A_536, %add3A_549 : i32
      %le3A_551 = arith.constant 127 : i32
      %le3A_552 = arith.cmpi sle, %add3A_550, %le3A_551 : i32
      %convert_element_type3A_553 = arith.extui %le3A_552 : i1 to i32
      %cond3A_554 = arith.constant 0 : i32
      %cond3A_555 = arith.cmpi ne, %convert_element_type3A_553, %cond3A_554 : i32
      scf.if %cond3A_555 {
        %add3A_666 = arith.constant 3 : i32
        %add3A_667 = arith.addi %add3A_536, %add3A_666 : i32
        %dma_start3A_668 = arith.constant 0 : i32
        %dma_start3A_669 = tpu.memref_slice %arg3[%add3A, %add3A_667, %dma_start3A_668] : memref<32x128x80xi32, #tpu.memory_space<hbm>> -> memref<1x1x80xi32, #tpu.memory_space<hbm>>
        %dma_start3A_670 = tpu.memref_squeeze %dma_start3A_669 : memref<1x1x80xi32, #tpu.memory_space<hbm>> -> memref<80xi32, #tpu.memory_space<hbm>>
        %dma_start3A_671 = arith.constant 0 : i32
        %dma_start3A_672 = tpu.memref_slice %arg3[%add3A, %add3A_667, %dma_start3A_671] : memref<32x128x80xi32, #tpu.memory_space<hbm>> -> memref<1x1x80xi32, #tpu.memory_space<hbm>>
        %dma_start3A_673 = tpu.memref_squeeze %dma_start3A_672 : memref<1x1x80xi32, #tpu.memory_space<hbm>> -> memref<80xi32, #tpu.memory_space<hbm>>
        tpu.enqueue_dma source(%dma_start3A_673 : memref<80xi32, #tpu.memory_space<hbm>>) target(%arg11 : memref<80xi32, #tpu.memory_space<vmem>>) target_semaphore(%arg42 : memref<!tpu.dma_semaphore, #tpu.memory_space<semaphore_mem>>)
        %dma_start3A_674 = arith.constant 0 : i32
        %dma_start3A_675 = tpu.memref_slice %arg4[%add3A, %add3A_667, %dma_start3A_674] : memref<32x128x80xi32, #tpu.memory_space<hbm>> -> memref<1x1x80xi32, #tpu.memory_space<hbm>>
        %dma_start3A_676 = tpu.memref_squeeze %dma_start3A_675 : memref<1x1x80xi32, #tpu.memory_space<hbm>> -> memref<80xi32, #tpu.memory_space<hbm>>
        %dma_start3A_677 = arith.constant 0 : i32
        %dma_start3A_678 = tpu.memref_slice %arg4[%add3A, %add3A_667, %dma_start3A_677] : memref<32x128x80xi32, #tpu.memory_space<hbm>> -> memref<1x1x80xi32, #tpu.memory_space<hbm>>
        %dma_start3A_679 = tpu.memref_squeeze %dma_start3A_678 : memref<1x1x80xi32, #tpu.memory_space<hbm>> -> memref<80xi32, #tpu.memory_space<hbm>>
        tpu.enqueue_dma source(%dma_start3A_679 : memref<80xi32, #tpu.memory_space<hbm>>) target(%arg15 : memref<80xi32, #tpu.memory_space<vmem>>) target_semaphore(%arg46 : memref<!tpu.dma_semaphore, #tpu.memory_space<semaphore_mem>>)
      } else {
      }
      %dma_wait3A_556 = arith.constant 0 : i32
      %dma_wait3A_557 = tpu.memref_slice %arg5[%dma_wait3A_556] : memref<10000xf32, #tpu.memory_space<hbm>> -> memref<10000xf32, #tpu.memory_space<hbm>>
      tpu.wait_indirect_dma semaphore(%arg55 : memref<!tpu.dma_semaphore, #tpu.memory_space<semaphore_mem>>) src(%dma_wait3A_557 : memref<10000xf32, #tpu.memory_space<hbm>>) dst(%arg24 : memref<80xf32, #tpu.memory_space<vmem>>)
      %dma_wait3A_558 = arith.constant 0 : i32
      %dma_wait3A_559 = tpu.memref_slice %arg6[%dma_wait3A_558] : memref<10240xf32, #tpu.memory_space<hbm>> -> memref<10240xf32, #tpu.memory_space<hbm>>
      tpu.wait_indirect_dma semaphore(%arg59 : memref<!tpu.dma_semaphore, #tpu.memory_space<semaphore_mem>>) src(%dma_wait3A_559 : memref<10240xf32, #tpu.memory_space<hbm>>) dst(%arg28 : memref<80xf32, #tpu.memory_space<vmem>>)
      %dma_wait3A_560 = arith.constant 0 : i32
      %dma_wait3A_561 = arith.constant 0 : i32
      %dma_wait3A_562 = tpu.memref_slice %arg2[%dma_wait3A_560, %dma_wait3A_561] : memref<10000x128xf32, #tpu.memory_space<hbm>> -> memref<10000x128xf32, #tpu.memory_space<hbm>>
      tpu.wait_indirect_dma semaphore(%arg51 : memref<!tpu.dma_semaphore, #tpu.memory_space<semaphore_mem>>) src(%dma_wait3A_562 : memref<10000x128xf32, #tpu.memory_space<hbm>>) dst(%arg36 : memref<80x128xf32, #tpu.memory_space<vmem>>)
      %get3A_563 = arith.constant 0 : index
      %get3A_564 = tpu.vector_load %arg16[%get3A_563] {strides = array<i32>} : memref<80xi32, #tpu.memory_space<vmem>>, vector<16xi32>,
      %swap3A_565 = arith.constant 0 : index
      %swap3A_566 = tpu.vector_load %arg20[%swap3A_565] {strides = array<i32>} : memref<80xi32, #tpu.memory_space<vmem>>, vector<16xi32>,
      tpu.vector_store %arg20[%swap3A_565], %get3A_564 {strides = array<i32>} : memref<80xi32, #tpu.memory_space<vmem>>, vector<16xi32>,
      %get3A_567 = arith.constant 0 : index
      %get3A_568 = tpu.vector_load %arg24[%get3A_567] {strides = array<i32>} : memref<80xf32, #tpu.memory_space<vmem>>, vector<16xf32>,
      %get3A_569 = arith.constant 0 : index
      %get3A_570 = tpu.vector_load %arg28[%get3A_569] {strides = array<i32>} : memref<80xf32, #tpu.memory_space<vmem>>, vector<16xf32>,
      %add3A_571 = arith.addf %get3A_568, %get3A_570 : vector<16xf32>
      %ge3A_572 = arith.constant 0.000000e+00 : f32
      %ge3A_573 = vector.broadcast %ge3A_572 : f32 to vector<16xf32>
      %ge3A_574 = arith.cmpf oge, %add3A_571, %ge3A_573 : vector<16xf32>
      %mul3A_575 = arith.constant 0.00999999977 : f32
      %mul3A_576 = vector.broadcast %mul3A_575 : f32 to vector<16xf32>
      %mul3A_577 = arith.mulf %mul3A_576, %add3A_571 : vector<16xf32>
      %select_n3A_578 = arith.select %ge3A_574, %add3A_571, %mul3A_577 : vector<16xi1>, vector<16xf32>
      %exp3A_579 = math.exp %select_n3A_578 : vector<16xf32>
      %swap3A_580 = arith.constant 0 : index
      %swap3A_581 = tpu.vector_load %arg32[%swap3A_580] {strides = array<i32>} : memref<80xf32, #tpu.memory_space<vmem>>, vector<16xf32>,
      tpu.vector_store %arg32[%swap3A_580], %exp3A_579 {strides = array<i32>} : memref<80xf32, #tpu.memory_space<vmem>>, vector<16xf32>,
      %get3A_582 = arith.constant 16 : index
      %get3A_583 = tpu.vector_load %arg16[%get3A_582] {strides = array<i32>} : memref<80xi32, #tpu.memory_space<vmem>>, vector<16xi32>,
      %swap3A_584 = arith.constant 16 : index
      %swap3A_585 = tpu.vector_load %arg20[%swap3A_584] {strides = array<i32>} : memref<80xi32, #tpu.memory_space<vmem>>, vector<16xi32>,
      tpu.vector_store %arg20[%swap3A_584], %get3A_583 {strides = array<i32>} : memref<80xi32, #tpu.memory_space<vmem>>, vector<16xi32>,
      %get3A_586 = arith.constant 16 : index
      %get3A_587 = tpu.vector_load %arg24[%get3A_586] {strides = array<i32>} : memref<80xf32, #tpu.memory_space<vmem>>, vector<16xf32>,
      %get3A_588 = arith.constant 16 : index
      %get3A_589 = tpu.vector_load %arg28[%get3A_588] {strides = array<i32>} : memref<80xf32, #tpu.memory_space<vmem>>, vector<16xf32>,
      %add3A_590 = arith.addf %get3A_587, %get3A_589 : vector<16xf32>
      %ge3A_591 = arith.constant 0.000000e+00 : f32
      %ge3A_592 = vector.broadcast %ge3A_591 : f32 to vector<16xf32>
      %ge3A_593 = arith.cmpf oge, %add3A_590, %ge3A_592 : vector<16xf32>
      %mul3A_594 = arith.constant 0.00999999977 : f32
      %mul3A_595 = vector.broadcast %mul3A_594 : f32 to vector<16xf32>
      %mul3A_596 = arith.mulf %mul3A_595, %add3A_590 : vector<16xf32>
      %select_n3A_597 = arith.select %ge3A_593, %add3A_590, %mul3A_596 : vector<16xi1>, vector<16xf32>
      %exp3A_598 = math.exp %select_n3A_597 : vector<16xf32>
      %swap3A_599 = arith.constant 16 : index
      %swap3A_600 = tpu.vector_load %arg32[%swap3A_599] {strides = array<i32>} : memref<80xf32, #tpu.memory_space<vmem>>, vector<16xf32>,
      tpu.vector_store %arg32[%swap3A_599], %exp3A_598 {strides = array<i32>} : memref<80xf32, #tpu.memory_space<vmem>>, vector<16xf32>,
      %get3A_601 = arith.constant 32 : index
      %get3A_602 = tpu.vector_load %arg16[%get3A_601] {strides = array<i32>} : memref<80xi32, #tpu.memory_space<vmem>>, vector<16xi32>,
      %swap3A_603 = arith.constant 32 : index
      %swap3A_604 = tpu.vector_load %arg20[%swap3A_603] {strides = array<i32>} : memref<80xi32, #tpu.memory_space<vmem>>, vector<16xi32>,
      tpu.vector_store %arg20[%swap3A_603], %get3A_602 {strides = array<i32>} : memref<80xi32, #tpu.memory_space<vmem>>, vector<16xi32>,
      %get3A_605 = arith.constant 32 : index
      %get3A_606 = tpu.vector_load %arg24[%get3A_605] {strides = array<i32>} : memref<80xf32, #tpu.memory_space<vmem>>, vector<16xf32>,
      %get3A_607 = arith.constant 32 : index
      %get3A_608 = tpu.vector_load %arg28[%get3A_607] {strides = array<i32>} : memref<80xf32, #tpu.memory_space<vmem>>, vector<16xf32>,
      %add3A_609 = arith.addf %get3A_606, %get3A_608 : vector<16xf32>
      %ge3A_610 = arith.constant 0.000000e+00 : f32
      %ge3A_611 = vector.broadcast %ge3A_610 : f32 to vector<16xf32>
      %ge3A_612 = arith.cmpf oge, %add3A_609, %ge3A_611 : vector<16xf32>
      %mul3A_613 = arith.constant 0.00999999977 : f32
      %mul3A_614 = vector.broadcast %mul3A_613 : f32 to vector<16xf32>
      %mul3A_615 = arith.mulf %mul3A_614, %add3A_609 : vector<16xf32>
      %select_n3A_616 = arith.select %ge3A_612, %add3A_609, %mul3A_615 : vector<16xi1>, vector<16xf32>
      %exp3A_617 = math.exp %select_n3A_616 : vector<16xf32>
      %swap3A_618 = arith.constant 32 : index
      %swap3A_619 = tpu.vector_load %arg32[%swap3A_618] {strides = array<i32>} : memref<80xf32, #tpu.memory_space<vmem>>, vector<16xf32>,
      tpu.vector_store %arg32[%swap3A_618], %exp3A_617 {strides = array<i32>} : memref<80xf32, #tpu.memory_space<vmem>>, vector<16xf32>,
      %get3A_620 = arith.constant 48 : index
      %get3A_621 = tpu.vector_load %arg16[%get3A_620] {strides = array<i32>} : memref<80xi32, #tpu.memory_space<vmem>>, vector<16xi32>,
      %swap3A_622 = arith.constant 48 : index
      %swap3A_623 = tpu.vector_load %arg20[%swap3A_622] {strides = array<i32>} : memref<80xi32, #tpu.memory_space<vmem>>, vector<16xi32>,
      tpu.vector_store %arg20[%swap3A_622], %get3A_621 {strides = array<i32>} : memref<80xi32, #tpu.memory_space<vmem>>, vector<16xi32>,
      %get3A_624 = arith.constant 48 : index
      %get3A_625 = tpu.vector_load %arg24[%get3A_624] {strides = array<i32>} : memref<80xf32, #tpu.memory_space<vmem>>, vector<16xf32>,
      %get3A_626 = arith.constant 48 : index
      %get3A_627 = tpu.vector_load %arg28[%get3A_626] {strides = array<i32>} : memref<80xf32, #tpu.memory_space<vmem>>, vector<16xf32>,
      %add3A_628 = arith.addf %get3A_625, %get3A_627 : vector<16xf32>
      %ge3A_629 = arith.constant 0.000000e+00 : f32
      %ge3A_630 = vector.broadcast %ge3A_629 : f32 to vector<16xf32>
      %ge3A_631 = arith.cmpf oge, %add3A_628, %ge3A_630 : vector<16xf32>
      %mul3A_632 = arith.constant 0.00999999977 : f32
      %mul3A_633 = vector.broadcast %mul3A_632 : f32 to vector<16xf32>
      %mul3A_634 = arith.mulf %mul3A_633, %add3A_628 : vector<16xf32>
      %select_n3A_635 = arith.select %ge3A_631, %add3A_628, %mul3A_634 : vector<16xi1>, vector<16xf32>
      %exp3A_636 = math.exp %select_n3A_635 : vector<16xf32>
      %swap3A_637 = arith.constant 48 : index
      %swap3A_638 = tpu.vector_load %arg32[%swap3A_637] {strides = array<i32>} : memref<80xf32, #tpu.memory_space<vmem>>, vector<16xf32>,
      tpu.vector_store %arg32[%swap3A_637], %exp3A_636 {strides = array<i32>} : memref<80xf32, #tpu.memory_space<vmem>>, vector<16xf32>,
      %get3A_639 = arith.constant 64 : index
      %get3A_640 = tpu.vector_load %arg16[%get3A_639] {strides = array<i32>} : memref<80xi32, #tpu.memory_space<vmem>>, vector<16xi32>,
      %swap3A_641 = arith.constant 64 : index
      %swap3A_642 = tpu.vector_load %arg20[%swap3A_641] {strides = array<i32>} : memref<80xi32, #tpu.memory_space<vmem>>, vector<16xi32>,
      tpu.vector_store %arg20[%swap3A_641], %get3A_640 {strides = array<i32>} : memref<80xi32, #tpu.memory_space<vmem>>, vector<16xi32>,
      %get3A_643 = arith.constant 64 : index
      %get3A_644 = tpu.vector_load %arg24[%get3A_643] {strides = array<i32>} : memref<80xf32, #tpu.memory_space<vmem>>, vector<16xf32>,
      %get3A_645 = arith.constant 64 : index
      %get3A_646 = tpu.vector_load %arg28[%get3A_645] {strides = array<i32>} : memref<80xf32, #tpu.memory_space<vmem>>, vector<16xf32>,
      %add3A_647 = arith.addf %get3A_644, %get3A_646 : vector<16xf32>
      %ge3A_648 = arith.constant 0.000000e+00 : f32
      %ge3A_649 = vector.broadcast %ge3A_648 : f32 to vector<16xf32>
      %ge3A_650 = arith.cmpf oge, %add3A_647, %ge3A_649 : vector<16xf32>
      %mul3A_651 = arith.constant 0.00999999977 : f32
      %mul3A_652 = vector.broadcast %mul3A_651 : f32 to vector<16xf32>
      %mul3A_653 = arith.mulf %mul3A_652, %add3A_647 : vector<16xf32>
      %select_n3A_654 = arith.select %ge3A_650, %add3A_647, %mul3A_653 : vector<16xi1>, vector<16xf32>
      %exp3A_655 = math.exp %select_n3A_654 : vector<16xf32>
      %swap3A_656 = arith.constant 64 : index
      %swap3A_657 = tpu.vector_load %arg32[%swap3A_656] {strides = array<i32>} : memref<80xf32, #tpu.memory_space<vmem>>, vector<16xf32>,
      tpu.vector_store %arg32[%swap3A_656], %exp3A_655 {strides = array<i32>} : memref<80xf32, #tpu.memory_space<vmem>>, vector<16xf32>,
      %parallel_loop3A_658 = arith.constant 0 : i32
      %parallel_loop3A_659 = arith.constant 80 : i32
      %parallel_loop3A_660 = arith.constant 1 : i32
      scf.for %parallel_loop3A_666 = %parallel_loop3A_658 to %parallel_loop3A_659 step %parallel_loop3A_660  : i32 {
        %parallel_loop3A_667 = vector.broadcast %parallel_loop3A_666 : i32 to vector<16xi32>
        %parallel_loop3A_668 = tpu.vector_load_idx %arg32[%parallel_loop3A_667] : memref<80xf32, #tpu.memory_space<vmem>>[vector<16xi32>], vector<16xf32>,
        %parallel_loop3A_669 = arith.index_cast %parallel_loop3A_666 : i32 to index
        %parallel_loop3A_670 = arith.constant 0 : index
        %parallel_loop3A_671 = tpu.vector_load %arg36[%parallel_loop3A_669, %parallel_loop3A_670] {strides = array<i32>} : memref<80x128xf32, #tpu.memory_space<vmem>>, vector<16xf32>,
        %parallel_loop3A_672 = arith.mulf %parallel_loop3A_671, %parallel_loop3A_668 : vector<16xf32>
        %parallel_loop3A_673 = arith.index_cast %parallel_loop3A_666 : i32 to index
        %parallel_loop3A_674 = arith.constant 0 : index
        %parallel_loop3A_675 = tpu.vector_load %arg36[%parallel_loop3A_673, %parallel_loop3A_674] {strides = array<i32>} : memref<80x128xf32, #tpu.memory_space<vmem>>, vector<16xf32>,
        tpu.vector_store %arg36[%parallel_loop3A_673, %parallel_loop3A_674], %parallel_loop3A_672 {strides = array<i32>} : memref<80x128xf32, #tpu.memory_space<vmem>>, vector<16xf32>,
        %parallel_loop3A_676 = arith.index_cast %parallel_loop3A_666 : i32 to index
        %parallel_loop3A_677 = arith.constant 16 : index
        %parallel_loop3A_678 = tpu.vector_load %arg36[%parallel_loop3A_676, %parallel_loop3A_677] {strides = array<i32>} : memref<80x128xf32, #tpu.memory_space<vmem>>, vector<16xf32>,
        %parallel_loop3A_679 = arith.mulf %parallel_loop3A_678, %parallel_loop3A_668 : vector<16xf32>
        %parallel_loop3A_680 = arith.index_cast %parallel_loop3A_666 : i32 to index
        %parallel_loop3A_681 = arith.constant 16 : index
        %parallel_loop3A_682 = tpu.vector_load %arg36[%parallel_loop3A_680, %parallel_loop3A_681] {strides = array<i32>} : memref<80x128xf32, #tpu.memory_space<vmem>>, vector<16xf32>,
        tpu.vector_store %arg36[%parallel_loop3A_680, %parallel_loop3A_681], %parallel_loop3A_679 {strides = array<i32>} : memref<80x128xf32, #tpu.memory_space<vmem>>, vector<16xf32>,
        %parallel_loop3A_683 = arith.index_cast %parallel_loop3A_666 : i32 to index
        %parallel_loop3A_684 = arith.constant 32 : index
        %parallel_loop3A_685 = tpu.vector_load %arg36[%parallel_loop3A_683, %parallel_loop3A_684] {strides = array<i32>} : memref<80x128xf32, #tpu.memory_space<vmem>>, vector<16xf32>,
        %parallel_loop3A_686 = arith.mulf %parallel_loop3A_685, %parallel_loop3A_668 : vector<16xf32>
        %parallel_loop3A_687 = arith.index_cast %parallel_loop3A_666 : i32 to index
        %parallel_loop3A_688 = arith.constant 32 : index
        %parallel_loop3A_689 = tpu.vector_load %arg36[%parallel_loop3A_687, %parallel_loop3A_688] {strides = array<i32>} : memref<80x128xf32, #tpu.memory_space<vmem>>, vector<16xf32>,
        tpu.vector_store %arg36[%parallel_loop3A_687, %parallel_loop3A_688], %parallel_loop3A_686 {strides = array<i32>} : memref<80x128xf32, #tpu.memory_space<vmem>>, vector<16xf32>,
        %parallel_loop3A_690 = arith.index_cast %parallel_loop3A_666 : i32 to index
        %parallel_loop3A_691 = arith.constant 48 : index
        %parallel_loop3A_692 = tpu.vector_load %arg36[%parallel_loop3A_690, %parallel_loop3A_691] {strides = array<i32>} : memref<80x128xf32, #tpu.memory_space<vmem>>, vector<16xf32>,
        %parallel_loop3A_693 = arith.mulf %parallel_loop3A_692, %parallel_loop3A_668 : vector<16xf32>
        %parallel_loop3A_694 = arith.index_cast %parallel_loop3A_666 : i32 to index
        %parallel_loop3A_695 = arith.constant 48 : index
        %parallel_loop3A_696 = tpu.vector_load %arg36[%parallel_loop3A_694, %parallel_loop3A_695] {strides = array<i32>} : memref<80x128xf32, #tpu.memory_space<vmem>>, vector<16xf32>,
        tpu.vector_store %arg36[%parallel_loop3A_694, %parallel_loop3A_695], %parallel_loop3A_693 {strides = array<i32>} : memref<80x128xf32, #tpu.memory_space<vmem>>, vector<16xf32>,
        %parallel_loop3A_697 = arith.index_cast %parallel_loop3A_666 : i32 to index
        %parallel_loop3A_698 = arith.constant 64 : index
        %parallel_loop3A_699 = tpu.vector_load %arg36[%parallel_loop3A_697, %parallel_loop3A_698] {strides = array<i32>} : memref<80x128xf32, #tpu.memory_space<vmem>>, vector<16xf32>,
        %parallel_loop3A_700 = arith.mulf %parallel_loop3A_699, %parallel_loop3A_668 : vector<16xf32>
        %parallel_loop3A_701 = arith.index_cast %parallel_loop3A_666 : i32 to index
        %parallel_loop3A_702 = arith.constant 64 : index
        %parallel_loop3A_703 = tpu.vector_load %arg36[%parallel_loop3A_701, %parallel_loop3A_702] {strides = array<i32>} : memref<80x128xf32, #tpu.memory_space<vmem>>, vector<16xf32>,
        tpu.vector_store %arg36[%parallel_loop3A_701, %parallel_loop3A_702], %parallel_loop3A_700 {strides = array<i32>} : memref<80x128xf32, #tpu.memory_space<vmem>>, vector<16xf32>,
        %parallel_loop3A_704 = arith.index_cast %parallel_loop3A_666 : i32 to index
        %parallel_loop3A_705 = arith.constant 80 : index
        %parallel_loop3A_706 = tpu.vector_load %arg36[%parallel_loop3A_704, %parallel_loop3A_705] {strides = array<i32>} : memref<80x128xf32, #tpu.memory_space<vmem>>, vector<16xf32>,
        %parallel_loop3A_707 = arith.mulf %parallel_loop3A_706, %parallel_loop3A_668 : vector<16xf32>
        %parallel_loop3A_708 = arith.index_cast %parallel_loop3A_666 : i32 to index
        %parallel_loop3A_709 = arith.constant 80 : index
        %parallel_loop3A_710 = tpu.vector_load %arg36[%parallel_loop3A_708, %parallel_loop3A_709] {strides = array<i32>} : memref<80x128xf32, #tpu.memory_space<vmem>>, vector<16xf32>,
        tpu.vector_store %arg36[%parallel_loop3A_708, %parallel_loop3A_709], %parallel_loop3A_707 {strides = array<i32>} : memref<80x128xf32, #tpu.memory_space<vmem>>, vector<16xf32>,
        %parallel_loop3A_711 = arith.index_cast %parallel_loop3A_666 : i32 to index
        %parallel_loop3A_712 = arith.constant 96 : index
        %parallel_loop3A_713 = tpu.vector_load %arg36[%parallel_loop3A_711, %parallel_loop3A_712] {strides = array<i32>} : memref<80x128xf32, #tpu.memory_space<vmem>>, vector<16xf32>,
        %parallel_loop3A_714 = arith.mulf %parallel_loop3A_713, %parallel_loop3A_668 : vector<16xf32>
        %parallel_loop3A_715 = arith.index_cast %parallel_loop3A_666 : i32 to index
        %parallel_loop3A_716 = arith.constant 96 : index
        %parallel_loop3A_717 = tpu.vector_load %arg36[%parallel_loop3A_715, %parallel_loop3A_716] {strides = array<i32>} : memref<80x128xf32, #tpu.memory_space<vmem>>, vector<16xf32>,
        tpu.vector_store %arg36[%parallel_loop3A_715, %parallel_loop3A_716], %parallel_loop3A_714 {strides = array<i32>} : memref<80x128xf32, #tpu.memory_space<vmem>>, vector<16xf32>,
        %parallel_loop3A_718 = arith.index_cast %parallel_loop3A_666 : i32 to index
        %parallel_loop3A_719 = arith.constant 112 : index
        %parallel_loop3A_720 = tpu.vector_load %arg36[%parallel_loop3A_718, %parallel_loop3A_719] {strides = array<i32>} : memref<80x128xf32, #tpu.memory_space<vmem>>, vector<16xf32>,
        %parallel_loop3A_721 = arith.mulf %parallel_loop3A_720, %parallel_loop3A_668 : vector<16xf32>
        %parallel_loop3A_722 = arith.index_cast %parallel_loop3A_666 : i32 to index
        %parallel_loop3A_723 = arith.constant 112 : index
        %parallel_loop3A_724 = tpu.vector_load %arg36[%parallel_loop3A_722, %parallel_loop3A_723] {strides = array<i32>} : memref<80x128xf32, #tpu.memory_space<vmem>>, vector<16xf32>,
        tpu.vector_store %arg36[%parallel_loop3A_722, %parallel_loop3A_723], %parallel_loop3A_721 {strides = array<i32>} : memref<80x128xf32, #tpu.memory_space<vmem>>, vector<16xf32>,
      } {sc.loop_unroll_factor = 4 : i64, sc.parallel_access}
      %dma_start3A_661 = arith.constant 0 : i32
      %dma_start3A_662 = arith.constant 0 : i32
      %dma_start3A_663 = tpu.memref_slice %arg38[%dma_start3A_661, %dma_start3A_662] : memref<10240x128xf32, #tpu.memory_space<vmem_shared>> -> memref<10240x128xf32, #tpu.memory_space<vmem_shared>>
      tpu.enqueue_indirect_dma source(%arg36 : memref<80x128xf32, #tpu.memory_space<vmem>>) target(%dma_start3A_663 : memref<10240x128xf32, #tpu.memory_space<vmem_shared>>) offsets(%arg20 : memref<80xi32, #tpu.memory_space<vmem>>) semaphore(%arg63 : memref<!tpu.dma_semaphore, #tpu.memory_space<semaphore_mem>>) {add = true}
      %dma_start3A_664 = arith.constant 0 : i32
      %dma_start3A_665 = tpu.memref_slice %arg39[%dma_start3A_664] : memref<10240xf32, #tpu.memory_space<vmem_shared>> -> memref<10240xf32, #tpu.memory_space<vmem_shared>>
      tpu.enqueue_indirect_dma source(%arg32 : memref<80xf32, #tpu.memory_space<vmem>>) target(%dma_start3A_665 : memref<10240xf32, #tpu.memory_space<vmem_shared>>) offsets(%arg20 : memref<80xi32, #tpu.memory_space<vmem>>) semaphore(%arg67 : memref<!tpu.dma_semaphore, #tpu.memory_space<semaphore_mem>>) {add = true}
    }
    %scan3A_122 = arith.constant 32 : i32
    %dma_wait3A_123 = arith.constant 0 : i32
    %dma_wait3A_124 = arith.constant 0 : i32
    %dma_wait3A_125 = tpu.memref_slice %arg38[%dma_wait3A_123, %dma_wait3A_124] : memref<10240x128xf32, #tpu.memory_space<vmem_shared>> -> memref<10240x128xf32, #tpu.memory_space<vmem_shared>>
    tpu.wait_indirect_dma semaphore(%arg62 : memref<!tpu.dma_semaphore, #tpu.memory_space<semaphore_mem>>) src(%arg35 : memref<80x128xf32, #tpu.memory_space<vmem>>) dst(%dma_wait3A_125 : memref<10240x128xf32, #tpu.memory_space<vmem_shared>>)
    %dma_wait3A_126 = arith.constant 0 : i32
    %dma_wait3A_127 = tpu.memref_slice %arg39[%dma_wait3A_126] : memref<10240xf32, #tpu.memory_space<vmem_shared>> -> memref<10240xf32, #tpu.memory_space<vmem_shared>>
    tpu.wait_indirect_dma semaphore(%arg66 : memref<!tpu.dma_semaphore, #tpu.memory_space<semaphore_mem>>) src(%arg31 : memref<80xf32, #tpu.memory_space<vmem>>) dst(%dma_wait3A_127 : memref<10240xf32, #tpu.memory_space<vmem_shared>>)
    %dma_wait3A_128 = arith.constant 0 : i32
    %dma_wait3A_129 = arith.constant 0 : i32
    %dma_wait3A_130 = tpu.memref_slice %arg38[%dma_wait3A_128, %dma_wait3A_129] : memref<10240x128xf32, #tpu.memory_space<vmem_shared>> -> memref<10240x128xf32, #tpu.memory_space<vmem_shared>>
    tpu.wait_indirect_dma semaphore(%arg63 : memref<!tpu.dma_semaphore, #tpu.memory_space<semaphore_mem>>) src(%arg36 : memref<80x128xf32, #tpu.memory_space<vmem>>) dst(%dma_wait3A_130 : memref<10240x128xf32, #tpu.memory_space<vmem_shared>>)
    %dma_wait3A_131 = arith.constant 0 : i32
    %dma_wait3A_132 = tpu.memref_slice %arg39[%dma_wait3A_131] : memref<10240xf32, #tpu.memory_space<vmem_shared>> -> memref<10240xf32, #tpu.memory_space<vmem_shared>>
    tpu.wait_indirect_dma semaphore(%arg67 : memref<!tpu.dma_semaphore, #tpu.memory_space<semaphore_mem>>) src(%arg32 : memref<80xf32, #tpu.memory_space<vmem>>) dst(%dma_wait3A_132 : memref<10240xf32, #tpu.memory_space<vmem_shared>>)
    %barrier3A_133 = arith.constant 0 : index
    tpu.barrier barrier_id(%barrier3A_133)
    "tpu.region"() ({
      %run_scoped3A = tpu.sem_alloc : memref<!tpu.dma_semaphore, #tpu.memory_space<semaphore_mem>>
      %dma_start3A_140 = arith.constant 0 : i32
      %dma_start3A_141 = tpu.memref_slice %arg8[%arg0, %arg1, %dma_start3A_140] : memref<2x16x640xf32, #tpu.memory_space<hbm>> -> memref<1x1x640xf32, #tpu.memory_space<hbm>>
      %dma_start3A_142 = tpu.memref_squeeze %dma_start3A_141 : memref<1x1x640xf32, #tpu.memory_space<hbm>> -> memref<640xf32, #tpu.memory_space<hbm>>
      %dma_start3A_143 = tpu.memref_slice %arg39[%mul3A_2] : memref<10240xf32, #tpu.memory_space<vmem_shared>> -> memref<640xf32, #tpu.memory_space<vmem_shared>>
      tpu.enqueue_dma source(%dma_start3A_143 : memref<640xf32, #tpu.memory_space<vmem_shared>>) target(%dma_start3A_142 : memref<640xf32, #tpu.memory_space<hbm>>) target_semaphore(%run_scoped3A : memref<!tpu.dma_semaphore, #tpu.memory_space<semaphore_mem>>)
      %dma_wait3A_144 = arith.constant 0 : i32
      %dma_wait3A_145 = tpu.memref_slice %arg8[%arg0, %arg1, %dma_wait3A_144] : memref<2x16x640xf32, #tpu.memory_space<hbm>> -> memref<1x1x640xf32, #tpu.memory_space<hbm>>
      %dma_wait3A_146 = tpu.memref_squeeze %dma_wait3A_145 : memref<1x1x640xf32, #tpu.memory_space<hbm>> -> memref<640xf32, #tpu.memory_space<hbm>>
      %dma_wait3A_147 = tpu.memref_slice %arg39[%mul3A_2] : memref<10240xf32, #tpu.memory_space<vmem_shared>> -> memref<640xf32, #tpu.memory_space<vmem_shared>>
      tpu.wait_dma2 semaphore(%run_scoped3A : memref<!tpu.dma_semaphore, #tpu.memory_space<semaphore_mem>>) src(%dma_wait3A_147 : memref<640xf32, #tpu.memory_space<vmem_shared>>) dst(%dma_wait3A_146 : memref<640xf32, #tpu.memory_space<hbm>>)
      tpu.yield
    }) : () -> ()
    %lt3A = arith.constant 15 : i32
    %lt3A_134 = arith.cmpi slt, %arg1, %lt3A : i32
    %convert_element_type3A = arith.extui %lt3A_134 : i1 to i32
    %cond3A = arith.constant 0 : i32
    %cond3A_135 = arith.cmpi ne, %convert_element_type3A, %cond3A : i32
    scf.if %cond3A_135 {
      "tpu.region"() ({
        %run_scoped3A = tpu.sem_alloc : memref<!tpu.dma_semaphore, #tpu.memory_space<semaphore_mem>>
        %dma_start3A_140 = arith.constant 0 : i32
        %dma_start3A_141 = tpu.memref_slice %arg7[%arg0, %mul3A_2, %dma_start3A_140] : memref<2x10000x128xf32, #tpu.memory_space<hbm>> -> memref<1x640x128xf32, #tpu.memory_space<hbm>>
        %dma_start3A_142 = tpu.memref_squeeze %dma_start3A_141 : memref<1x640x128xf32, #tpu.memory_space<hbm>> -> memref<640x128xf32, #tpu.memory_space<hbm>>
        %dma_start3A_143 = arith.constant 0 : i32
        %dma_start3A_144 = tpu.memref_slice %arg38[%mul3A_2, %dma_start3A_143] : memref<10240x128xf32, #tpu.memory_space<vmem_shared>> -> memref<640x128xf32, #tpu.memory_space<vmem_shared>>
        tpu.enqueue_dma source(%dma_start3A_144 : memref<640x128xf32, #tpu.memory_space<vmem_shared>>) target(%dma_start3A_142 : memref<640x128xf32, #tpu.memory_space<hbm>>) target_semaphore(%run_scoped3A : memref<!tpu.dma_semaphore, #tpu.memory_space<semaphore_mem>>)
        %dma_wait3A_145 = arith.constant 0 : i32
        %dma_wait3A_146 = tpu.memref_slice %arg7[%arg0, %mul3A_2, %dma_wait3A_145] : memref<2x10000x128xf32, #tpu.memory_space<hbm>> -> memref<1x640x128xf32, #tpu.memory_space<hbm>>
        %dma_wait3A_147 = tpu.memref_squeeze %dma_wait3A_146 : memref<1x640x128xf32, #tpu.memory_space<hbm>> -> memref<640x128xf32, #tpu.memory_space<hbm>>
        %dma_wait3A_148 = arith.constant 0 : i32
        %dma_wait3A_149 = tpu.memref_slice %arg38[%mul3A_2, %dma_wait3A_148] : memref<10240x128xf32, #tpu.memory_space<vmem_shared>> -> memref<640x128xf32, #tpu.memory_space<vmem_shared>>
        tpu.wait_dma2 semaphore(%run_scoped3A : memref<!tpu.dma_semaphore, #tpu.memory_space<semaphore_mem>>) src(%dma_wait3A_149 : memref<640x128xf32, #tpu.memory_space<vmem_shared>>) dst(%dma_wait3A_147 : memref<640x128xf32, #tpu.memory_space<hbm>>)
        tpu.yield
      }) : () -> ()
    } else {
    }
    %eq3A = arith.constant 15 : i32
    %eq3A_136 = arith.cmpi eq, %arg1, %eq3A : i32
    %convert_element_type3A_137 = arith.extui %eq3A_136 : i1 to i32
    %cond3A_138 = arith.constant 0 : i32
    %cond3A_139 = arith.cmpi ne, %convert_element_type3A_137, %cond3A_138 : i32
    scf.if %cond3A_139 {
      "tpu.region"() ({
        %run_scoped3A = tpu.sem_alloc : memref<!tpu.dma_semaphore, #tpu.memory_space<semaphore_mem>>
        %dma_start3A_140 = arith.constant 9600 : i32
        %dma_start3A_141 = arith.constant 0 : i32
        %dma_start3A_142 = tpu.memref_slice %arg7[%arg0, %dma_start3A_140, %dma_start3A_141] : memref<2x10000x128xf32, #tpu.memory_space<hbm>> -> memref<1x400x128xf32, #tpu.memory_space<hbm>>
        %dma_start3A_143 = tpu.memref_squeeze %dma_start3A_142 : memref<1x400x128xf32, #tpu.memory_space<hbm>> -> memref<400x128xf32, #tpu.memory_space<hbm>>
        %dma_start3A_144 = arith.constant 9600 : i32
        %dma_start3A_145 = arith.constant 0 : i32
        %dma_start3A_146 = tpu.memref_slice %arg38[%dma_start3A_144, %dma_start3A_145] : memref<10240x128xf32, #tpu.memory_space<vmem_shared>> -> memref<400x128xf32, #tpu.memory_space<vmem_shared>>
        tpu.enqueue_dma source(%dma_start3A_146 : memref<400x128xf32, #tpu.memory_space<vmem_shared>>) target(%dma_start3A_143 : memref<400x128xf32, #tpu.memory_space<hbm>>) target_semaphore(%run_scoped3A : memref<!tpu.dma_semaphore, #tpu.memory_space<semaphore_mem>>)
        %dma_wait3A_147 = arith.constant 9600 : i32
        %dma_wait3A_148 = arith.constant 0 : i32
        %dma_wait3A_149 = tpu.memref_slice %arg7[%arg0, %dma_wait3A_147, %dma_wait3A_148] : memref<2x10000x128xf32, #tpu.memory_space<hbm>> -> memref<1x400x128xf32, #tpu.memory_space<hbm>>
        %dma_wait3A_150 = tpu.memref_squeeze %dma_wait3A_149 : memref<1x400x128xf32, #tpu.memory_space<hbm>> -> memref<400x128xf32, #tpu.memory_space<hbm>>
        %dma_wait3A_151 = arith.constant 9600 : i32
        %dma_wait3A_152 = arith.constant 0 : i32
        %dma_wait3A_153 = tpu.memref_slice %arg38[%dma_wait3A_151, %dma_wait3A_152] : memref<10240x128xf32, #tpu.memory_space<vmem_shared>> -> memref<400x128xf32, #tpu.memory_space<vmem_shared>>
        tpu.wait_dma2 semaphore(%run_scoped3A : memref<!tpu.dma_semaphore, #tpu.memory_space<semaphore_mem>>) src(%dma_wait3A_153 : memref<400x128xf32, #tpu.memory_space<vmem_shared>>) dst(%dma_wait3A_150 : memref<400x128xf32, #tpu.memory_space<hbm>>)
        tpu.yield
      }) : () -> ()
    } else {
    }
    return
  }
}

module attributes {stable_mosaic.version = 14 : i64} {
  func.func @_scores_body(%arg0: memref<10000x128xf32, #tpu.memory_space<vmem>>, %arg1: memref<128x2xf32, #tpu.memory_space<vmem>>, %arg2: memref<10000x2xf32, #tpu.memory_space<vmem>>) attributes {dimension_semantics = [], scalar_prefetch = 0 : i64, scratch_operands = 0 : i64, tpu.core_type = #tpu.core_type<tc>} {
    %get3A = arith.constant 0 : index
    %get3A_0 = arith.constant 0 : index
    %get3A_1 = vector.load %arg0[%get3A, %get3A_0] : memref<10000x128xf32, #tpu.memory_space<vmem>>, vector<10000x128xf32>
    %get3A_2 = arith.constant 0 : index
    %get3A_3 = arith.constant 0 : index
    %get3A_4 = vector.load %arg1[%get3A_2, %get3A_3] : memref<128x2xf32, #tpu.memory_space<vmem>>, vector<128x2xf32>
    %dot_general3A = arith.constant dense<0.000000e+00> : vector<10000x2xf32>
    %dot_general3A_5 = tpu.matmul %get3A_1, %get3A_4, %dot_general3A {dimension_numbers = #tpu.dot_dimension_numbers<[1], [0], [0], [1], [0, 0, 1, 1], [], []>, transpose_lhs_hint = false} : vector<10000x128xf32>, vector<128x2xf32>, vector<10000x2xf32> -> vector<10000x2xf32>
    %swap3A = arith.constant 0 : index
    %swap3A_6 = arith.constant 0 : index
    %swap3A_7 = vector.load %arg2[%swap3A, %swap3A_6] : memref<10000x2xf32, #tpu.memory_space<vmem>>, vector<10000x2xf32>
    tpu.vector_store %arg2[%swap3A, %swap3A_6], %dot_general3A_5 {strides = array<i32>} : memref<10000x2xf32, #tpu.memory_space<vmem>>, vector<10000x2xf32>,
    return
  }
}

module attributes {stable_mosaic.version = 14 : i64} {
  func.func @_combine_body(%arg0: memref<2x10000x128xf32, #tpu.memory_space<vmem>>, %arg1: memref<2x10000xf32, #tpu.memory_space<vmem>>, %arg2: memref<10000x128xf32, #tpu.memory_space<vmem>>) attributes {dimension_semantics = [], scalar_prefetch = 0 : i64, scratch_operands = 0 : i64, tpu.core_type = #tpu.core_type<tc>} {
    %get3A = arith.constant 0 : index
    %get3A_0 = arith.constant 0 : index
    %get3A_1 = arith.constant 0 : index
    %get3A_2 = vector.load %arg0[%get3A, %get3A_0, %get3A_1] : memref<2x10000x128xf32, #tpu.memory_space<vmem>>, vector<1x10000x128xf32>
    %get3A_3 = vector.shape_cast %get3A_2 : vector<1x10000x128xf32> to vector<10000x128xf32>
    %get3A_4 = arith.constant 1 : index
    %get3A_5 = arith.constant 0 : index
    %get3A_6 = arith.constant 0 : index
    %get3A_7 = vector.load %arg0[%get3A_4, %get3A_5, %get3A_6] : memref<2x10000x128xf32, #tpu.memory_space<vmem>>, vector<1x10000x128xf32>
    %get3A_8 = vector.shape_cast %get3A_7 : vector<1x10000x128xf32> to vector<10000x128xf32>
    %add3A = arith.addf %get3A_3, %get3A_8 : vector<10000x128xf32>
    %get3A_9 = arith.constant 0 : index
    %get3A_10 = arith.constant 0 : index
    %get3A_11 = vector.load %arg1[%get3A_9, %get3A_10] : memref<2x10000xf32, #tpu.memory_space<vmem>>, vector<1x10000xf32>
    %get3A_12 = vector.shape_cast %get3A_11 : vector<1x10000xf32> to vector<10000xf32>
    %get3A_13 = arith.constant 1 : index
    %get3A_14 = arith.constant 0 : index
    %get3A_15 = vector.load %arg1[%get3A_13, %get3A_14] : memref<2x10000xf32, #tpu.memory_space<vmem>>, vector<1x10000xf32>
    %get3A_16 = vector.shape_cast %get3A_15 : vector<1x10000xf32> to vector<10000xf32>
    %add3A_17 = arith.addf %get3A_12, %get3A_16 : vector<10000xf32>
    %eq3A = arith.constant 0.000000e+00 : f32
    %eq3A_18 = vector.broadcast %eq3A : f32 to vector<10000xf32>
    %eq3A_19 = arith.cmpf oeq, %add3A_17, %eq3A_18 : vector<10000xf32>
    %jit3A = arith.constant 1.000000e+00 : f32
    %broadcast_in_dim3A = vector.broadcast %jit3A : f32 to vector<10000xf32>
    %select_n3A = arith.select %eq3A_19, %broadcast_in_dim3A, %add3A_17 : vector<10000xi1>, vector<10000xf32>
    %broadcast_in_dim3A_20 = vector.shape_cast %select_n3A : vector<10000xf32> to vector<10000x1xf32>
    %div3A = vector.broadcast %broadcast_in_dim3A_20 : vector<10000x1xf32> to vector<10000x128xf32>
    %div3A_21 = arith.divf %add3A, %div3A : vector<10000x128xf32>
    %max3A = arith.constant 0.000000e+00 : f32
    %max3A_22 = vector.broadcast %max3A : f32 to vector<10000x128xf32>
    %max3A_23 = arith.maximumf %div3A_21, %max3A_22 : vector<10000x128xf32>
    %swap3A = arith.constant 0 : index
    %swap3A_24 = arith.constant 0 : index
    %swap3A_25 = vector.load %arg2[%swap3A, %swap3A_24] : memref<10000x128xf32, #tpu.memory_space<vmem>>, vector<10000x128xf32>
    tpu.vector_store %arg2[%swap3A, %swap3A_24], %max3A_23 {strides = array<i32>} : memref<10000x128xf32, #tpu.memory_space<vmem>>, vector<10000x128xf32>,
    return
  }
}

</mosaic_0001>

<sc_bundles>
// kernel: kernel.5.cloned.1.call-start
scs
__scs_entry_jumppad:
0x0: {  	(pc) =	sbr.rel $0x88, $3  }
0x1: {  	(tag) =	ssettag $0x0;
	lr =	simm.s32 $0x1  }
0x2: {  	[smem:$0x3F9E] =	sst lr;
	_ =	strace $0xD0000000  }
0x3: {  	_ = 	snop  }
0x4: {  	_ = 	snop  }
0x5: {  	_ = 	snop  }
0x6: {  	_ = 	snop  }
0x7: {  	_ = 	snop  }
__scs_overlays_trampoline_lowered:
0x8: {  	[smem:$0x3FAD] =	sst s0  }
0x9: {  	[smem:$0x3FAE] =	sst s1  }
0xa: {  	[smem:$0x3FAF] =	sst s2  }
0xb: {  	[smem:$0x3FB0] =	sst s3  }
0xc: {  	[smem:$0x3FB1] =	sst s4  }
0xd: {  	[smem:$0x3FB2] =	sst s5  }
0xe: {  	[smem:$0x3FB3] =	sst s6  }
0xf: {  	[smem:$0x3FB4] =	sst s7  }
0x10: {  	[smem:$0x3FB5] =	sst s8  }
0x11: {  	[smem:$0x3FB6] =	sst s9;
	s0 =	simm.s32 @!p0 $0x0  }
0x12: {  	s1 =	sld [smem:$0x3F9C];
	s0 =	simm.s32 @p0 $0x1  }
0x13: {  	[smem:$0x3FB7] =	sst s0;
	s0 =	simm.s32 @!p1 $0x0  }
0x14: {  	s2 =	sld [smem:$0x3F9B];
	s0 =	simm.s32 @p1 $0x1  }
0x15: {  	[smem:$0x3FB8] =	sst s0;
	s0 =	simm.s32 @!p2 $0x0  }
0x16: {  	s3 =	sld [smem:$0x3FDB];
	s0 =	simm.s32 @p2 $0x1  }
0x17: {  	s4 =	simm.s32 $0x1BF5;
	[smem:$0x3FBA] =	sst s0  }
0x18: {  	s0 =	sld [smem:$0x3F9D];
	_ =	swait.ge [sflag:s4], $0x0  }
0x19: {  	s7 =	sld [smem:$0x3F9E]  }
0x1a: {  	s8 =	sadd.s32 $0xFFFFE003, lr  }
0x1b: {  	s9 =	sadd.s32 $0xFFFFFEF7, lr;
	s5 =	simm.s32 $0xFFFFFFFF;
	p2 =	slt.u32 s8, $0xFFFFF086  }
0x1c: {  	p1 =	slt.u32 s9, $0xF7A;
	s5 =	simm.s32 @!p2 $0x0  }
0x1d: {  	s5 =	simm.s32 @p1 $0x1;
	p0 =	seq.s32 s7, s2  }
0x1e: {  	s7 =	smul.u32 @!p0 $0xF7A, s2;
	p2 =	seq.s32 @!p0 s5, $0x0  }
0x1f: {  	s9 =	smul.u32 $0xF7A, s1;
	s8 =	simm.s32 @!p0 $0x1BF5;
	p2 =	por !p2, p0  }
0x20: {  	[sflag:s8] =	ssyncset.s32 @!p0 $0xFFFFF086;
	s6 =	sadd.s32 @!p0 s3, s7;
	s7 =	simm.s32 @!p0 $0x108  }
0x21: {  	s3 =	sadd.s32 s3, s9;
	s6 =	sadd.s32 @!p0 $0x88, s6;
	s7 =	simm.s32 @p2 $0x1082  }
0x22: {  	[simem:s7], [sflag:s8] =	dma.local @!p0 [hbm:s6], $0xF7A  }
0x23: {  	s9 =	sor.u32 $0xD0000000, s2;
	s6 =	simm.s32 $0x108;
	_ =	swait.ge @!p0 [sflag:s8], $0x0  }
0x24: {  	s3 =	sadd.s32 $0x88, s3;
	s6 =	simm.s32 @!p1 $0x1082;
	[sflag:s4] =	ssyncset.s32 $0xFFFFF086  }
0x25: {  	[simem:s6], [sflag:s4] =	dma.local [hbm:s3], $0xF7A  }
0x26: {  	[smem:$0x3F9E] =	sst s1;
	(tag) =	ssettag s2;
	_ =	strace s9  }
0x27: {  	s1 =	sld [smem:$0x3FAE]  }
0x28: {  	s2 =	sld [smem:$0x3FAF]  }
0x29: {  	s4 =	sld [smem:$0x3FB1]  }
0x2a: {  	p0 =	seq.s32 s5, $0x0;
	s5 =	sld [smem:$0x3FB2]  }
0x2b: {  	s6 =	sld [smem:$0x3FB3]  }
0x2c: {  	s7 =	sld [smem:$0x3FB4]  }
0x2d: {  	s3 =	simm.s32 $0x108;
	s8 =	sld [smem:$0x3FB5]  }
0x2e: {  	s3 =	simm.s32 @!p0 $0x1082;
	s9 =	sld [smem:$0x3FB6]  }
0x2f: {  	lr =	sadd.s32 s0, s3;
	s0 =	sld [smem:$0x3FAD]  }
0x30: {  	s3 =	sld [smem:$0x3FB0]  }
0x31: {  	[smem:$0x3FB9] =	sst s10  }
0x32: {  	s10 =	sld [smem:$0x3FB7];
	_ =	sdelay $0x3  }
0x33: {  	p0 =	seq.s32 s10, $0x1;
	s10 =	sld [smem:$0x3FB9];
	_ =	sdelay $0x3  }
0x34: {  	[smem:$0x3FB9] =	sst s10  }
0x35: {  	s10 =	sld [smem:$0x3FB8];
	_ =	sdelay $0x3  }
0x36: {  	p1 =	seq.s32 s10, $0x1;
	s10 =	sld [smem:$0x3FB9];
	_ =	sdelay $0x3  }
0x37: {  	[smem:$0x3FB9] =	sst s10  }
0x38: {  	s10 =	sld [smem:$0x3FBA]  }
0x39: {  	_ = 	snop;
	(pc) =	sbr.ind lr, $3  }
0x3a: {  	_ = 	snop  }
0x3b: {  	_ = 	snop  }
0x3c: {  	p2 =	seq.s32 s10, $0x1;
	s10 =	sld [smem:$0x3FB9]  }
0x3d: {  	_ =	shalt  }
0x3e: {  	_ =	shalt  }
0x3f: {  	_ =	shalt  }
0x40: {  	_ =	shalt  }
0x41: {  	_ =	shalt  }
0x42: {  	_ =	shalt  }
0x43: {  	_ =	shalt  }
0x44: {  	_ =	shalt  }
0x45: {  	_ =	shalt  }
0x46: {  	_ =	shalt  }
0x47: {  	_ =	shalt  }
0x48: {  	_ =	shalt  }
0x49: {  	_ =	shalt  }
0x4a: {  	_ =	shalt  }
0x4b: {  	_ =	shalt  }
0x4c: {  	_ =	shalt  }
0x4d: {  	_ =	shalt  }
0x4e: {  	_ =	shalt  }
0x4f: {  	_ =	shalt  }
0x50: {  	_ =	shalt  }
0x51: {  	_ =	shalt  }
0x52: {  	_ =	shalt  }
0x53: {  	_ =	shalt  }
0x54: {  	_ =	shalt  }
0x55: {  	_ =	shalt  }
0x56: {  	_ =	shalt  }
0x57: {  	_ =	shalt  }
0x58: {  	_ =	shalt  }
0x59: {  	_ =	shalt  }
0x5a: {  	_ =	shalt  }
0x5b: {  	_ =	shalt  }
0x5c: {  	_ =	shalt  }
0x5d: {  	_ =	shalt  }
0x5e: {  	_ =	shalt  }
0x5f: {  	_ =	shalt  }
0x60: {  	_ =	shalt  }
0x61: {  	_ =	shalt  }
0x62: {  	_ =	shalt  }
0x63: {  	_ =	shalt  }
0x64: {  	_ =	shalt  }
0x65: {  	_ =	shalt  }
0x66: {  	_ =	shalt  }
0x67: {  	_ =	shalt  }
0x68: {  	_ =	shalt  }
0x69: {  	_ =	shalt  }
0x6a: {  	_ =	shalt  }
0x6b: {  	_ =	shalt  }
0x6c: {  	_ =	shalt  }
0x6d: {  	_ =	shalt  }
0x6e: {  	_ =	shalt  }
0x6f: {  	_ =	shalt  }
0x70: {  	_ =	shalt  }
0x71: {  	_ =	shalt  }
0x72: {  	_ =	shalt  }
0x73: {  	_ =	shalt  }
0x74: {  	_ =	shalt  }
0x75: {  	_ =	shalt  }
0x76: {  	_ =	shalt  }
0x77: {  	_ =	shalt  }
0x78: {  	_ =	shalt  }
0x79: {  	_ =	shalt  }
0x7a: {  	_ =	shalt  }
0x7b: {  	_ =	shalt  }
0x7c: {  	_ =	shalt  }
0x7d: {  	_ =	shalt  }
0x7e: {  	_ =	shalt  }
0x7f: {  	_ =	shalt  }
0x80: {  	_ =	shalt  }
0x81: {  	_ =	shalt  }
0x82: {  	_ =	shalt  }
0x83: {  	_ =	shalt  }
0x84: {  	_ =	shalt  }
0x85: {  	_ =	shalt  }
0x86: {  	_ =	shalt  }
0x87: {  	_ =	shalt  }
.Lfunc_end0:
.L_simem_size_0:
called_computation_lowered:
.L_overlay_start_0:
0x88: {  	s2 =	sld [smem:$0x3FD9]  }
0x89: {  	s3 =	sld [smem:$0x3FFE];
	_ =	sdelay $0x1  }
0x8a: {  	s1 =	srdreg.scid  }
0x8b: {  	s0 =	sand.u32 $0x1, s1  }
0x8c: {  	s17 =	sshll.u32 s0, $0xA;
	s2 =	sadd.s32 s3, s2  }
0x8d: {  	s2 =	sadd.s32 s2, s17  }
0x8e: {  	[smem:$0x3FC5] =	sst s2  }
0x8f: {  	_ = 	snop  }
0x90: {  	s2 =	sld [smem:$0x3FC9]  }
0x91: {  	s18 =	sld [smem:$0x3FD0];
	(tm) =	ssettm $0x1  }
0x92: {  	s4 =	sld [smem:$0x3FFB];
	_ =	sdelay $0x3  }
0x93: {  	_ =	strace s4  }
0x94: {  	s4 =	sld [smem:$0x3FFC];
	_ =	sdelay $0x3  }
0x95: {  	_ =	strace s4  }
0x96: {  	s4 =	sld [smem:$0x3FFD];
	_ =	sdelay $0x3  }
0x97: {  	_ =	strace s4  }
0x98: {  	_ =	strace $0x8FFFFFFF  }
0x99: {  	s19 =	sld [smem:$0x3FDB];
	_ =	sdelay $0x1  }
0x9a: {  	s5 =	simm.s32 $_scs_section_size  }
0x9b: {  	s6 =	simm.s32 $_size__tile_overlayer_lowered;
	s7 =	simm.s32 $_tile_overlayer_lowered  }
0x9c: {  	s22 =	simm.s32 $0x1BFF;
	s21 =	sshll.u32 s7, $0x1;
	s4 =	sadd.s32 s5, s19  }
0x9d: {  	s8 =	simm.s32 $0x0;
	s20 =	sshll.u32 s6, $0x1;
	s6 =	sadd.s32 s21, s4  }
0x9e: {  	[timem:s8], [sflag:s22] =	dma.local [hbm:s6], s20  }
0x9f: {  	_ =	swait.ge [sflag:s22], s20  }
0xa0: {  	s5 =	ssub.s32 $0x0, s20;
	[sflag:s22] =	ssyncset.done $0x0  }
0xa1: {  	[sflag:s22] =	ssyncadd.s32 s5;
	_ =	sdelay $0x1  }
0xa2: {  	s23 =	simm.s32 $0x1B8B  }
0xa3: {  	_ =	swait.ge [sflag:s23], $0x1  }
0xa4: {  	[sflag:s23] =	ssyncset.done $0x0  }
0xa5: {  	s25 =	simm.s32 $0x1B8E;
	s24 =	sld [smem:$0x3FFE];
	[sflag:s23] =	ssyncadd.s32 $0xFFFFFFFF  }
0xa6: {  	s26 =	simm.s32 $execute0_lowered;
	[smem:$0x3FD2] =	sst s25  }
0xa7: {  	s6 =	sshll.u32 s26, $0x1;
	_ =	strace $0x80000046;
	[dreg:$0x1] =	wrdreg $0xFFFFFFFF  }
0xa8: {  	s28 =	simm.s32 $_size_execute0_lowered;
	s4 =	sadd.s32 s4, s6;
	[dreg:$0x0] =	wrdreg $0x0  }
0xa9: {  	s6 =	sshll.u32 s28, $0x1;
	[dreg:$0x2] =	wrdreg s4  }
0xaa: {  	[dreg:$0x3] =	wrdreg s6  }
0xab: {  	[dreg:$0x4] =	wrdreg $0xC0  }
0xac: {  	_ =	task [dreg:s8], $0x5FFFF  }
0xad: {  	[dreg:$0x1] =	wrdreg $0xFFFFFFFF  }
0xae: {  	[dreg:$0x0] =	wrdreg $0x60  }
0xaf: {  	[dreg:$0x2] =	wrdreg s2  }
0xb0: {  	[dreg:$0x3] =	wrdreg s18  }
0xb1: {  	[dreg:$0x4] =	wrdreg s24  }
0xb2: {  	[dreg:$0x5] =	wrdreg $0xAE800  }
0xb3: {  	[dreg:$0x6] =	wrdreg $0x1EE800  }
0xb4: {  	[dreg:$0x7] =	wrdreg $0x9  }
0xb5: {  	_ =	task.clear_ibuf [dreg:s8], $0x8FFFF;
	_ =	strace $0x90000046  }
0xb6: {  	s29 =	simm.s32 $0x9;
	_ =	strace $0x80000048  }
0xb7: {  	_ =	swait.ge [sflag:s29], $0x1  }
0xb8: {  	[sflag:s29] =	ssyncadd.s32 $0xFFFFFFFF  }
0xb9: {  	_ =	strace $0x90000048  }
0xba: {  	_ =	sfence  }
0xbb: {  	s30 =	sld [smem:$0x0];
	_ =	sdelay $0x2  }
0xbc: {  	s31 =	sshll.u32 s1, $0xD;
	s1 =	sshrl.u32 s1, $0x2  }
0xbd: {  	s3 =	sand.u32 $0x4000, s31;
	s1 =	sadd.s32 s1, s30  }
0xbe: {  	s0 =	sor.u32 s3, s0;
	s1 =	sshll.u32 s1, $0x11  }
0xbf: {  	s0 =	sor.u32 s1, s0  }
0xc0: {  	s0 =	sadd.s32 $0x8F2B, s0  }
0xc1: {  	[sflag:s0] =	ssyncadd.remote.s32 $0x1  }
0xc2: {  	_ =	sfence.sel $0xFFFF  }
0xc3: {  	[dreg:$0x0] =	wrdreg $0xFFFFFFFF;
	(pc) =	sbr.abs _section_cstart, $3  }
0xc4: {  	[dreg:$0x1] =	wrdreg $0xFFFFFFFF  }
0xc5: {  	_ =	task.clear_ibuf [dreg:s8], $0x2FFFF;
	_ =	strace $0x9FFFFFFF  }
0xc6: {  	(tm) =	ssettm $0x7FFFFFFF  }
0xc7: {  	_ =	shalt  }
tec
execute0_lowered:
.L_overlay_start_1:
0x0: {  	(tag) =	ssettag $0x1  }
0x1: {  	s1 =	rddreg [dreg:$0x0]  }
0x2: {  	s2 =	rddreg [dreg:$0x1]  }
0x3: {  	s3 =	rddreg [dreg:$0x2]  }
0x4: {  	s5 =	rddreg [dreg:$0x3]  }
0x5: {  	s6 =	rddreg [dreg:$0x4]  }
0x6: {  	s0 =	srdreg.scid;
	s16 =	stileid.u32  }
0x7: {  	s8 =	simm.s32 $0x0;
	s30 =	simm.s32 $0xB;
	s29 =	simm.s32 $0xB80  }
0x8: {  	s0 =	sand.u32 $0x1, s0;
	s7 =	sshrl.u32 s16, $0x3;
	s14 =	smul.u32 $0xA00, s16  }
0x9: {  	[smem:$0x7FF] =	sst s8;
	s9 =	sshll.u32 s16, $0x7;
	s25 =	smul.u32 $0x50000, s16  }
0xa: {  	s8 =	sadd.s32 $0x10000, s3;
	s11 =	sadd.s32 $0x11600, s3;
	s31 =	smul.u32 $0x14000, s16  }
0xb: {  	s12 =	sshll.u32 s16, $0xE;
	p0 =	seq.s32 s16, $0xF;
	s4 =	smul.u32 $0x2800, s0  }
0xc: {  	s16 =	simm.s32 $0x80;
	s7 =	smul.u32 $0x1400, s7;
	_ =	strace $0x80000047  }
0xd: {  	s20 =	sand.u32 $0x380, s9;
	s9 =	sadd.s32 $0x10600, s3;
	s21 =	ssub.s32 $0x2, s0  }
0xe: {  	s10 =	sshll.u32 s0, $0x12;
	s0 =	smul.u32 $0x138800, s0;
	s13 =	sshrl.u32 s21, $0x1  }
0xf: {  	s10 =	sor.u32 s12, s10;
	s28 =	sshrl.u32 s25, $0x2;
	s17 =	sshrl.u32 s14, $0x2  }
0x10: {  	s14 =	simm.s32 $0x50;
	s4 =	sadd.s32 s4, s7;
	s7 =	ssub.s32 s21, s13  }
0x11: {  	s12 =	sshrl.u32 s10, $0x3;
	s21 =	sadd.s32 s28, s5;
	s19 =	sadd.s32 s31, s0  }
0x12: {  	s0 =	sshrl.u32 s0, $0x3;
	s22 =	sadd.s32 s2, s12;
	[dreg:$0xc] =	wrdreg s21  }
0x13: {  	s4 =	sor.u32 s20, s4;
	s15 =	sadd.s32 s3, s12;
	[dreg:$0x6] =	wrdreg s22  }
0x14: {  	s23 =	sor.u32 $0x10, s12;
	s18 =	sadd.s32 $0x2800, s21;
	[dreg:$0x7] =	wrdreg s15  }
0x15: {  	s12 =	sor.u32 $0x20, s12;
	s25 =	sadd.s32 $0xC800, s21;
	[dreg:$0xe] =	wrdreg s18  }
0x16: {  	s0 =	sadd.s32 s11, s0;
	s28 =	sadd.s32 $0xF000, s21;
	[dreg:$0x17] =	wrdreg s25  }
0x17: {  	s31 =	sadd.s32 $0x11800, s21;
	s4 =	sshrl.u32 s4, $0x3;
	[dreg:$0x18] =	wrdreg s28  }
0x18: {  	s24 =	sadd.s32 s2, s23;
	s13 =	sadd.s32 s3, s23;
	[dreg:$0x19] =	wrdreg s31  }
0x19: {  	s26 =	sadd.s32 s2, s12;
	s12 =	sadd.s32 s3, s12;
	[dreg:$0x8] =	wrdreg s24  }
0x1a: {  	s0 =	sadd.s32 $0x25800, s0;
	s22 =	smax.u32 s7, $0x1;
	[dreg:$0x9] =	wrdreg s13  }
0x1b: {  	s23 =	sadd.s32 $0x7800, s21;
	s15 =	simm.s32 $0x180;
	[dreg:$0xa] =	wrdreg s26  }
0x1c: {  	s25 =	simm.s32 $0x13;
	s18 =	simm.s32 $0xB00;
	[dreg:$0xb] =	wrdreg s12  }
0x1d: {  	s7 =	simm.s32 $0x16;
	s4 =	sadd.s32 s4, s3;
	[dreg:$0x12] =	wrdreg s0  }
0x1e: {  	s26 =	sadd.s32 s17, s6;
	s13 =	sadd.s32 $0x5000, s21;
	[dreg:$0x13] =	wrdreg s22  }
0x1f: {  	s12 =	sshrl.u32 s19, $0x3;
	s0 =	sadd.s32 $0x12C000, s5;
	[dreg:$0x15] =	wrdreg s23  }
0x20: {  	s24 =	sadd.s32 $0xA000, s21;
	s19 =	simm.s32 $0xA00;
	[dreg:$0xf] =	wrdreg s13  }
0x21: {  	s17 =	simm.s32 $0xA80;
	s22 =	simm.s32 $0x10;
	[dreg:$0x16] =	wrdreg s24  }
0x22: {  	s23 =	simm.s32 $0x14;
	s4 =	sadd.s32 $0x10C00, s4;
	[dreg:$0xd] =	wrdreg s26  }
0x23: {  	s20 =	sadd.s32 s11, s12;
	s0 =	sshrl.u32 @p0 s0, $0x3;
	[dreg:$0x10] =	wrdreg s4  }
0x24: {  	s11 =	simm.s32 $0x1A;
	s24 =	simm.s32 $0xC;
	[dreg:$0x11] =	wrdreg s20  }
0x25: {  	v0 =	vimm.f32 $0.0e+00;
	[dreg:$0x14] =	wrdreg s0;
	s20 =	simm.s32 $0xF;
	s0 =	simm.s32 $0x0  }
.LBB2_1:
0x26: {  	[dreg:$0x1a] =	wrdreg s0  }
0x27: {  	s12 =	simm.s32 $0x0;
	s4 =	rddreg [dreg:$0x6]  }
0x28: {  	[tilespmem:s12], [sflag:$0x1] =	stream.linear.gather [hbm4b:s4+s12], $0x80, $0x38;
	[tilespmem:$0x1F100] =	vst v63  }
0x29: {  	s0 =	rddreg [dreg:$0x7];
	s13 =	simm.s32 $0x200  }
0x2a: {  	[tilespmem:s13], [sflag:$0x5] =	stream.linear.gather [hbm4b:s0+s12], $0x80, $0x38;
	[tilespmem:$0x1F100] =	vst v63  }
0x2b: {  	s28 =	rddreg [dreg:$0x8]  }
0x2c: {  	[tilespmem:s16], [sflag:$0x2] =	stream.linear.gather [hbm4b:s28+s12], $0x80, $0x38;
	[tilespmem:$0x1F100] =	vst v63  }
0x2d: {  	s31 =	rddreg [dreg:$0x9];
	s28 =	simm.s32 $0x280  }
0x2e: {  	[tilespmem:s28], [sflag:$0x6] =	stream.linear.gather [hbm4b:s31+s12], $0x80, $0x38;
	[tilespmem:$0x1F100] =	vst v63  }
0x2f: {  	s4 =	rddreg [dreg:$0xa];
	s31 =	simm.s32 $0x100  }
0x30: {  	[tilespmem:s31], [sflag:$0x3] =	stream.linear.gather [hbm4b:s4+s12], $0x80, $0x38;
	[tilespmem:$0x1F100] =	vst v63  }
0x31: {  	s0 =	simm.s32 $0x1;
	s4 =	rddreg [dreg:$0xb];
	s31 =	simm.s32 $0x300  }
0x32: {  	[tilespmem:s31], [sflag:$0x7] =	stream.linear.gather [hbm4b:s4+s12], $0x80, $0x38;
	[tilespmem:$0x1F100] =	vst v63  }
0x33: {  	_ =	swait.ge [sflag:s0], $0x80  }
0x34: {  	[sflag:s0] =	ssyncset.done $0x0  }
0x35: {  	s31 =	simm.s32 $0x5;
	[sflag:s0] =	ssyncadd.s32 $0xFFFFFF80  }
0x36: {  	_ =	swait.ge [sflag:s31], $0x80  }
0x37: {  	[sflag:s31] =	ssyncset.done $0x0  }
0x38: {  	s4 =	simm.s32 $0xC00;
	[sflag:s31] =	ssyncadd.s32 $0xFFFFFF80  }
0x39: {  	[tilespmem:s4], [sflag:$0x9] =	stream.indirect.gather [hbm4b:s1+s14], $0x80, s12, s14, $0xb8;
	[tilespmem:$0x1F100] =	vst v63  }
0x3a: {  	s31 =	simm.s32 $0x600  }
0x3b: {  	[tilespmem:s31], [sflag:$0xD] =	stream.indirect.gather [hbm4b:s8+s14], $0x1, s12, s14, $0xb8;
	[tilespmem:$0x1F100] =	vst v63  }
0x3c: {  	s0 =	simm.s32 $0x800  }
0x3d: {  	[tilespmem:s0], [sflag:$0x11] =	stream.indirect.gather [hbm4b:s9+s14], $0x1, s13, s14, $0xb8;
	[tilespmem:$0x1F100] =	vst v63  }
0x3e: {  	s13 =	simm.s32 $0x2  }
0x3f: {  	_ =	swait.ge [sflag:s13], $0x80  }
0x40: {  	[sflag:s13] =	ssyncset.done $0x0  }
0x41: {  	s31 =	simm.s32 $0x6;
	[sflag:s13] =	ssyncadd.s32 $0xFFFFFF80  }
0x42: {  	_ =	swait.ge [sflag:s31], $0x80  }
0x43: {  	[sflag:s31] =	ssyncset.done $0x0  }
0x44: {  	s0 =	simm.s32 $0x3400;
	[sflag:s31] =	ssyncadd.s32 $0xFFFFFF80  }
0x45: {  	[tilespmem:s0], [sflag:$0xA] =	stream.indirect.gather [hbm4b:s1+s14], $0x80, s16, s14, $0xb8;
	[tilespmem:$0x1F100] =	vst v63  }
0x46: {  	s13 =	simm.s32 $0x680  }
0x47: {  	[tilespmem:s13], [sflag:$0xE] =	stream.indirect.gather [hbm4b:s8+s14], $0x1, s16, s14, $0xb8;
	[tilespmem:$0x1F100] =	vst v63  }
0x48: {  	s16 =	simm.s32 $0x880  }
0x49: {  	[tilespmem:s16], [sflag:$0x12] =	stream.indirect.gather [hbm4b:s9+s14], $0x1, s28, s14, $0xb8;
	[tilespmem:$0x1F100] =	vst v63  }
0x4a: {  	s28 =	sand.u32 $0xFE00, s12  }
0x4b: {  	s12 =	sand.u32 $0x70, s12;
	s31 =	sshrl.u32 s28, $0x2  }
0x4c: {  	s4 =	simm.s32 $0x40;
	s13 =	sor.u32 s12, s31;
	s12 =	simm.s32 $0x0  }
.LBB2_2:
0x4d: {  	p1 =	sne.s32 s4, $0x9FC0  }
0x4e: {  	[tilespmem:s13+$0x8400] =	vst v0;
	s12 =	sadd.s32 $0x10, s12;
	s13 =	smov.u32 s4;
	s4 =	sadd.s32 $0x40, s4  }
.Ltmp0:
0x4f: {  	(pc) =	sbr.rel @p1 .LBB2_2-.Ltmp0, $4  }
0x50: {  	_ = 	snop  }
0x51: {  	s13 =	sand.u32 $0xFE00, s13  }
0x52: {  	s16 =	sand.u32 $0x70, s12;
	s13 =	sshrl.u32 s13, $0x2  }
0x53: {  	s13 =	sor.u32 s16, s13  }
0x54: {  	[tilespmem:s13+$0x8400] =	vst v0  }
0x55: {  	[tilespmem:$0xAC00] =	vst v0  }
0x56: {  	[tilespmem:$0xAC10] =	vst v0  }
0x57: {  	[tilespmem:$0xAC20] =	vst v0  }
0x58: {  	[tilespmem:$0xAC30] =	vst v0  }
0x59: {  	[tilespmem:$0xAC40] =	vst v0  }
0x5a: {  	[tilespmem:$0xAC50] =	vst v0  }
0x5b: {  	[tilespmem:$0xAC60] =	vst v0  }
0x5c: {  	[tilespmem:$0xAC70] =	vst v0  }
0x5d: {  	[tilespmem:$0xAC80] =	vst v0  }
0x5e: {  	[tilespmem:$0xAC90] =	vst v0  }
0x5f: {  	[tilespmem:$0xACA0] =	vst v0  }
0x60: {  	[tilespmem:$0xACB0] =	vst v0  }
0x61: {  	[tilespmem:$0xACC0] =	vst v0  }
0x62: {  	[tilespmem:$0xACD0] =	vst v0  }
0x63: {  	[tilespmem:$0xACE0] =	vst v0  }
0x64: {  	[tilespmem:$0xACF0] =	vst v0  }
0x65: {  	[tilespmem:$0xAD00] =	vst v0  }
0x66: {  	[tilespmem:$0xAD10] =	vst v0  }
0x67: {  	[tilespmem:$0xAD20] =	vst v0  }
0x68: {  	[tilespmem:$0xAD30] =	vst v0  }
0x69: {  	[tilespmem:$0xAD40] =	vst v0  }
0x6a: {  	[tilespmem:$0xAD50] =	vst v0  }
0x6b: {  	[tilespmem:$0xAD60] =	vst v0  }
0x6c: {  	[tilespmem:$0xAD70] =	vst v0  }
0x6d: {  	[tilespmem:$0xAD80] =	vst v0  }
0x6e: {  	[tilespmem:$0xAD90] =	vst v0  }
0x6f: {  	[tilespmem:$0xADA0] =	vst v0  }
0x70: {  	[tilespmem:$0xADB0] =	vst v0  }
0x71: {  	[tilespmem:$0xADC0] =	vst v0  }
0x72: {  	[tilespmem:$0xADD0] =	vst v0  }
0x73: {  	[tilespmem:$0xADE0] =	vst v0  }
0x74: {  	[tilespmem:$0xADF0] =	vst v0  }
0x75: {  	[tilespmem:$0xAE00] =	vst v0  }
0x76: {  	[tilespmem:$0xAE10] =	vst v0  }
0x77: {  	[tilespmem:$0xAE20] =	vst v0  }
0x78: {  	[tilespmem:$0xAE30] =	vst v0  }
0x79: {  	[tilespmem:$0xAE40] =	vst v0  }
0x7a: {  	[tilespmem:$0xAE50] =	vst v0  }
0x7b: {  	[tilespmem:$0xAE60] =	vst v0  }
0x7c: {  	s4 =	simm.s32 $0xAC00;
	s12 =	simm.s32 $0x1D;
	[tilespmem:$0xAE70] =	vst v0  }
0x7d: {  	[spmem:s26] =	stream.linear.scatter [tilespmem:s4], [sflag:$0x1D], $0x280, $0x38;
	[tilespmem:$0x1F100] =	vst v63  }
0x7e: {  	_ =	swait.ge [sflag:s12], $0x280  }
0x7f: {  	[sflag:s12] =	ssyncset.done $0x0  }
0x80: {  	s13 =	simm.s32 $0x8400;
	[sflag:s12] =	ssyncadd.s32 $0xFFFFFD80  }
0x81: {  	[spmem:s21] =	stream.linear.scatter [tilespmem:s13], [sflag:$0x1D], $0x2800, $0x38;
	[tilespmem:$0x1F100] =	vst v63  }
0x82: {  	_ =	swait.ge [sflag:s12], $0x2800  }
0x83: {  	[sflag:s12] =	ssyncset.done $0x0  }
0x84: {  	s26 =	rddreg [dreg:$0xe];
	[sflag:s12] =	ssyncadd.s32 $0xFFFFD800  }
0x85: {  	[spmem:s26] =	stream.linear.scatter [tilespmem:s13], [sflag:$0x1D], $0x2800, $0x38;
	[tilespmem:$0x1F100] =	vst v63  }
0x86: {  	_ =	swait.ge [sflag:s12], $0x2800  }
0x87: {  	[sflag:s12] =	ssyncset.done $0x0  }
0x88: {  	s28 =	rddreg [dreg:$0xf];
	[sflag:s12] =	ssyncadd.s32 $0xFFFFD800  }
0x89: {  	[spmem:s28] =	stream.linear.scatter [tilespmem:s13], [sflag:$0x1D], $0x2800, $0x38;
	[tilespmem:$0x1F100] =	vst v63  }
0x8a: {  	_ =	swait.ge [sflag:s12], $0x2800  }
0x8b: {  	[sflag:s12] =	ssyncset.done $0x0  }
0x8c: {  	s0 =	rddreg [dreg:$0x15];
	[sflag:s12] =	ssyncadd.s32 $0xFFFFD800  }
0x8d: {  	[spmem:s0] =	stream.linear.scatter [tilespmem:s13], [sflag:$0x1D], $0x2800, $0x38;
	[tilespmem:$0x1F100] =	vst v63  }
0x8e: {  	_ =	swait.ge [sflag:s12], $0x2800  }
0x8f: {  	[sflag:s12] =	ssyncset.done $0x0  }
0x90: {  	s16 =	rddreg [dreg:$0x16];
	[sflag:s12] =	ssyncadd.s32 $0xFFFFD800  }
0x91: {  	[spmem:s16] =	stream.linear.scatter [tilespmem:s13], [sflag:$0x1D], $0x2800, $0x38;
	[tilespmem:$0x1F100] =	vst v63  }
0x92: {  	_ =	swait.ge [sflag:s12], $0x2800  }
0x93: {  	[sflag:s12] =	ssyncset.done $0x0  }
0x94: {  	s21 =	rddreg [dreg:$0x17];
	[sflag:s12] =	ssyncadd.s32 $0xFFFFD800  }
0x95: {  	[spmem:s21] =	stream.linear.scatter [tilespmem:s13], [sflag:$0x1D], $0x2800, $0x38;
	[tilespmem:$0x1F100] =	vst v63  }
0x96: {  	_ =	swait.ge [sflag:s12], $0x2800  }
0x97: {  	[sflag:s12] =	ssyncset.done $0x0  }
0x98: {  	s26 =	rddreg [dreg:$0x18];
	[sflag:s12] =	ssyncadd.s32 $0xFFFFD800  }
0x99: {  	[spmem:s26] =	stream.linear.scatter [tilespmem:s13], [sflag:$0x1D], $0x2800, $0x38;
	[tilespmem:$0x1F100] =	vst v63  }
0x9a: {  	_ =	swait.ge [sflag:s12], $0x2800  }
0x9b: {  	[sflag:s12] =	ssyncset.done $0x0  }
0x9c: {  	s28 =	rddreg [dreg:$0x19];
	[sflag:s12] =	ssyncadd.s32 $0xFFFFD800  }
0x9d: {  	[spmem:s28] =	stream.linear.scatter [tilespmem:s13], [sflag:$0x1D], $0x2800, $0x38;
	[tilespmem:$0x1F100] =	vst v63  }
0x9e: {  	_ =	swait.ge [sflag:s12], $0x2800  }
0x9f: {  	[sflag:s12] =	ssyncset.done $0x0  }
0xa0: {  	s31 =	simm.s32 $0x0;
	[sflag:s12] =	ssyncadd.s32 $0xFFFFD800  }
0xa1: {  	s0 =	simm.s32 $0x8400;
	s13 =	simm.s32 $0x0;
	[bflag:$0x0] =	sbarrier.arrive $0xFFFF  }
.LBB2_4:
0xa2: {  	p1 =	seq.s32 s13, $0x0  }
0xa3: {  	s4 =	simm.s32 @!p1 $0x17  }
0xa4: {  	_ =	swait.ge @!p1 [sflag:s4], $0x2800  }
0xa5: {  	[sflag:s4] =	ssyncset.done @!p1 $0x0  }
0xa6: {  	[sflag:s4] =	ssyncadd.s32 @!p1 $0xFFFFD800;
	s4 =	simm.s32 @!p1 $0x1B  }
0xa7: {  	_ =	swait.ge @!p1 [sflag:s4], $0x50  }
0xa8: {  	[sflag:s4] =	ssyncset.done @!p1 $0x0  }
0xa9: {  	s16 =	simm.s32 $0x3;
	[sflag:s4] =	ssyncadd.s32 @!p1 $0xFFFFFFB0  }
0xaa: {  	_ =	swait.ge [sflag:s16], $0x80  }
0xab: {  	[sflag:s16] =	ssyncset.done $0x0  }
0xac: {  	s21 =	simm.s32 $0x7;
	[sflag:s16] =	ssyncadd.s32 $0xFFFFFF80  }
0xad: {  	_ =	swait.ge [sflag:s21], $0x80  }
0xae: {  	[sflag:s21] =	ssyncset.done $0x0  }
0xaf: {  	s26 =	simm.s32 $0x100;
	s12 =	simm.s32 $0x5C00;
	[sflag:s21] =	ssyncadd.s32 $0xFFFFFF80  }
0xb0: {  	[tilespmem:s12], [sflag:$0xB] =	stream.indirect.gather [hbm4b:s1+s14], $0x80, s26, s14, $0xb8;
	[tilespmem:$0x1F100] =	vst v63  }
0xb1: {  	s28 =	simm.s32 $0x700;
	s16 =	sshll.u32 s13, $0x9  }
0xb2: {  	[tilespmem:s28], [sflag:$0xF] =	stream.indirect.gather [hbm4b:s8+s14], $0x1, s26, s14, $0xb8;
	[tilespmem:$0x1F100] =	vst v63  }
0xb3: {  	s26 =	sadd.s32 s10, s16  }
0xb4: {  	s21 =	simm.s32 $0x900;
	s12 =	simm.s32 $0x300;
	s4 =	sshrl.u32 s26, $0x3  }
0xb5: {  	[tilespmem:s21], [sflag:$0x13] =	stream.indirect.gather [hbm4b:s9+s14], $0x1, s12, s14, $0xb8;
	[tilespmem:$0x1F100] =	vst v63  }
0xb6: {  	s4 =	sor.u32 $0x30, s4  }
0xb7: {  	s28 =	sadd.s32 s2, s4  }
0xb8: {  	[tilespmem:s15], [sflag:$0x4] =	stream.linear.gather [hbm4b:s28+s31], $0x80, $0x38;
	[tilespmem:$0x1F100] =	vst v63  }
0xb9: {  	s21 =	simm.s32 $0xD;
	s4 =	sadd.s32 s3, s4;
	s15 =	simm.s32 $0x380  }
0xba: {  	[tilespmem:s15], [sflag:$0x8] =	stream.linear.gather [hbm4b:s4+s31], $0x80, $0x38;
	[tilespmem:$0x1F100] =	vst v63  }
0xbb: {  	_ =	swait.ge [sflag:s21], $0x50  }
0xbc: {  	[sflag:s21] =	ssyncset.done $0x0  }
0xbd: {  	s26 =	simm.s32 $0x11;
	[sflag:s21] =	ssyncadd.s32 $0xFFFFFFB0  }
0xbe: {  	_ =	swait.ge [sflag:s26], $0x50  }
0xbf: {  	[sflag:s26] =	ssyncset.done $0x0  }
0xc0: {  	s28 =	simm.s32 $0x9;
	[sflag:s26] =	ssyncadd.s32 $0xFFFFFFB0  }
0xc1: {  	_ =	swait.ge [sflag:s28], $0x2800  }
0xc2: {  	[sflag:s28] =	ssyncset.done $0x0  }
0xc3: {  	[sflag:s28] =	ssyncadd.s32 $0xFFFFD800  }
0xc4: {  	v1 =	vld [tilespmem:$0x600]  }
0xc5: {  	v2 =	vld [tilespmem:$0x800]  }
0xc6: {  	v3 =	vld [tilespmem:$0x610]  }
0xc7: {  	v4 =	vld [tilespmem:$0x810]  }
0xc8: {  	v5 =	vld [tilespmem:$0x620]  }
0xc9: {  	v6 =	vld [tilespmem:$0x820]  }
0xca: {  	v7 =	vld [tilespmem:$0x830];
	v1 =	vadd.f32 v2, v1  }
0xcb: {  	v2 =	vld [tilespmem:$0x630]  }
0xcc: {  	v9 =	vld [tilespmem:$0x840];
	v3 =	vadd.f32 v4, v3;
	v8 =	vmul.f32 $9.999999770e-03, v1  }
0xcd: {  	v4 =	vld [tilespmem:$0x640];
	vm0 =	vge.f32 v1, $0.0e+00  }
0xce: {  	v5 =	vadd.f32 v6, v5;
	v1 =	vsel vm0, v1, v8;
	v8 =	vmul.f32 $9.999999770e-03, v3  }
0xcf: {  	vm12 =	vge.f32 v3, $0.0e+00;
	v1 =	vmul.f32 $1.442695020e+00, v1  }
0xd0: {  	v6 =	vmul.f32 $9.999999770e-03, v5;
	v2 =	vadd.f32 v7, v2;
	v3 =	vsel vm12, v3, v8  }
0xd1: {  	vm13 =	vge.f32 v5, $0.0e+00;
	(erf) = vpow2.f32 v1;
	v1 =	vmul.f32 $1.442695020e+00, v3  }
0xd2: {  	v4 =	vadd.f32 v9, v4;
	v3 =	vsel vm13, v5, v6;
	v5 =	vmul.f32 $9.999999770e-03, v2  }
0xd3: {  	vm14 =	vge.f32 v2, $0.0e+00;
	(erf) = vpow2.f32 v1;
	v1 =	vmul.f32 $1.442695020e+00, v3  }
0xd4: {  	v2 =	vsel vm14, v2, v5;
	v3 =	vmul.f32 $9.999999770e-03, v4  }
0xd5: {  	vm15 =	vge.f32 v4, $0.0e+00;
	(erf) = vpow2.f32 v1;
	v1 =	vmul.f32 $1.442695020e+00, v2  }
0xd6: {  	v5 =	vld [tilespmem:$0x200];
	v2 =	vsel vm15, v4, v3  }
0xd7: {  	(erf) = vpow2.f32 v1;
	v1 =	vmul.f32 $1.442695020e+00, v2  }
0xd8: {  	v3 =	vld [tilespmem:$0x210];
	_ =	sdelay $0x1  }
0xd9: {  	v2 =	vld [tilespmem:$0x220];
	(erf) = vpow2.f32 v1  }
0xda: {  	[tilespmem:$0x400] =	vst v5;
	v1 =	vpop (erf)  }
0xdb: {  	[tilespmem:$0xA00] =	vst v1;
	v1 =	vld [tilespmem:$0x230]  }
0xdc: {  	s12 =	simm.s32 $0x2;
	[tilespmem:$0x410] =	vst v3;
	v3 =	vmov s31;
	v4 =	vpop (erf)  }
0xdd: {  	v5 =	vmov s12;
	v3 =	vand.u32 $0xFFFFFFFC, v3;
	[tilespmem:$0xA10] =	vst v4;
	v4 =	vld [tilespmem:$0x240]  }
0xde: {  	[tilespmem:$0x420] =	vst v2;
	v2 =	vbroadcast v3, $0x0;
	v3 =	vand.u32 $0xFFFFFFFE, v5;
	v6 =	vpop (erf)  }
0xdf: {  	v3 =	vbroadcast v3, $0x0;
	[tilespmem:$0xA20] =	vst v6  }
0xe0: {  	v5 =	vpop (erf);
	[tilespmem:$0x430] =	vst v1  }
0xe1: {  	[tilespmem:$0xA30] =	vst v5  }
0xe2: {  	[tilespmem:$0x440] =	vst v4;
	v1 =	vpop (erf)  }
0xe3: {  	[tilespmem:$0xA40] =	vst v1  }
0xe4: {  	v1 =	vld.idx.msk [tilespmem:v2+s19+$0x0], $0xffff  }
0xe5: {  	s4 =	simm.s32 $0xD00;
	v2 =	vld.idx.msk [tilespmem:v3+s19+$0x0], $0xffff  }
0xe6: {  	v4 =	vld [tilespmem:s4+$0x70]  }
0xe7: {  	v5 =	vld [tilespmem:s4+$0xFFFFFF00]  }
0xe8: {  	s15 =	simm.s32 $0x1;
	v6 =	vld [tilespmem:s4+$0xFFFFFF10]  }
0xe9: {  	v3 =	vmov s15;
	v7 =	vld [tilespmem:s4+$0xFFFFFF20]  }
0xea: {  	v8 =	vld [tilespmem:s4+$0xFFFFFF30];
	v3 =	vand.u32 $0xFFFFFFFD, v3  }
0xeb: {  	v9 =	vld [tilespmem:s4+$0xFFFFFF40];
	v3 =	vbroadcast v3, $0x0  }
0xec: {  	v10 =	vld [tilespmem:s4+$0xFFFFFF50]  }
0xed: {  	v11 =	vld [tilespmem:s4+$0xFFFFFF60];
	v5 =	vmul.f32 v5, v1  }
0xee: {  	v13 =	vld [tilespmem:s4+$0x40];
	v4 =	vmul.f32 v4, v2  }
0xef: {  	[tilespmem:s4+$0xFFFFFF00] =	vst v5;
	v5 =	vmul.f32 v6, v1;
	v6 =	vld [tilespmem:s4+$0xFFFFFF70]  }
0xf0: {  	[tilespmem:s4+$0x70] =	vst v4;
	v4 =	vmul.f32 v7, v1;
	v7 =	vld [tilespmem:s4+$0xFFFFFF80]  }
0xf1: {  	v3 =	vld.idx.msk [tilespmem:v3+s19+$0x0], $0xffff;
	[tilespmem:s4+$0xFFFFFF10] =	vst v5;
	v5 =	vmul.f32 v8, v1  }
0xf2: {  	v8 =	vld [tilespmem:s4+$0xFFFFFF90];
	[tilespmem:s4+$0xFFFFFF20] =	vst v4;
	v4 =	vmul.f32 v9, v1  }
0xf3: {  	v9 =	vld [tilespmem:s4+$0xFFFFFFA0];
	[tilespmem:s4+$0xFFFFFF30] =	vst v5;
	v5 =	vmul.f32 v10, v1  }
0xf4: {  	v10 =	vld [tilespmem:s4+$0xFFFFFFB0];
	[tilespmem:s4+$0xFFFFFF40] =	vst v4;
	v4 =	vmul.f32 v11, v1  }
0xf5: {  	v11 =	vld [tilespmem:s4+$0xFFFFFFC0];
	v6 =	vmul.f32 v6, v1;
	[tilespmem:s4+$0xFFFFFF50] =	vst v5  }
0xf6: {  	v5 =	vmul.f32 v7, v3;
	v7 =	vld [tilespmem:s4+$0xFFFFFFD0];
	[tilespmem:s4+$0xFFFFFF60] =	vst v4  }
0xf7: {  	s21 =	simm.s32 $0x3;
	v4 =	vld [tilespmem:s4+$0xFFFFFFE0];
	v8 =	vmul.f32 v8, v3;
	[tilespmem:s4+$0xFFFFFF70] =	vst v6  }
0xf8: {  	v12 =	vmov s21;
	v6 =	vld [tilespmem:s4+$0xFFFFFFF0];
	[tilespmem:s4+$0xFFFFFF80] =	vst v5;
	v5 =	vmul.f32 v9, v3  }
0xf9: {  	v9 =	vld [tilespmem:s4+$0x0];
	[tilespmem:s4+$0xFFFFFF90] =	vst v8;
	v8 =	vmul.f32 v10, v3  }
0xfa: {  	v10 =	vld [tilespmem:s4+$0x10];
	[tilespmem:s4+$0xFFFFFFA0] =	vst v5;
	v5 =	vmul.f32 v11, v3  }
0xfb: {  	[tilespmem:s4+$0xFFFFFFB0] =	vst v8;
	v7 =	vmul.f32 v7, v3;
	v8 =	vld [tilespmem:s4+$0x20]  }
0xfc: {  	v11 =	vld [tilespmem:s4+$0x30];
	v4 =	vmul.f32 v4, v3;
	[tilespmem:s4+$0xFFFFFFC0] =	vst v5  }
0xfd: {  	v1 =	vld.idx.msk [tilespmem:v12+s19+$0x0], $0xffff;
	v3 =	vmul.f32 v6, v3;
	[tilespmem:s4+$0xFFFFFFD0] =	vst v7  }
0xfe: {  	[tilespmem:s4+$0xFFFFFFE0] =	vst v4;
	v5 =	vmul.f32 v9, v2;
	v4 =	vld [tilespmem:s4+$0x50]  }
0xff: {  	s26 =	simm.s32 $0x4;
	[tilespmem:s4+$0xFFFFFFF0] =	vst v3;
	v6 =	vmul.f32 v10, v2;
	v3 =	vld [tilespmem:s4+$0x60]  }
0x100: {  	s28 =	simm.s32 $0x7;
	v7 =	vmov s26;
	[tilespmem:s4+$0x0] =	vst v5;
	v9 =	vmul.f32 v8, v2;
	v8 =	vld [tilespmem:s4+$0x80]  }
0x101: {  	s21 =	simm.s32 $0x5;
	v12 =	vand.u32 $0xFFFFFFFC, v7;
	v7 =	vld [tilespmem:s4+$0x90];
	v5 =	vmov s28;
	v10 =	vmul.f32 v11, v2;
	[tilespmem:s4+$0x10] =	vst v6  }
0x102: {  	s12 =	simm.s32 $0xD00;
	s26 =	simm.s32 $0x6;
	v11 =	vmul.f32 v13, v2;
	v6 =	vbroadcast v12, $0x0;
	v12 =	vmov s21;
	s21 =	simm.s32 $0x8;
	[tilespmem:s4+$0x20] =	vst v9;
	v9 =	vld [tilespmem:s4+$0xA0]  }
.LBB2_5:
0x103: {  	p2 =	slt.u32 s21, $0x4C;
	v12 =	vand.u32 $0xFFFFFFFD, v12;
	v13 =	vmov s26;
	[tilespmem:s4+$0x30] =	vst v10;
	v4 =	vmul.f32 v4, v2;
	v10 =	vld [tilespmem:s4+$0xB0]  }
0x104: {  	v12 =	vbroadcast v12, $0x0;
	v13 =	vand.u32 $0xFFFFFFFE, v13;
	[tilespmem:s4+$0x40] =	vst v11;
	v2 =	vmul.f32 v3, v2;
	v3 =	vld [tilespmem:s4+$0xC0]  }
0x105: {  	v11 =	vbroadcast v13, $0x0;
	[tilespmem:s4+$0x50] =	vst v4;
	v4 =	vmul.f32 v8, v1;
	v8 =	vld [tilespmem:s4+$0xD0]  }
0x106: {  	[tilespmem:s4+$0x60] =	vst v2;
	v2 =	vmul.f32 v7, v1;
	v7 =	vld [tilespmem:s4+$0xE0]  }
0x107: {  	[tilespmem:s4+$0x80] =	vst v4;
	v4 =	vmul.f32 v9, v1;
	v9 =	vld [tilespmem:s4+$0xF0]  }
0x108: {  	v5 =	vld.idx.msk [tilespmem:v5+s19+$0x0], $0xffff;
	[tilespmem:s4+$0x90] =	vst v2;
	v2 =	vmul.f32 v10, v1  }
0x109: {  	v6 =	vld.idx.msk [tilespmem:v6+s19+$0x0], $0xffff;
	[tilespmem:s4+$0xA0] =	vst v4;
	v3 =	vmul.f32 v3, v1  }
0x10a: {  	v4 =	vld.idx.msk [tilespmem:v12+s19+$0x0], $0xffff;
	[tilespmem:s4+$0xB0] =	vst v2;
	v8 =	vmul.f32 v8, v1  }
0x10b: {  	s4 =	sadd.s32 $0x200, s4;
	v2 =	vld.idx.msk [tilespmem:v11+s19+$0x0], $0xffff;
	[tilespmem:s12+$0xC0] =	vst v3;
	v3 =	vmul.f32 v7, v1  }
0x10c: {  	v7 =	vld [tilespmem:s4+$0x70];
	[tilespmem:s12+$0xD0] =	vst v8;
	v9 =	vmul.f32 v9, v1  }
0x10d: {  	v8 =	vld [tilespmem:s4+$0xFFFFFF00];
	[tilespmem:s12+$0xE0] =	vst v3  }
0x10e: {  	v1 =	vmov v5;
	v3 =	vld [tilespmem:s4+$0xFFFFFF10];
	[tilespmem:s12+$0xF0] =	vst v9;
	s12 =	smov.u32 s4  }
0x10f: {  	v5 =	vld [tilespmem:s4+$0xFFFFFF20]  }
0x110: {  	v9 =	vld [tilespmem:s4+$0xFFFFFF30]  }
0x111: {  	v10 =	vld [tilespmem:s4+$0xFFFFFF40];
	v7 =	vmul.f32 v7, v2  }
0x112: {  	v8 =	vmul.f32 v8, v6;
	v11 =	vld [tilespmem:s4+$0xFFFFFF50]  }
0x113: {  	v3 =	vmul.f32 v3, v6;
	v12 =	vld [tilespmem:s4+$0xFFFFFF60];
	[tilespmem:s4+$0x70] =	vst v7  }
0x114: {  	[tilespmem:s4+$0xFFFFFF00] =	vst v8;
	v5 =	vmul.f32 v5, v6;
	v7 =	vld [tilespmem:s4+$0xFFFFFF70]  }
0x115: {  	[tilespmem:s4+$0xFFFFFF10] =	vst v3;
	v3 =	vmul.f32 v9, v6;
	v8 =	vld [tilespmem:s4+$0xFFFFFF80]  }
0x116: {  	[tilespmem:s4+$0xFFFFFF20] =	vst v5;
	v5 =	vmul.f32 v10, v6;
	v9 =	vld [tilespmem:s4+$0xFFFFFF90]  }
0x117: {  	[tilespmem:s4+$0xFFFFFF30] =	vst v3;
	v3 =	vmul.f32 v11, v6;
	v10 =	vld [tilespmem:s4+$0xFFFFFFA0]  }
0x118: {  	[tilespmem:s4+$0xFFFFFF40] =	vst v5;
	v5 =	vmul.f32 v12, v6;
	v11 =	vld [tilespmem:s4+$0xFFFFFFB0]  }
0x119: {  	[tilespmem:s4+$0xFFFFFF50] =	vst v3;
	v3 =	vmul.f32 v7, v6;
	v6 =	vld [tilespmem:s4+$0xFFFFFFC0]  }
0x11a: {  	[tilespmem:s4+$0xFFFFFF60] =	vst v5;
	v5 =	vmul.f32 v8, v4;
	v7 =	vld [tilespmem:s4+$0xFFFFFFD0]  }
0x11b: {  	[tilespmem:s4+$0xFFFFFF70] =	vst v3;
	v3 =	vmul.f32 v9, v4;
	v8 =	vld [tilespmem:s4+$0xFFFFFFE0]  }
0x11c: {  	[tilespmem:s4+$0xFFFFFF80] =	vst v5;
	v5 =	vmul.f32 v10, v4;
	v9 =	vld [tilespmem:s4+$0xFFFFFFF0]  }
0x11d: {  	[tilespmem:s4+$0xFFFFFF90] =	vst v3;
	v3 =	vmul.f32 v11, v4;
	v10 =	vld [tilespmem:s4+$0x0]  }
0x11e: {  	[tilespmem:s4+$0xFFFFFFA0] =	vst v5;
	v5 =	vmul.f32 v6, v4;
	v6 =	vld [tilespmem:s4+$0x10]  }
0x11f: {  	[tilespmem:s4+$0xFFFFFFB0] =	vst v3;
	v3 =	vmul.f32 v7, v4;
	v7 =	vld [tilespmem:s4+$0x20]  }
0x120: {  	[tilespmem:s4+$0xFFFFFFC0] =	vst v5;
	v5 =	vmul.f32 v8, v4;
	v11 =	vld [tilespmem:s4+$0x30]  }
0x121: {  	[tilespmem:s4+$0xFFFFFFD0] =	vst v3;
	v3 =	vmul.f32 v9, v4;
	v9 =	vld [tilespmem:s4+$0x40]  }
.Ltmp1:
0x122: {  	[tilespmem:s4+$0xFFFFFFE0] =	vst v5;
	v5 =	vmul.f32 v10, v2;
	v4 =	vld [tilespmem:s4+$0x50];
	(pc) =	sbr.rel @p2 .LBB2_5-.Ltmp1, $4  }
0x123: {  	[tilespmem:s4+$0xFFFFFFF0] =	vst v3;
	v6 =	vmul.f32 v6, v2;
	v3 =	vld [tilespmem:s4+$0x60]  }
0x124: {  	s26 =	sadd.s32 $0x3, s21;
	v10 =	vmov s21;
	[tilespmem:s4+$0x0] =	vst v5;
	v13 =	vmul.f32 v7, v2;
	v8 =	vld [tilespmem:s4+$0x80]  }
0x125: {  	s28 =	sadd.s32 $0x1, s21;
	v12 =	vand.u32 $0xFFFFFFFC, v10;
	v5 =	vmov s26;
	[tilespmem:s4+$0x10] =	vst v6;
	v10 =	vmul.f32 v11, v2;
	v7 =	vld [tilespmem:s4+$0x90]  }
0x126: {  	s26 =	sadd.s32 $0x2, s21;
	s21 =	sadd.s32 $0x4, s21;
	v6 =	vbroadcast v12, $0x0;
	v12 =	vmov s28;
	[tilespmem:s4+$0x20] =	vst v13;
	v11 =	vmul.f32 v9, v2;
	v9 =	vld [tilespmem:s4+$0xA0]  }
0x127: {  	v13 =	vld [tilespmem:s4+$0xB0]  }
0x128: {  	v15 =	vld [tilespmem:s4+$0xC0]  }
0x129: {  	v14 =	vmov s26;
	v16 =	vld [tilespmem:s4+$0xD0]  }
0x12a: {  	v17 =	vld [tilespmem:s4+$0xE0];
	[tilespmem:s4+$0x30] =	vst v10;
	v4 =	vmul.f32 v4, v2;
	v14 =	vand.u32 $0xFFFFFFFE, v14  }
0x12b: {  	v12 =	vand.u32 $0xFFFFFFFD, v12;
	v5 =	vld.idx.msk [tilespmem:v5+s19+$0x0], $0xffff;
	[tilespmem:s4+$0x40] =	vst v11;
	v2 =	vmul.f32 v3, v2;
	v14 =	vbroadcast v14, $0x0  }
0x12c: {  	s21 =	sadd.s32 $0x200, s4;
	v12 =	vbroadcast v12, $0x0;
	v3 =	vld.idx.msk [tilespmem:v6+s19+$0x0], $0xffff;
	v8 =	vmul.f32 v8, v1;
	[tilespmem:s4+$0x50] =	vst v4  }
0x12d: {  	v10 =	vld [tilespmem:s21+$0xFFFFFF00];
	v4 =	vmul.f32 v7, v1;
	[tilespmem:s4+$0x60] =	vst v2  }
0x12e: {  	[tilespmem:s4+$0x80] =	vst v8;
	v8 =	vld [tilespmem:s4+$0xF0];
	v2 =	vmul.f32 v9, v1  }
0x12f: {  	v11 =	vld [tilespmem:s21+$0xFFFFFF10];
	[tilespmem:s4+$0x90] =	vst v4;
	v4 =	vmul.f32 v13, v1  }
0x130: {  	v9 =	vld [tilespmem:s21+$0x70];
	[tilespmem:s4+$0xA0] =	vst v2;
	v2 =	vmul.f32 v15, v1  }
0x131: {  	[tilespmem:s4+$0xB0] =	vst v4;
	v4 =	vmul.f32 v16, v1;
	v7 =	vld.idx.msk [tilespmem:v14+s19+$0x0], $0xffff  }
0x132: {  	v6 =	vld.idx.msk [tilespmem:v12+s19+$0x0], $0xffff;
	[tilespmem:s12+$0xC0] =	vst v2;
	v2 =	vmul.f32 v17, v1  }
0x133: {  	v12 =	vld [tilespmem:s21+$0xFFFFFF20];
	[tilespmem:s12+$0xD0] =	vst v4;
	v1 =	vmul.f32 v8, v1  }
0x134: {  	v4 =	vld [tilespmem:s21+$0xFFFFFF30];
	[tilespmem:s12+$0xE0] =	vst v2  }
0x135: {  	v2 =	vld [tilespmem:s21+$0xFFFFFF40];
	[tilespmem:s12+$0xF0] =	vst v1;
	v1 =	vmul.f32 v10, v3  }
0x136: {  	v8 =	vmul.f32 v9, v7;
	v9 =	vld [tilespmem:s21+$0xFFFFFF50]  }
0x137: {  	v10 =	vmul.f32 v11, v3;
	v11 =	vld [tilespmem:s21+$0xFFFFFF60];
	[tilespmem:s21+$0xFFFFFF00] =	vst v1  }
0x138: {  	v1 =	vmul.f32 v12, v3;
	[tilespmem:s21+$0x70] =	vst v8;
	v8 =	vld [tilespmem:s21+$0xFFFFFF70]  }
0x139: {  	[tilespmem:s21+$0xFFFFFF10] =	vst v10;
	v10 =	vld [tilespmem:s21+$0xFFFFFF80];
	v4 =	vmul.f32 v4, v3  }
0x13a: {  	[tilespmem:s21+$0xFFFFFF20] =	vst v1;
	v1 =	vmul.f32 v2, v3;
	v2 =	vld [tilespmem:s21+$0xFFFFFF90]  }
0x13b: {  	[tilespmem:s21+$0xFFFFFF30] =	vst v4;
	v4 =	vmul.f32 v9, v3;
	v9 =	vld [tilespmem:s21+$0xFFFFFFA0]  }
0x13c: {  	[tilespmem:s21+$0xFFFFFF40] =	vst v1;
	v1 =	vmul.f32 v11, v3;
	v11 =	vld [tilespmem:s21+$0xFFFFFFB0]  }
0x13d: {  	[tilespmem:s21+$0xFFFFFF50] =	vst v4;
	v3 =	vmul.f32 v8, v3;
	v4 =	vld [tilespmem:s21+$0xFFFFFFC0]  }
0x13e: {  	[tilespmem:s21+$0xFFFFFF60] =	vst v1;
	v1 =	vmul.f32 v10, v6;
	v8 =	vld [tilespmem:s21+$0xFFFFFFD0]  }
0x13f: {  	v2 =	vmul.f32 v2, v6;
	[tilespmem:s21+$0xFFFFFF70] =	vst v3;
	v3 =	vld [tilespmem:s21+$0xFFFFFFE0]  }
0x140: {  	[tilespmem:s21+$0xFFFFFF80] =	vst v1;
	v1 =	vmul.f32 v9, v6;
	v9 =	vld [tilespmem:s21+$0xFFFFFFF0]  }
0x141: {  	v10 =	vld [tilespmem:s21+$0x0];
	[tilespmem:s21+$0xFFFFFF90] =	vst v2;
	v2 =	vmul.f32 v11, v6  }
0x142: {  	[tilespmem:s21+$0xFFFFFFA0] =	vst v1;
	v1 =	vmul.f32 v4, v6;
	v4 =	vld [tilespmem:s21+$0x10]  }
0x143: {  	[tilespmem:s21+$0xFFFFFFB0] =	vst v2;
	v2 =	vmul.f32 v8, v6;
	v8 =	vld [tilespmem:s21+$0x20]  }
0x144: {  	[tilespmem:s21+$0xFFFFFFC0] =	vst v1;
	v1 =	vmul.f32 v3, v6;
	v3 =	vld [tilespmem:s21+$0x30]  }
0x145: {  	[tilespmem:s21+$0xFFFFFFD0] =	vst v2;
	v2 =	vmul.f32 v9, v6;
	v6 =	vld [tilespmem:s21+$0x40]  }
0x146: {  	v9 =	vld [tilespmem:s21+$0x50];
	[tilespmem:s21+$0xFFFFFFE0] =	vst v1;
	v1 =	vmul.f32 v10, v7  }
0x147: {  	[tilespmem:s21+$0xFFFFFFF0] =	vst v2;
	v2 =	vmul.f32 v4, v7;
	v4 =	vld [tilespmem:s21+$0x60]  }
0x148: {  	[tilespmem:s21+$0x0] =	vst v1;
	v1 =	vmul.f32 v8, v7;
	v8 =	vld [tilespmem:s21+$0x80]  }
0x149: {  	[tilespmem:s21+$0x10] =	vst v2;
	v2 =	vmul.f32 v3, v7;
	v3 =	vld [tilespmem:s21+$0x90]  }
0x14a: {  	[tilespmem:s21+$0x20] =	vst v1;
	v1 =	vmul.f32 v6, v7;
	v6 =	vld [tilespmem:s21+$0xA0]  }
0x14b: {  	[tilespmem:s21+$0x30] =	vst v2;
	v2 =	vmul.f32 v9, v7;
	v9 =	vld [tilespmem:s21+$0xB0]  }
0x14c: {  	[tilespmem:s21+$0x40] =	vst v1;
	v1 =	vmul.f32 v4, v7;
	v4 =	vld [tilespmem:s21+$0xC0]  }
0x14d: {  	v7 =	vld [tilespmem:s21+$0xD0];
	[tilespmem:s21+$0x50] =	vst v2;
	v2 =	vmul.f32 v8, v5  }
0x14e: {  	[tilespmem:s21+$0x60] =	vst v1;
	v1 =	vmul.f32 v3, v5;
	v3 =	vld [tilespmem:s21+$0xE0]  }
0x14f: {  	[tilespmem:s21+$0x80] =	vst v2;
	v2 =	vmul.f32 v6, v5;
	v6 =	vld [tilespmem:s21+$0xF0]  }
0x150: {  	[tilespmem:s21+$0x90] =	vst v1;
	v1 =	vmul.f32 v9, v5  }
0x151: {  	[tilespmem:s21+$0xA0] =	vst v2;
	v2 =	vmul.f32 v4, v5  }
0x152: {  	[tilespmem:s21+$0xB0] =	vst v1;
	v1 =	vmul.f32 v7, v5  }
0x153: {  	[tilespmem:s21+$0xC0] =	vst v2;
	v2 =	vmul.f32 v3, v5  }
0x154: {  	[tilespmem:s21+$0xD0] =	vst v1;
	v1 =	vmul.f32 v6, v5  }
0x155: {  	[tilespmem:s21+$0xE0] =	vst v2  }
0x156: {  	s15 =	simm.s32 $0x400;
	[tilespmem:s21+$0xF0] =	vst v1;
	s21 =	simm.s32 $0xC00  }
0x157: {  	[spmem:s5] =	stream.indirect.scatter.add.f32 [tilespmem:s21], [sflag:$0x15], $0x80, s15, s14, $0xb8;
	[tilespmem:$0x1F100] =	vst v63  }
0x158: {  	s4 =	simm.s32 @!p1 $0x18  }
0x159: {  	[spmem:s6] =	stream.indirect.scatter.add.f32 [tilespmem:s19], [sflag:$0x19], $0x1, s15, s14, $0xb8;
	[tilespmem:$0x1F100] =	vst v63  }
0x15a: {  	_ =	swait.ge @!p1 [sflag:s4], $0x2800  }
0x15b: {  	[sflag:s4] =	ssyncset.done @!p1 $0x0  }
0x15c: {  	[sflag:s4] =	ssyncadd.s32 @!p1 $0xFFFFD800;
	s4 =	simm.s32 @!p1 $0x1C  }
0x15d: {  	_ =	swait.ge @!p1 [sflag:s4], $0x50  }
0x15e: {  	[sflag:s4] =	ssyncset.done @!p1 $0x0  }
0x15f: {  	s26 =	simm.s32 $0x4;
	[sflag:s4] =	ssyncadd.s32 @!p1 $0xFFFFFFB0  }
0x160: {  	_ =	swait.ge [sflag:s26], $0x80  }
0x161: {  	[sflag:s26] =	ssyncset.done $0x0  }
0x162: {  	s28 =	simm.s32 $0x8;
	[sflag:s26] =	ssyncadd.s32 $0xFFFFFF80  }
0x163: {  	_ =	swait.ge [sflag:s28], $0x80  }
0x164: {  	[sflag:s28] =	ssyncset.done $0x0  }
0x165: {  	s12 =	simm.s32 $0x180;
	p1 =	seq.s32 s13, $0x1F;
	[sflag:s28] =	ssyncadd.s32 $0xFFFFFF80  }
0x166: {  	[tilespmem:s0], [sflag:$0xC] =	stream.indirect.gather [hbm4b:s1+s14], $0x80, s12, s14, $0xb8;
	[tilespmem:$0x1F100] =	vst v63  }
0x167: {  	s21 =	simm.s32 $0x780;
	s4 =	sadd.s32 @!p1 $0x200, s16  }
0x168: {  	[tilespmem:s21], [sflag:$0x10] =	stream.indirect.gather [hbm4b:s8+s14], $0x1, s12, s14, $0xb8;
	[tilespmem:$0x1F100] =	vst v63  }
0x169: {  	s26 =	simm.s32 $0x380;
	s12 =	sand.u32 @!p1 $0x7C00, s4  }
0x16a: {  	s28 =	simm.s32 $0x980;
	s4 =	sand.u32 @!p1 $0x200, s4;
	s12 =	sadd.s32 @!p1 s10, s12  }
0x16b: {  	[tilespmem:s28], [sflag:$0x14] =	stream.indirect.gather [hbm4b:s9+s14], $0x1, s26, s14, $0xb8;
	[tilespmem:$0x1F100] =	vst v63  }
0x16c: {  	s4 =	sor.u32 @!p1 s4, s12  }
0x16d: {  	s4 =	sshrl.u32 @!p1 s4, $0x3  }
0x16e: {  	s21 =	simm.s32 @!p1 $0x0;
	s12 =	sadd.s32 @!p1 s2, s4  }
0x16f: {  	[tilespmem:s21], [sflag:$0x1] =	stream.linear.gather @!p1 [hbm4b:s12+s21], $0x80, $0x38;
	[tilespmem:$0x1F100] =	vst v63  }
0x170: {  	s4 =	sadd.s32 @!p1 s3, s4;
	s12 =	simm.s32 @!p1 $0x200  }
0x171: {  	[tilespmem:s12], [sflag:$0x5] =	stream.linear.gather @!p1 [hbm4b:s4+s21], $0x80, $0x38;
	[tilespmem:$0x1F100] =	vst v63  }
0x172: {  	s21 =	simm.s32 $0xE  }
0x173: {  	_ =	swait.ge [sflag:s21], $0x50  }
0x174: {  	[sflag:s21] =	ssyncset.done $0x0  }
0x175: {  	s26 =	simm.s32 $0x12;
	[sflag:s21] =	ssyncadd.s32 $0xFFFFFFB0  }
0x176: {  	_ =	swait.ge [sflag:s26], $0x50  }
0x177: {  	[sflag:s26] =	ssyncset.done $0x0  }
0x178: {  	s28 =	simm.s32 $0xA;
	[sflag:s26] =	ssyncadd.s32 $0xFFFFFFB0  }
0x179: {  	_ =	swait.ge [sflag:s28], $0x2800  }
0x17a: {  	[sflag:s28] =	ssyncset.done $0x0  }
0x17b: {  	[sflag:s28] =	ssyncadd.s32 $0xFFFFD800  }
0x17c: {  	v1 =	vld [tilespmem:$0x680]  }
0x17d: {  	v2 =	vld [tilespmem:$0x880]  }
0x17e: {  	v3 =	vld [tilespmem:$0x690]  }
0x17f: {  	v4 =	vld [tilespmem:$0x890]  }
0x180: {  	v5 =	vld [tilespmem:$0x6A0]  }
0x181: {  	v6 =	vld [tilespmem:$0x8A0]  }
0x182: {  	v7 =	vld [tilespmem:$0x8B0];
	v1 =	vadd.f32 v2, v1  }
0x183: {  	v2 =	vld [tilespmem:$0x6B0]  }
0x184: {  	v9 =	vld [tilespmem:$0x8C0];
	v3 =	vadd.f32 v4, v3;
	v8 =	vmul.f32 $9.999999770e-03, v1  }
0x185: {  	v4 =	vld [tilespmem:$0x6C0];
	vm0 =	vge.f32 v1, $0.0e+00  }
0x186: {  	v5 =	vadd.f32 v6, v5;
	v1 =	vsel vm0, v1, v8;
	v8 =	vmul.f32 $9.999999770e-03, v3  }
0x187: {  	vm12 =	vge.f32 v3, $0.0e+00;
	v1 =	vmul.f32 $1.442695020e+00, v1  }
0x188: {  	v6 =	vmul.f32 $9.999999770e-03, v5;
	v2 =	vadd.f32 v7, v2;
	v3 =	vsel vm12, v3, v8  }
0x189: {  	vm13 =	vge.f32 v5, $0.0e+00;
	(erf) = vpow2.f32 v1;
	v1 =	vmul.f32 $1.442695020e+00, v3  }
0x18a: {  	v4 =	vadd.f32 v9, v4;
	v3 =	vsel vm13, v5, v6;
	v5 =	vmul.f32 $9.999999770e-03, v2  }
0x18b: {  	vm14 =	vge.f32 v2, $0.0e+00;
	(erf) = vpow2.f32 v1;
	v1 =	vmul.f32 $1.442695020e+00, v3  }
0x18c: {  	v2 =	vsel vm14, v2, v5;
	v3 =	vmul.f32 $9.999999770e-03, v4  }
0x18d: {  	vm15 =	vge.f32 v4, $0.0e+00;
	(erf) = vpow2.f32 v1;
	v1 =	vmul.f32 $1.442695020e+00, v2  }
0x18e: {  	v5 =	vld [tilespmem:$0x280];
	v2 =	vsel vm15, v4, v3  }
0x18f: {  	(erf) = vpow2.f32 v1;
	v1 =	vmul.f32 $1.442695020e+00, v2  }
0x190: {  	v3 =	vld [tilespmem:$0x290];
	_ =	sdelay $0x1  }
0x191: {  	v2 =	vld [tilespmem:$0x2A0];
	(erf) = vpow2.f32 v1  }
0x192: {  	[tilespmem:$0x480] =	vst v5;
	v1 =	vpop (erf)  }
0x193: {  	s12 =	simm.s32 $0x0;
	[tilespmem:$0xA80] =	vst v1;
	v1 =	vld [tilespmem:$0x2B0]  }
0x194: {  	s21 =	simm.s32 $0x2;
	[tilespmem:$0x490] =	vst v3;
	v3 =	vmov s12;
	v4 =	vpop (erf)  }
0x195: {  	v5 =	vmov s21;
	v3 =	vand.u32 $0xFFFFFFFC, v3;
	[tilespmem:$0xA90] =	vst v4;
	v4 =	vld [tilespmem:$0x2C0]  }
0x196: {  	[tilespmem:$0x4A0] =	vst v2;
	v2 =	vbroadcast v3, $0x0;
	v3 =	vand.u32 $0xFFFFFFFE, v5;
	v6 =	vpop (erf)  }
0x197: {  	v3 =	vbroadcast v3, $0x0;
	[tilespmem:$0xAA0] =	vst v6  }
0x198: {  	v5 =	vpop (erf);
	[tilespmem:$0x4B0] =	vst v1  }
0x199: {  	[tilespmem:$0xAB0] =	vst v5  }
0x19a: {  	[tilespmem:$0x4C0] =	vst v4;
	v1 =	vpop (erf)  }
0x19b: {  	[tilespmem:$0xAC0] =	vst v1  }
0x19c: {  	v1 =	vld.idx.msk [tilespmem:v2+s17+$0x0], $0xffff  }
0x19d: {  	s4 =	simm.s32 $0x3500;
	v2 =	vld.idx.msk [tilespmem:v3+s17+$0x0], $0xffff  }
0x19e: {  	v4 =	vld [tilespmem:s4+$0x70]  }
0x19f: {  	v5 =	vld [tilespmem:s4+$0xFFFFFF00]  }
0x1a0: {  	s26 =	simm.s32 $0x1;
	v6 =	vld [tilespmem:s4+$0xFFFFFF10]  }
0x1a1: {  	v3 =	vmov s26;
	v7 =	vld [tilespmem:s4+$0xFFFFFF20]  }
0x1a2: {  	v8 =	vld [tilespmem:s4+$0xFFFFFF30];
	v3 =	vand.u32 $0xFFFFFFFD, v3  }
0x1a3: {  	v9 =	vld [tilespmem:s4+$0xFFFFFF40];
	v3 =	vbroadcast v3, $0x0  }
0x1a4: {  	v10 =	vld [tilespmem:s4+$0xFFFFFF50]  }
0x1a5: {  	v11 =	vld [tilespmem:s4+$0xFFFFFF60];
	v5 =	vmul.f32 v5, v1  }
0x1a6: {  	v13 =	vld [tilespmem:s4+$0x40];
	v4 =	vmul.f32 v4, v2  }
0x1a7: {  	[tilespmem:s4+$0xFFFFFF00] =	vst v5;
	v5 =	vmul.f32 v6, v1;
	v6 =	vld [tilespmem:s4+$0xFFFFFF70]  }
0x1a8: {  	[tilespmem:s4+$0x70] =	vst v4;
	v4 =	vmul.f32 v7, v1;
	v7 =	vld [tilespmem:s4+$0xFFFFFF80]  }
0x1a9: {  	v3 =	vld.idx.msk [tilespmem:v3+s17+$0x0], $0xffff;
	[tilespmem:s4+$0xFFFFFF10] =	vst v5;
	v5 =	vmul.f32 v8, v1  }
0x1aa: {  	v8 =	vld [tilespmem:s4+$0xFFFFFF90];
	[tilespmem:s4+$0xFFFFFF20] =	vst v4;
	v4 =	vmul.f32 v9, v1  }
0x1ab: {  	v9 =	vld [tilespmem:s4+$0xFFFFFFA0];
	[tilespmem:s4+$0xFFFFFF30] =	vst v5;
	v5 =	vmul.f32 v10, v1  }
0x1ac: {  	v10 =	vld [tilespmem:s4+$0xFFFFFFB0];
	[tilespmem:s4+$0xFFFFFF40] =	vst v4;
	v4 =	vmul.f32 v11, v1  }
0x1ad: {  	v11 =	vld [tilespmem:s4+$0xFFFFFFC0];
	v6 =	vmul.f32 v6, v1;
	[tilespmem:s4+$0xFFFFFF50] =	vst v5  }
0x1ae: {  	v5 =	vmul.f32 v7, v3;
	v7 =	vld [tilespmem:s4+$0xFFFFFFD0];
	[tilespmem:s4+$0xFFFFFF60] =	vst v4  }
0x1af: {  	s28 =	simm.s32 $0x3;
	v4 =	vld [tilespmem:s4+$0xFFFFFFE0];
	v8 =	vmul.f32 v8, v3;
	[tilespmem:s4+$0xFFFFFF70] =	vst v6  }
0x1b0: {  	v12 =	vmov s28;
	v6 =	vld [tilespmem:s4+$0xFFFFFFF0];
	[tilespmem:s4+$0xFFFFFF80] =	vst v5;
	v5 =	vmul.f32 v9, v3  }
0x1b1: {  	v9 =	vld [tilespmem:s4+$0x0];
	[tilespmem:s4+$0xFFFFFF90] =	vst v8;
	v8 =	vmul.f32 v10, v3  }
0x1b2: {  	v10 =	vld [tilespmem:s4+$0x10];
	[tilespmem:s4+$0xFFFFFFA0] =	vst v5;
	v5 =	vmul.f32 v11, v3  }
0x1b3: {  	[tilespmem:s4+$0xFFFFFFB0] =	vst v8;
	v7 =	vmul.f32 v7, v3;
	v8 =	vld [tilespmem:s4+$0x20]  }
0x1b4: {  	v11 =	vld [tilespmem:s4+$0x30];
	v4 =	vmul.f32 v4, v3;
	[tilespmem:s4+$0xFFFFFFC0] =	vst v5  }
0x1b5: {  	v1 =	vld.idx.msk [tilespmem:v12+s17+$0x0], $0xffff;
	v3 =	vmul.f32 v6, v3;
	[tilespmem:s4+$0xFFFFFFD0] =	vst v7  }
0x1b6: {  	[tilespmem:s4+$0xFFFFFFE0] =	vst v4;
	v5 =	vmul.f32 v9, v2;
	v4 =	vld [tilespmem:s4+$0x50]  }
0x1b7: {  	s21 =	simm.s32 $0x4;
	[tilespmem:s4+$0xFFFFFFF0] =	vst v3;
	v6 =	vmul.f32 v10, v2;
	v3 =	vld [tilespmem:s4+$0x60]  }
0x1b8: {  	s26 =	simm.s32 $0x7;
	v7 =	vmov s21;
	[tilespmem:s4+$0x0] =	vst v5;
	v9 =	vmul.f32 v8, v2;
	v8 =	vld [tilespmem:s4+$0x80]  }
0x1b9: {  	s15 =	simm.s32 $0x180;
	s28 =	simm.s32 $0x5;
	v12 =	vand.u32 $0xFFFFFFFC, v7;
	v7 =	vld [tilespmem:s4+$0x90];
	v5 =	vmov s26;
	v10 =	vmul.f32 v11, v2;
	[tilespmem:s4+$0x10] =	vst v6  }
0x1ba: {  	s12 =	simm.s32 $0x3500;
	s21 =	simm.s32 $0x8;
	s26 =	simm.s32 $0x6;
	v11 =	vmul.f32 v13, v2;
	v6 =	vbroadcast v12, $0x0;
	v12 =	vmov s28;
	[tilespmem:s4+$0x20] =	vst v9;
	v9 =	vld [tilespmem:s4+$0xA0]  }
.LBB2_7:
0x1bb: {  	p2 =	slt.u32 s21, $0x4C;
	v12 =	vand.u32 $0xFFFFFFFD, v12;
	v13 =	vmov s26;
	[tilespmem:s4+$0x30] =	vst v10;
	v4 =	vmul.f32 v4, v2;
	v10 =	vld [tilespmem:s4+$0xB0]  }
0x1bc: {  	v12 =	vbroadcast v12, $0x0;
	v13 =	vand.u32 $0xFFFFFFFE, v13;
	[tilespmem:s4+$0x40] =	vst v11;
	v2 =	vmul.f32 v3, v2;
	v3 =	vld [tilespmem:s4+$0xC0]  }
0x1bd: {  	v11 =	vbroadcast v13, $0x0;
	[tilespmem:s4+$0x50] =	vst v4;
	v4 =	vmul.f32 v8, v1;
	v8 =	vld [tilespmem:s4+$0xD0]  }
0x1be: {  	[tilespmem:s4+$0x60] =	vst v2;
	v2 =	vmul.f32 v7, v1;
	v7 =	vld [tilespmem:s4+$0xE0]  }
0x1bf: {  	[tilespmem:s4+$0x80] =	vst v4;
	v4 =	vmul.f32 v9, v1;
	v9 =	vld [tilespmem:s4+$0xF0]  }
0x1c0: {  	v5 =	vld.idx.msk [tilespmem:v5+s17+$0x0], $0xffff;
	[tilespmem:s4+$0x90] =	vst v2;
	v2 =	vmul.f32 v10, v1  }
0x1c1: {  	v6 =	vld.idx.msk [tilespmem:v6+s17+$0x0], $0xffff;
	[tilespmem:s4+$0xA0] =	vst v4;
	v3 =	vmul.f32 v3, v1  }
0x1c2: {  	v4 =	vld.idx.msk [tilespmem:v12+s17+$0x0], $0xffff;
	[tilespmem:s4+$0xB0] =	vst v2;
	v8 =	vmul.f32 v8, v1  }
0x1c3: {  	s4 =	sadd.s32 $0x200, s4;
	v2 =	vld.idx.msk [tilespmem:v11+s17+$0x0], $0xffff;
	[tilespmem:s12+$0xC0] =	vst v3;
	v3 =	vmul.f32 v7, v1  }
0x1c4: {  	v7 =	vld [tilespmem:s4+$0x70];
	[tilespmem:s12+$0xD0] =	vst v8;
	v9 =	vmul.f32 v9, v1  }
0x1c5: {  	v8 =	vld [tilespmem:s4+$0xFFFFFF00];
	[tilespmem:s12+$0xE0] =	vst v3  }
0x1c6: {  	v1 =	vmov v5;
	v3 =	vld [tilespmem:s4+$0xFFFFFF10];
	[tilespmem:s12+$0xF0] =	vst v9;
	s12 =	smov.u32 s4  }
0x1c7: {  	v5 =	vld [tilespmem:s4+$0xFFFFFF20]  }
0x1c8: {  	v9 =	vld [tilespmem:s4+$0xFFFFFF30]  }
0x1c9: {  	v10 =	vld [tilespmem:s4+$0xFFFFFF40];
	v7 =	vmul.f32 v7, v2  }
0x1ca: {  	v8 =	vmul.f32 v8, v6;
	v11 =	vld [tilespmem:s4+$0xFFFFFF50]  }
0x1cb: {  	v3 =	vmul.f32 v3, v6;
	v12 =	vld [tilespmem:s4+$0xFFFFFF60];
	[tilespmem:s4+$0x70] =	vst v7  }
0x1cc: {  	[tilespmem:s4+$0xFFFFFF00] =	vst v8;
	v5 =	vmul.f32 v5, v6;
	v7 =	vld [tilespmem:s4+$0xFFFFFF70]  }
0x1cd: {  	[tilespmem:s4+$0xFFFFFF10] =	vst v3;
	v3 =	vmul.f32 v9, v6;
	v8 =	vld [tilespmem:s4+$0xFFFFFF80]  }
0x1ce: {  	[tilespmem:s4+$0xFFFFFF20] =	vst v5;
	v5 =	vmul.f32 v10, v6;
	v9 =	vld [tilespmem:s4+$0xFFFFFF90]  }
0x1cf: {  	[tilespmem:s4+$0xFFFFFF30] =	vst v3;
	v3 =	vmul.f32 v11, v6;
	v10 =	vld [tilespmem:s4+$0xFFFFFFA0]  }
0x1d0: {  	[tilespmem:s4+$0xFFFFFF40] =	vst v5;
	v5 =	vmul.f32 v12, v6;
	v11 =	vld [tilespmem:s4+$0xFFFFFFB0]  }
0x1d1: {  	[tilespmem:s4+$0xFFFFFF50] =	vst v3;
	v3 =	vmul.f32 v7, v6;
	v6 =	vld [tilespmem:s4+$0xFFFFFFC0]  }
0x1d2: {  	[tilespmem:s4+$0xFFFFFF60] =	vst v5;
	v5 =	vmul.f32 v8, v4;
	v7 =	vld [tilespmem:s4+$0xFFFFFFD0]  }
0x1d3: {  	[tilespmem:s4+$0xFFFFFF70] =	vst v3;
	v3 =	vmul.f32 v9, v4;
	v8 =	vld [tilespmem:s4+$0xFFFFFFE0]  }
0x1d4: {  	[tilespmem:s4+$0xFFFFFF80] =	vst v5;
	v5 =	vmul.f32 v10, v4;
	v9 =	vld [tilespmem:s4+$0xFFFFFFF0]  }
0x1d5: {  	[tilespmem:s4+$0xFFFFFF90] =	vst v3;
	v3 =	vmul.f32 v11, v4;
	v10 =	vld [tilespmem:s4+$0x0]  }
0x1d6: {  	[tilespmem:s4+$0xFFFFFFA0] =	vst v5;
	v5 =	vmul.f32 v6, v4;
	v6 =	vld [tilespmem:s4+$0x10]  }
0x1d7: {  	[tilespmem:s4+$0xFFFFFFB0] =	vst v3;
	v3 =	vmul.f32 v7, v4;
	v7 =	vld [tilespmem:s4+$0x20]  }
0x1d8: {  	[tilespmem:s4+$0xFFFFFFC0] =	vst v5;
	v5 =	vmul.f32 v8, v4;
	v11 =	vld [tilespmem:s4+$0x30]  }
0x1d9: {  	[tilespmem:s4+$0xFFFFFFD0] =	vst v3;
	v3 =	vmul.f32 v9, v4;
	v9 =	vld [tilespmem:s4+$0x40]  }
.Ltmp2:
0x1da: {  	[tilespmem:s4+$0xFFFFFFE0] =	vst v5;
	v5 =	vmul.f32 v10, v2;
	v4 =	vld [tilespmem:s4+$0x50];
	(pc) =	sbr.rel @p2 .LBB2_7-.Ltmp2, $4  }
0x1db: {  	[tilespmem:s4+$0xFFFFFFF0] =	vst v3;
	v6 =	vmul.f32 v6, v2;
	v3 =	vld [tilespmem:s4+$0x60]  }
0x1dc: {  	s26 =	sadd.s32 $0x3, s21;
	v10 =	vmov s21;
	[tilespmem:s4+$0x0] =	vst v5;
	v13 =	vmul.f32 v7, v2;
	v8 =	vld [tilespmem:s4+$0x80]  }
0x1dd: {  	s28 =	sadd.s32 $0x1, s21;
	v12 =	vand.u32 $0xFFFFFFFC, v10;
	v5 =	vmov s26;
	[tilespmem:s4+$0x10] =	vst v6;
	v10 =	vmul.f32 v11, v2;
	v7 =	vld [tilespmem:s4+$0x90]  }
0x1de: {  	s26 =	sadd.s32 $0x2, s21;
	s21 =	sadd.s32 $0x4, s21;
	v6 =	vbroadcast v12, $0x0;
	v12 =	vmov s28;
	[tilespmem:s4+$0x20] =	vst v13;
	v11 =	vmul.f32 v9, v2;
	v9 =	vld [tilespmem:s4+$0xA0]  }
0x1df: {  	v13 =	vld [tilespmem:s4+$0xB0]  }
0x1e0: {  	v15 =	vld [tilespmem:s4+$0xC0]  }
0x1e1: {  	v14 =	vmov s26;
	v16 =	vld [tilespmem:s4+$0xD0]  }
0x1e2: {  	v17 =	vld [tilespmem:s4+$0xE0];
	[tilespmem:s4+$0x30] =	vst v10;
	v4 =	vmul.f32 v4, v2;
	v14 =	vand.u32 $0xFFFFFFFE, v14  }
0x1e3: {  	v12 =	vand.u32 $0xFFFFFFFD, v12;
	v5 =	vld.idx.msk [tilespmem:v5+s17+$0x0], $0xffff;
	[tilespmem:s4+$0x40] =	vst v11;
	v2 =	vmul.f32 v3, v2;
	v14 =	vbroadcast v14, $0x0  }
0x1e4: {  	s21 =	sadd.s32 $0x200, s4;
	v12 =	vbroadcast v12, $0x0;
	v3 =	vld.idx.msk [tilespmem:v6+s17+$0x0], $0xffff;
	v8 =	vmul.f32 v8, v1;
	[tilespmem:s4+$0x50] =	vst v4  }
0x1e5: {  	v10 =	vld [tilespmem:s21+$0xFFFFFF00];
	v4 =	vmul.f32 v7, v1;
	[tilespmem:s4+$0x60] =	vst v2  }
0x1e6: {  	[tilespmem:s4+$0x80] =	vst v8;
	v8 =	vld [tilespmem:s4+$0xF0];
	v2 =	vmul.f32 v9, v1  }
0x1e7: {  	v11 =	vld [tilespmem:s21+$0xFFFFFF10];
	[tilespmem:s4+$0x90] =	vst v4;
	v4 =	vmul.f32 v13, v1  }
0x1e8: {  	v9 =	vld [tilespmem:s21+$0x70];
	[tilespmem:s4+$0xA0] =	vst v2;
	v2 =	vmul.f32 v15, v1  }
0x1e9: {  	[tilespmem:s4+$0xB0] =	vst v4;
	v4 =	vmul.f32 v16, v1;
	v7 =	vld.idx.msk [tilespmem:v14+s17+$0x0], $0xffff  }
0x1ea: {  	v6 =	vld.idx.msk [tilespmem:v12+s17+$0x0], $0xffff;
	[tilespmem:s12+$0xC0] =	vst v2;
	v2 =	vmul.f32 v17, v1  }
0x1eb: {  	v12 =	vld [tilespmem:s21+$0xFFFFFF20];
	[tilespmem:s12+$0xD0] =	vst v4;
	v1 =	vmul.f32 v8, v1  }
0x1ec: {  	v4 =	vld [tilespmem:s21+$0xFFFFFF30];
	[tilespmem:s12+$0xE0] =	vst v2  }
0x1ed: {  	v2 =	vld [tilespmem:s21+$0xFFFFFF40];
	[tilespmem:s12+$0xF0] =	vst v1;
	v1 =	vmul.f32 v10, v3  }
0x1ee: {  	v8 =	vmul.f32 v9, v7;
	v9 =	vld [tilespmem:s21+$0xFFFFFF50]  }
0x1ef: {  	v10 =	vmul.f32 v11, v3;
	v11 =	vld [tilespmem:s21+$0xFFFFFF60];
	[tilespmem:s21+$0xFFFFFF00] =	vst v1  }
0x1f0: {  	v1 =	vmul.f32 v12, v3;
	[tilespmem:s21+$0x70] =	vst v8;
	v8 =	vld [tilespmem:s21+$0xFFFFFF70]  }
0x1f1: {  	[tilespmem:s21+$0xFFFFFF10] =	vst v10;
	v10 =	vld [tilespmem:s21+$0xFFFFFF80];
	v4 =	vmul.f32 v4, v3  }
0x1f2: {  	[tilespmem:s21+$0xFFFFFF20] =	vst v1;
	v1 =	vmul.f32 v2, v3;
	v2 =	vld [tilespmem:s21+$0xFFFFFF90]  }
0x1f3: {  	[tilespmem:s21+$0xFFFFFF30] =	vst v4;
	v4 =	vmul.f32 v9, v3;
	v9 =	vld [tilespmem:s21+$0xFFFFFFA0]  }
0x1f4: {  	[tilespmem:s21+$0xFFFFFF40] =	vst v1;
	v1 =	vmul.f32 v11, v3;
	v11 =	vld [tilespmem:s21+$0xFFFFFFB0]  }
0x1f5: {  	[tilespmem:s21+$0xFFFFFF50] =	vst v4;
	v3 =	vmul.f32 v8, v3;
	v4 =	vld [tilespmem:s21+$0xFFFFFFC0]  }
0x1f6: {  	[tilespmem:s21+$0xFFFFFF60] =	vst v1;
	v1 =	vmul.f32 v10, v6;
	v8 =	vld [tilespmem:s21+$0xFFFFFFD0]  }
0x1f7: {  	v2 =	vmul.f32 v2, v6;
	[tilespmem:s21+$0xFFFFFF70] =	vst v3;
	v3 =	vld [tilespmem:s21+$0xFFFFFFE0]  }
0x1f8: {  	[tilespmem:s21+$0xFFFFFF80] =	vst v1;
	v1 =	vmul.f32 v9, v6;
	v9 =	vld [tilespmem:s21+$0xFFFFFFF0]  }
0x1f9: {  	v10 =	vld [tilespmem:s21+$0x0];
	[tilespmem:s21+$0xFFFFFF90] =	vst v2;
	v2 =	vmul.f32 v11, v6  }
0x1fa: {  	[tilespmem:s21+$0xFFFFFFA0] =	vst v1;
	v1 =	vmul.f32 v4, v6;
	v4 =	vld [tilespmem:s21+$0x10]  }
0x1fb: {  	[tilespmem:s21+$0xFFFFFFB0] =	vst v2;
	v2 =	vmul.f32 v8, v6;
	v8 =	vld [tilespmem:s21+$0x20]  }
0x1fc: {  	[tilespmem:s21+$0xFFFFFFC0] =	vst v1;
	v1 =	vmul.f32 v3, v6;
	v3 =	vld [tilespmem:s21+$0x30]  }
0x1fd: {  	[tilespmem:s21+$0xFFFFFFD0] =	vst v2;
	v2 =	vmul.f32 v9, v6;
	v6 =	vld [tilespmem:s21+$0x40]  }
0x1fe: {  	v9 =	vld [tilespmem:s21+$0x50];
	[tilespmem:s21+$0xFFFFFFE0] =	vst v1;
	v1 =	vmul.f32 v10, v7  }
0x1ff: {  	[tilespmem:s21+$0xFFFFFFF0] =	vst v2;
	v2 =	vmul.f32 v4, v7;
	v4 =	vld [tilespmem:s21+$0x60]  }
0x200: {  	[tilespmem:s21+$0x0] =	vst v1;
	v1 =	vmul.f32 v8, v7;
	v8 =	vld [tilespmem:s21+$0x80]  }
0x201: {  	[tilespmem:s21+$0x10] =	vst v2;
	v2 =	vmul.f32 v3, v7;
	v3 =	vld [tilespmem:s21+$0x90]  }
0x202: {  	[tilespmem:s21+$0x20] =	vst v1;
	v1 =	vmul.f32 v6, v7;
	v6 =	vld [tilespmem:s21+$0xA0]  }
0x203: {  	[tilespmem:s21+$0x30] =	vst v2;
	v2 =	vmul.f32 v9, v7;
	v9 =	vld [tilespmem:s21+$0xB0]  }
0x204: {  	[tilespmem:s21+$0x40] =	vst v1;
	v1 =	vmul.f32 v4, v7;
	v4 =	vld [tilespmem:s21+$0xC0]  }
0x205: {  	v7 =	vld [tilespmem:s21+$0xD0];
	[tilespmem:s21+$0x50] =	vst v2;
	v2 =	vmul.f32 v8, v5  }
0x206: {  	[tilespmem:s21+$0x60] =	vst v1;
	v1 =	vmul.f32 v3, v5;
	v3 =	vld [tilespmem:s21+$0xE0]  }
0x207: {  	[tilespmem:s21+$0x80] =	vst v2;
	v2 =	vmul.f32 v6, v5;
	v6 =	vld [tilespmem:s21+$0xF0]  }
0x208: {  	[tilespmem:s21+$0x90] =	vst v1;
	v1 =	vmul.f32 v9, v5  }
0x209: {  	[tilespmem:s21+$0xA0] =	vst v2;
	v2 =	vmul.f32 v4, v5  }
0x20a: {  	[tilespmem:s21+$0xB0] =	vst v1;
	v1 =	vmul.f32 v7, v5  }
0x20b: {  	[tilespmem:s21+$0xC0] =	vst v2;
	v2 =	vmul.f32 v3, v5  }
0x20c: {  	[tilespmem:s21+$0xD0] =	vst v1;
	v1 =	vmul.f32 v6, v5  }
0x20d: {  	[tilespmem:s21+$0xE0] =	vst v2  }
0x20e: {  	s12 =	simm.s32 $0x3400;
	[tilespmem:s21+$0xF0] =	vst v1;
	s21 =	simm.s32 $0x480  }
0x20f: {  	[spmem:s5] =	stream.indirect.scatter.add.f32 [tilespmem:s12], [sflag:$0x16], $0x80, s21, s14, $0xb8;
	[tilespmem:$0x1F100] =	vst v63  }
0x210: {  	s26 =	simm.s32 $0x15  }
0x211: {  	[spmem:s6] =	stream.indirect.scatter.add.f32 [tilespmem:s17], [sflag:$0x1A], $0x1, s21, s14, $0xb8;
	[tilespmem:$0x1F100] =	vst v63  }
0x212: {  	_ =	swait.ge [sflag:s26], $0x2800  }
0x213: {  	[sflag:s26] =	ssyncset.done $0x0  }
0x214: {  	s28 =	simm.s32 $0x19;
	[sflag:s26] =	ssyncadd.s32 $0xFFFFD800  }
0x215: {  	_ =	swait.ge [sflag:s28], $0x50  }
0x216: {  	[sflag:s28] =	ssyncset.done $0x0  }
0x217: {  	s4 =	simm.s32 @!p1 $0x1;
	[sflag:s28] =	ssyncadd.s32 $0xFFFFFFB0  }
0x218: {  	_ =	swait.ge @!p1 [sflag:s4], $0x80  }
0x219: {  	[sflag:s4] =	ssyncset.done @!p1 $0x0  }
0x21a: {  	[sflag:s4] =	ssyncadd.s32 @!p1 $0xFFFFFF80;
	s4 =	simm.s32 @!p1 $0x5  }
0x21b: {  	_ =	swait.ge @!p1 [sflag:s4], $0x80  }
0x21c: {  	s12 =	simm.s32 @!p1 $0x0;
	[sflag:s4] =	ssyncset.done @!p1 $0x0  }
0x21d: {  	s21 =	simm.s32 @!p1 $0xC00;
	[sflag:s4] =	ssyncadd.s32 @!p1 $0xFFFFFF80;
	s4 =	simm.s32 @!p1 $0x50  }
0x21e: {  	[tilespmem:s21], [sflag:$0x9] =	stream.indirect.gather @!p1 [hbm4b:s1+s4], $0x80, s12, s4, $0xb8;
	[tilespmem:$0x1F100] =	vst v63  }
0x21f: {  	s21 =	simm.s32 @!p1 $0x600  }
0x220: {  	[tilespmem:s21], [sflag:$0xD] =	stream.indirect.gather @!p1 [hbm4b:s8+s4], $0x1, s12, s4, $0xb8;
	[tilespmem:$0x1F100] =	vst v63  }
0x221: {  	s26 =	simm.s32 @!p1 $0x800;
	s21 =	simm.s32 @!p1 $0x200  }
0x222: {  	[tilespmem:s26], [sflag:$0x11] =	stream.indirect.gather @!p1 [hbm4b:s9+s4], $0x1, s21, s4, $0xb8;
	[tilespmem:$0x1F100] =	vst v63  }
0x223: {  	s4 =	sadd.s32 @!p1 $0x280, s16  }
0x224: {  	s21 =	sand.u32 @!p1 $0x7C00, s4  }
0x225: {  	s4 =	sand.u32 @!p1 $0x280, s4;
	s21 =	sadd.s32 @!p1 s10, s21  }
0x226: {  	s4 =	sor.u32 @!p1 s4, s21  }
0x227: {  	s4 =	sshrl.u32 @!p1 s4, $0x3  }
0x228: {  	s26 =	simm.s32 @!p1 $0x80;
	s21 =	sadd.s32 @!p1 s2, s4  }
0x229: {  	[tilespmem:s26], [sflag:$0x2] =	stream.linear.gather @!p1 [hbm4b:s21+s12], $0x80, $0x38;
	[tilespmem:$0x1F100] =	vst v63  }
0x22a: {  	s4 =	sadd.s32 @!p1 s3, s4;
	s21 =	simm.s32 @!p1 $0x280  }
0x22b: {  	[tilespmem:s21], [sflag:$0x6] =	stream.linear.gather @!p1 [hbm4b:s4+s12], $0x80, $0x38;
	[tilespmem:$0x1F100] =	vst v63  }
0x22c: {  	_ =	swait.ge [sflag:s20], $0x50  }
0x22d: {  	[sflag:s20] =	ssyncset.done $0x0  }
0x22e: {  	[sflag:s20] =	ssyncadd.s32 $0xFFFFFFB0  }
0x22f: {  	_ =	swait.ge [sflag:s25], $0x50  }
0x230: {  	[sflag:s25] =	ssyncset.done $0x0  }
0x231: {  	[sflag:s25] =	ssyncadd.s32 $0xFFFFFFB0  }
0x232: {  	_ =	swait.ge [sflag:s30], $0x2800  }
0x233: {  	[sflag:s30] =	ssyncset.done $0x0  }
0x234: {  	[sflag:s30] =	ssyncadd.s32 $0xFFFFD800  }
0x235: {  	v1 =	vld [tilespmem:$0x700]  }
0x236: {  	v2 =	vld [tilespmem:$0x900]  }
0x237: {  	v3 =	vld [tilespmem:$0x710]  }
0x238: {  	v4 =	vld [tilespmem:$0x910]  }
0x239: {  	v5 =	vld [tilespmem:$0x720]  }
0x23a: {  	v6 =	vld [tilespmem:$0x920]  }
0x23b: {  	v7 =	vld [tilespmem:$0x930];
	v1 =	vadd.f32 v2, v1  }
0x23c: {  	v2 =	vld [tilespmem:$0x730]  }
0x23d: {  	v9 =	vld [tilespmem:$0x940];
	v3 =	vadd.f32 v4, v3;
	v8 =	vmul.f32 $9.999999770e-03, v1  }
0x23e: {  	v4 =	vld [tilespmem:$0x740];
	vm0 =	vge.f32 v1, $0.0e+00  }
0x23f: {  	v5 =	vadd.f32 v6, v5;
	v1 =	vsel vm0, v1, v8;
	v8 =	vmul.f32 $9.999999770e-03, v3  }
0x240: {  	vm12 =	vge.f32 v3, $0.0e+00;
	v1 =	vmul.f32 $1.442695020e+00, v1  }
0x241: {  	v6 =	vmul.f32 $9.999999770e-03, v5;
	v2 =	vadd.f32 v7, v2;
	v3 =	vsel vm12, v3, v8  }
0x242: {  	vm13 =	vge.f32 v5, $0.0e+00;
	(erf) = vpow2.f32 v1;
	v1 =	vmul.f32 $1.442695020e+00, v3  }
0x243: {  	v4 =	vadd.f32 v9, v4;
	v3 =	vsel vm13, v5, v6;
	v5 =	vmul.f32 $9.999999770e-03, v2  }
0x244: {  	vm14 =	vge.f32 v2, $0.0e+00;
	(erf) = vpow2.f32 v1;
	v1 =	vmul.f32 $1.442695020e+00, v3  }
0x245: {  	v2 =	vsel vm14, v2, v5;
	v3 =	vmul.f32 $9.999999770e-03, v4  }
0x246: {  	vm15 =	vge.f32 v4, $0.0e+00;
	(erf) = vpow2.f32 v1;
	v1 =	vmul.f32 $1.442695020e+00, v2  }
0x247: {  	v5 =	vld [tilespmem:$0x300];
	v2 =	vsel vm15, v4, v3  }
0x248: {  	(erf) = vpow2.f32 v1;
	v1 =	vmul.f32 $1.442695020e+00, v2  }
0x249: {  	v3 =	vld [tilespmem:$0x310];
	_ =	sdelay $0x1  }
0x24a: {  	v2 =	vld [tilespmem:$0x320];
	(erf) = vpow2.f32 v1  }
0x24b: {  	[tilespmem:$0x500] =	vst v5;
	v1 =	vpop (erf)  }
0x24c: {  	s12 =	simm.s32 $0x0;
	[tilespmem:$0xB00] =	vst v1;
	v1 =	vld [tilespmem:$0x330]  }
0x24d: {  	s21 =	simm.s32 $0x2;
	[tilespmem:$0x510] =	vst v3;
	v3 =	vmov s12;
	v4 =	vpop (erf)  }
0x24e: {  	v5 =	vmov s21;
	v3 =	vand.u32 $0xFFFFFFFC, v3;
	[tilespmem:$0xB10] =	vst v4;
	v4 =	vld [tilespmem:$0x340]  }
0x24f: {  	[tilespmem:$0x520] =	vst v2;
	v2 =	vbroadcast v3, $0x0;
	v3 =	vand.u32 $0xFFFFFFFE, v5;
	v6 =	vpop (erf)  }
0x250: {  	v3 =	vbroadcast v3, $0x0;
	[tilespmem:$0xB20] =	vst v6  }
0x251: {  	v5 =	vpop (erf);
	[tilespmem:$0x530] =	vst v1  }
0x252: {  	[tilespmem:$0xB30] =	vst v5  }
0x253: {  	[tilespmem:$0x540] =	vst v4;
	v1 =	vpop (erf)  }
0x254: {  	[tilespmem:$0xB40] =	vst v1  }
0x255: {  	v1 =	vld.idx.msk [tilespmem:v2+s18+$0x0], $0xffff  }
0x256: {  	s4 =	simm.s32 $0x5D00;
	v2 =	vld.idx.msk [tilespmem:v3+s18+$0x0], $0xffff  }
0x257: {  	v4 =	vld [tilespmem:s4+$0x70]  }
0x258: {  	v5 =	vld [tilespmem:s4+$0xFFFFFF00]  }
0x259: {  	s26 =	simm.s32 $0x1;
	v6 =	vld [tilespmem:s4+$0xFFFFFF10]  }
0x25a: {  	v3 =	vmov s26;
	v7 =	vld [tilespmem:s4+$0xFFFFFF20]  }
0x25b: {  	v8 =	vld [tilespmem:s4+$0xFFFFFF30];
	v3 =	vand.u32 $0xFFFFFFFD, v3  }
0x25c: {  	v9 =	vld [tilespmem:s4+$0xFFFFFF40];
	v3 =	vbroadcast v3, $0x0  }
0x25d: {  	v10 =	vld [tilespmem:s4+$0xFFFFFF50]  }
0x25e: {  	v11 =	vld [tilespmem:s4+$0xFFFFFF60];
	v5 =	vmul.f32 v5, v1  }
0x25f: {  	v13 =	vld [tilespmem:s4+$0x40];
	v4 =	vmul.f32 v4, v2  }
0x260: {  	[tilespmem:s4+$0xFFFFFF00] =	vst v5;
	v5 =	vmul.f32 v6, v1;
	v6 =	vld [tilespmem:s4+$0xFFFFFF70]  }
0x261: {  	[tilespmem:s4+$0x70] =	vst v4;
	v4 =	vmul.f32 v7, v1;
	v7 =	vld [tilespmem:s4+$0xFFFFFF80]  }
0x262: {  	v3 =	vld.idx.msk [tilespmem:v3+s18+$0x0], $0xffff;
	[tilespmem:s4+$0xFFFFFF10] =	vst v5;
	v5 =	vmul.f32 v8, v1  }
0x263: {  	v8 =	vld [tilespmem:s4+$0xFFFFFF90];
	[tilespmem:s4+$0xFFFFFF20] =	vst v4;
	v4 =	vmul.f32 v9, v1  }
0x264: {  	v9 =	vld [tilespmem:s4+$0xFFFFFFA0];
	[tilespmem:s4+$0xFFFFFF30] =	vst v5;
	v5 =	vmul.f32 v10, v1  }
0x265: {  	v10 =	vld [tilespmem:s4+$0xFFFFFFB0];
	[tilespmem:s4+$0xFFFFFF40] =	vst v4;
	v4 =	vmul.f32 v11, v1  }
0x266: {  	v11 =	vld [tilespmem:s4+$0xFFFFFFC0];
	v6 =	vmul.f32 v6, v1;
	[tilespmem:s4+$0xFFFFFF50] =	vst v5  }
0x267: {  	v5 =	vmul.f32 v7, v3;
	v7 =	vld [tilespmem:s4+$0xFFFFFFD0];
	[tilespmem:s4+$0xFFFFFF60] =	vst v4  }
0x268: {  	s28 =	simm.s32 $0x3;
	v4 =	vld [tilespmem:s4+$0xFFFFFFE0];
	v8 =	vmul.f32 v8, v3;
	[tilespmem:s4+$0xFFFFFF70] =	vst v6  }
0x269: {  	v12 =	vmov s28;
	v6 =	vld [tilespmem:s4+$0xFFFFFFF0];
	[tilespmem:s4+$0xFFFFFF80] =	vst v5;
	v5 =	vmul.f32 v9, v3  }
0x26a: {  	v9 =	vld [tilespmem:s4+$0x0];
	[tilespmem:s4+$0xFFFFFF90] =	vst v8;
	v8 =	vmul.f32 v10, v3  }
0x26b: {  	v10 =	vld [tilespmem:s4+$0x10];
	[tilespmem:s4+$0xFFFFFFA0] =	vst v5;
	v5 =	vmul.f32 v11, v3  }
0x26c: {  	[tilespmem:s4+$0xFFFFFFB0] =	vst v8;
	v7 =	vmul.f32 v7, v3;
	v8 =	vld [tilespmem:s4+$0x20]  }
0x26d: {  	v11 =	vld [tilespmem:s4+$0x30];
	v4 =	vmul.f32 v4, v3;
	[tilespmem:s4+$0xFFFFFFC0] =	vst v5  }
0x26e: {  	v1 =	vld.idx.msk [tilespmem:v12+s18+$0x0], $0xffff;
	v3 =	vmul.f32 v6, v3;
	[tilespmem:s4+$0xFFFFFFD0] =	vst v7  }
0x26f: {  	[tilespmem:s4+$0xFFFFFFE0] =	vst v4;
	v5 =	vmul.f32 v9, v2;
	v4 =	vld [tilespmem:s4+$0x50]  }
0x270: {  	s21 =	simm.s32 $0x4;
	[tilespmem:s4+$0xFFFFFFF0] =	vst v3;
	v6 =	vmul.f32 v10, v2;
	v3 =	vld [tilespmem:s4+$0x60]  }
0x271: {  	s26 =	simm.s32 $0x7;
	v7 =	vmov s21;
	[tilespmem:s4+$0x0] =	vst v5;
	v9 =	vmul.f32 v8, v2;
	v8 =	vld [tilespmem:s4+$0x80]  }
0x272: {  	s28 =	simm.s32 $0x5;
	v12 =	vand.u32 $0xFFFFFFFC, v7;
	v7 =	vld [tilespmem:s4+$0x90];
	v5 =	vmov s26;
	v10 =	vmul.f32 v11, v2;
	[tilespmem:s4+$0x10] =	vst v6  }
0x273: {  	s12 =	simm.s32 $0x5D00;
	s21 =	simm.s32 $0x8;
	s26 =	simm.s32 $0x6;
	v11 =	vmul.f32 v13, v2;
	v6 =	vbroadcast v12, $0x0;
	v12 =	vmov s28;
	[tilespmem:s4+$0x20] =	vst v9;
	v9 =	vld [tilespmem:s4+$0xA0]  }
.LBB2_9:
0x274: {  	p2 =	slt.u32 s21, $0x4C;
	v12 =	vand.u32 $0xFFFFFFFD, v12;
	v13 =	vmov s26;
	[tilespmem:s4+$0x30] =	vst v10;
	v4 =	vmul.f32 v4, v2;
	v10 =	vld [tilespmem:s4+$0xB0]  }
0x275: {  	v12 =	vbroadcast v12, $0x0;
	v13 =	vand.u32 $0xFFFFFFFE, v13;
	[tilespmem:s4+$0x40] =	vst v11;
	v2 =	vmul.f32 v3, v2;
	v3 =	vld [tilespmem:s4+$0xC0]  }
0x276: {  	v11 =	vbroadcast v13, $0x0;
	[tilespmem:s4+$0x50] =	vst v4;
	v4 =	vmul.f32 v8, v1;
	v8 =	vld [tilespmem:s4+$0xD0]  }
0x277: {  	[tilespmem:s4+$0x60] =	vst v2;
	v2 =	vmul.f32 v7, v1;
	v7 =	vld [tilespmem:s4+$0xE0]  }
0x278: {  	[tilespmem:s4+$0x80] =	vst v4;
	v4 =	vmul.f32 v9, v1;
	v9 =	vld [tilespmem:s4+$0xF0]  }
0x279: {  	v5 =	vld.idx.msk [tilespmem:v5+s18+$0x0], $0xffff;
	[tilespmem:s4+$0x90] =	vst v2;
	v2 =	vmul.f32 v10, v1  }
0x27a: {  	v6 =	vld.idx.msk [tilespmem:v6+s18+$0x0], $0xffff;
	[tilespmem:s4+$0xA0] =	vst v4;
	v3 =	vmul.f32 v3, v1  }
0x27b: {  	v4 =	vld.idx.msk [tilespmem:v12+s18+$0x0], $0xffff;
	[tilespmem:s4+$0xB0] =	vst v2;
	v8 =	vmul.f32 v8, v1  }
0x27c: {  	s4 =	sadd.s32 $0x200, s4;
	v2 =	vld.idx.msk [tilespmem:v11+s18+$0x0], $0xffff;
	[tilespmem:s12+$0xC0] =	vst v3;
	v3 =	vmul.f32 v7, v1  }
0x27d: {  	v7 =	vld [tilespmem:s4+$0x70];
	[tilespmem:s12+$0xD0] =	vst v8;
	v9 =	vmul.f32 v9, v1  }
0x27e: {  	v8 =	vld [tilespmem:s4+$0xFFFFFF00];
	[tilespmem:s12+$0xE0] =	vst v3  }
0x27f: {  	v1 =	vmov v5;
	v3 =	vld [tilespmem:s4+$0xFFFFFF10];
	[tilespmem:s12+$0xF0] =	vst v9;
	s12 =	smov.u32 s4  }
0x280: {  	v5 =	vld [tilespmem:s4+$0xFFFFFF20]  }
0x281: {  	v9 =	vld [tilespmem:s4+$0xFFFFFF30]  }
0x282: {  	v10 =	vld [tilespmem:s4+$0xFFFFFF40];
	v7 =	vmul.f32 v7, v2  }
0x283: {  	v8 =	vmul.f32 v8, v6;
	v11 =	vld [tilespmem:s4+$0xFFFFFF50]  }
0x284: {  	v3 =	vmul.f32 v3, v6;
	v12 =	vld [tilespmem:s4+$0xFFFFFF60];
	[tilespmem:s4+$0x70] =	vst v7  }
0x285: {  	[tilespmem:s4+$0xFFFFFF00] =	vst v8;
	v5 =	vmul.f32 v5, v6;
	v7 =	vld [tilespmem:s4+$0xFFFFFF70]  }
0x286: {  	[tilespmem:s4+$0xFFFFFF10] =	vst v3;
	v3 =	vmul.f32 v9, v6;
	v8 =	vld [tilespmem:s4+$0xFFFFFF80]  }
0x287: {  	[tilespmem:s4+$0xFFFFFF20] =	vst v5;
	v5 =	vmul.f32 v10, v6;
	v9 =	vld [tilespmem:s4+$0xFFFFFF90]  }
0x288: {  	[tilespmem:s4+$0xFFFFFF30] =	vst v3;
	v3 =	vmul.f32 v11, v6;
	v10 =	vld [tilespmem:s4+$0xFFFFFFA0]  }
0x289: {  	[tilespmem:s4+$0xFFFFFF40] =	vst v5;
	v5 =	vmul.f32 v12, v6;
	v11 =	vld [tilespmem:s4+$0xFFFFFFB0]  }
0x28a: {  	[tilespmem:s4+$0xFFFFFF50] =	vst v3;
	v3 =	vmul.f32 v7, v6;
	v6 =	vld [tilespmem:s4+$0xFFFFFFC0]  }
0x28b: {  	[tilespmem:s4+$0xFFFFFF60] =	vst v5;
	v5 =	vmul.f32 v8, v4;
	v7 =	vld [tilespmem:s4+$0xFFFFFFD0]  }
0x28c: {  	[tilespmem:s4+$0xFFFFFF70] =	vst v3;
	v3 =	vmul.f32 v9, v4;
	v8 =	vld [tilespmem:s4+$0xFFFFFFE0]  }
0x28d: {  	[tilespmem:s4+$0xFFFFFF80] =	vst v5;
	v5 =	vmul.f32 v10, v4;
	v9 =	vld [tilespmem:s4+$0xFFFFFFF0]  }
0x28e: {  	[tilespmem:s4+$0xFFFFFF90] =	vst v3;
	v3 =	vmul.f32 v11, v4;
	v10 =	vld [tilespmem:s4+$0x0]  }
0x28f: {  	[tilespmem:s4+$0xFFFFFFA0] =	vst v5;
	v5 =	vmul.f32 v6, v4;
	v6 =	vld [tilespmem:s4+$0x10]  }
0x290: {  	[tilespmem:s4+$0xFFFFFFB0] =	vst v3;
	v3 =	vmul.f32 v7, v4;
	v7 =	vld [tilespmem:s4+$0x20]  }
0x291: {  	[tilespmem:s4+$0xFFFFFFC0] =	vst v5;
	v5 =	vmul.f32 v8, v4;
	v11 =	vld [tilespmem:s4+$0x30]  }
0x292: {  	[tilespmem:s4+$0xFFFFFFD0] =	vst v3;
	v3 =	vmul.f32 v9, v4;
	v9 =	vld [tilespmem:s4+$0x40]  }
.Ltmp3:
0x293: {  	[tilespmem:s4+$0xFFFFFFE0] =	vst v5;
	v5 =	vmul.f32 v10, v2;
	v4 =	vld [tilespmem:s4+$0x50];
	(pc) =	sbr.rel @p2 .LBB2_9-.Ltmp3, $4  }
0x294: {  	[tilespmem:s4+$0xFFFFFFF0] =	vst v3;
	v6 =	vmul.f32 v6, v2;
	v3 =	vld [tilespmem:s4+$0x60]  }
0x295: {  	s26 =	sadd.s32 $0x3, s21;
	v10 =	vmov s21;
	[tilespmem:s4+$0x0] =	vst v5;
	v13 =	vmul.f32 v7, v2;
	v8 =	vld [tilespmem:s4+$0x80]  }
0x296: {  	s28 =	sadd.s32 $0x1, s21;
	v12 =	vand.u32 $0xFFFFFFFC, v10;
	v5 =	vmov s26;
	[tilespmem:s4+$0x10] =	vst v6;
	v10 =	vmul.f32 v11, v2;
	v7 =	vld [tilespmem:s4+$0x90]  }
0x297: {  	s26 =	sadd.s32 $0x2, s21;
	s21 =	sadd.s32 $0x4, s21;
	v6 =	vbroadcast v12, $0x0;
	v12 =	vmov s28;
	[tilespmem:s4+$0x20] =	vst v13;
	v11 =	vmul.f32 v9, v2;
	v9 =	vld [tilespmem:s4+$0xA0]  }
0x298: {  	v13 =	vld [tilespmem:s4+$0xB0]  }
0x299: {  	v15 =	vld [tilespmem:s4+$0xC0]  }
0x29a: {  	v14 =	vmov s26;
	v16 =	vld [tilespmem:s4+$0xD0]  }
0x29b: {  	v17 =	vld [tilespmem:s4+$0xE0];
	[tilespmem:s4+$0x30] =	vst v10;
	v4 =	vmul.f32 v4, v2;
	v14 =	vand.u32 $0xFFFFFFFE, v14  }
0x29c: {  	v12 =	vand.u32 $0xFFFFFFFD, v12;
	v5 =	vld.idx.msk [tilespmem:v5+s18+$0x0], $0xffff;
	[tilespmem:s4+$0x40] =	vst v11;
	v2 =	vmul.f32 v3, v2;
	v14 =	vbroadcast v14, $0x0  }
0x29d: {  	s21 =	sadd.s32 $0x200, s4;
	v12 =	vbroadcast v12, $0x0;
	v3 =	vld.idx.msk [tilespmem:v6+s18+$0x0], $0xffff;
	v8 =	vmul.f32 v8, v1;
	[tilespmem:s4+$0x50] =	vst v4  }
0x29e: {  	v10 =	vld [tilespmem:s21+$0xFFFFFF00];
	v4 =	vmul.f32 v7, v1;
	[tilespmem:s4+$0x60] =	vst v2  }
0x29f: {  	[tilespmem:s4+$0x80] =	vst v8;
	v8 =	vld [tilespmem:s4+$0xF0];
	v2 =	vmul.f32 v9, v1  }
0x2a0: {  	v11 =	vld [tilespmem:s21+$0xFFFFFF10];
	[tilespmem:s4+$0x90] =	vst v4;
	v4 =	vmul.f32 v13, v1  }
0x2a1: {  	v9 =	vld [tilespmem:s21+$0x70];
	[tilespmem:s4+$0xA0] =	vst v2;
	v2 =	vmul.f32 v15, v1  }
0x2a2: {  	[tilespmem:s4+$0xB0] =	vst v4;
	v4 =	vmul.f32 v16, v1;
	v7 =	vld.idx.msk [tilespmem:v14+s18+$0x0], $0xffff  }
0x2a3: {  	v6 =	vld.idx.msk [tilespmem:v12+s18+$0x0], $0xffff;
	[tilespmem:s12+$0xC0] =	vst v2;
	v2 =	vmul.f32 v17, v1  }
0x2a4: {  	v12 =	vld [tilespmem:s21+$0xFFFFFF20];
	[tilespmem:s12+$0xD0] =	vst v4;
	v1 =	vmul.f32 v8, v1  }
0x2a5: {  	v4 =	vld [tilespmem:s21+$0xFFFFFF30];
	[tilespmem:s12+$0xE0] =	vst v2  }
0x2a6: {  	v2 =	vld [tilespmem:s21+$0xFFFFFF40];
	[tilespmem:s12+$0xF0] =	vst v1;
	v1 =	vmul.f32 v10, v3  }
0x2a7: {  	v8 =	vmul.f32 v9, v7;
	v9 =	vld [tilespmem:s21+$0xFFFFFF50]  }
0x2a8: {  	v10 =	vmul.f32 v11, v3;
	v11 =	vld [tilespmem:s21+$0xFFFFFF60];
	[tilespmem:s21+$0xFFFFFF00] =	vst v1  }
0x2a9: {  	v1 =	vmul.f32 v12, v3;
	[tilespmem:s21+$0x70] =	vst v8;
	v8 =	vld [tilespmem:s21+$0xFFFFFF70]  }
0x2aa: {  	[tilespmem:s21+$0xFFFFFF10] =	vst v10;
	v10 =	vld [tilespmem:s21+$0xFFFFFF80];
	v4 =	vmul.f32 v4, v3  }
0x2ab: {  	[tilespmem:s21+$0xFFFFFF20] =	vst v1;
	v1 =	vmul.f32 v2, v3;
	v2 =	vld [tilespmem:s21+$0xFFFFFF90]  }
0x2ac: {  	[tilespmem:s21+$0xFFFFFF30] =	vst v4;
	v4 =	vmul.f32 v9, v3;
	v9 =	vld [tilespmem:s21+$0xFFFFFFA0]  }
0x2ad: {  	[tilespmem:s21+$0xFFFFFF40] =	vst v1;
	v1 =	vmul.f32 v11, v3;
	v11 =	vld [tilespmem:s21+$0xFFFFFFB0]  }
0x2ae: {  	[tilespmem:s21+$0xFFFFFF50] =	vst v4;
	v3 =	vmul.f32 v8, v3;
	v4 =	vld [tilespmem:s21+$0xFFFFFFC0]  }
0x2af: {  	[tilespmem:s21+$0xFFFFFF60] =	vst v1;
	v1 =	vmul.f32 v10, v6;
	v8 =	vld [tilespmem:s21+$0xFFFFFFD0]  }
0x2b0: {  	v2 =	vmul.f32 v2, v6;
	[tilespmem:s21+$0xFFFFFF70] =	vst v3;
	v3 =	vld [tilespmem:s21+$0xFFFFFFE0]  }
0x2b1: {  	[tilespmem:s21+$0xFFFFFF80] =	vst v1;
	v1 =	vmul.f32 v9, v6;
	v9 =	vld [tilespmem:s21+$0xFFFFFFF0]  }
0x2b2: {  	v10 =	vld [tilespmem:s21+$0x0];
	[tilespmem:s21+$0xFFFFFF90] =	vst v2;
	v2 =	vmul.f32 v11, v6  }
0x2b3: {  	[tilespmem:s21+$0xFFFFFFA0] =	vst v1;
	v1 =	vmul.f32 v4, v6;
	v4 =	vld [tilespmem:s21+$0x10]  }
0x2b4: {  	[tilespmem:s21+$0xFFFFFFB0] =	vst v2;
	v2 =	vmul.f32 v8, v6;
	v8 =	vld [tilespmem:s21+$0x20]  }
0x2b5: {  	[tilespmem:s21+$0xFFFFFFC0] =	vst v1;
	v1 =	vmul.f32 v3, v6;
	v3 =	vld [tilespmem:s21+$0x30]  }
0x2b6: {  	[tilespmem:s21+$0xFFFFFFD0] =	vst v2;
	v2 =	vmul.f32 v9, v6;
	v6 =	vld [tilespmem:s21+$0x40]  }
0x2b7: {  	v9 =	vld [tilespmem:s21+$0x50];
	[tilespmem:s21+$0xFFFFFFE0] =	vst v1;
	v1 =	vmul.f32 v10, v7  }
0x2b8: {  	[tilespmem:s21+$0xFFFFFFF0] =	vst v2;
	v2 =	vmul.f32 v4, v7;
	v4 =	vld [tilespmem:s21+$0x60]  }
0x2b9: {  	[tilespmem:s21+$0x0] =	vst v1;
	v1 =	vmul.f32 v8, v7;
	v8 =	vld [tilespmem:s21+$0x80]  }
0x2ba: {  	[tilespmem:s21+$0x10] =	vst v2;
	v2 =	vmul.f32 v3, v7;
	v3 =	vld [tilespmem:s21+$0x90]  }
0x2bb: {  	[tilespmem:s21+$0x20] =	vst v1;
	v1 =	vmul.f32 v6, v7;
	v6 =	vld [tilespmem:s21+$0xA0]  }
0x2bc: {  	[tilespmem:s21+$0x30] =	vst v2;
	v2 =	vmul.f32 v9, v7;
	v9 =	vld [tilespmem:s21+$0xB0]  }
0x2bd: {  	[tilespmem:s21+$0x40] =	vst v1;
	v1 =	vmul.f32 v4, v7;
	v4 =	vld [tilespmem:s21+$0xC0]  }
0x2be: {  	v7 =	vld [tilespmem:s21+$0xD0];
	[tilespmem:s21+$0x50] =	vst v2;
	v2 =	vmul.f32 v8, v5  }
0x2bf: {  	[tilespmem:s21+$0x60] =	vst v1;
	v1 =	vmul.f32 v3, v5;
	v3 =	vld [tilespmem:s21+$0xE0]  }
0x2c0: {  	[tilespmem:s21+$0x80] =	vst v2;
	v2 =	vmul.f32 v6, v5;
	v6 =	vld [tilespmem:s21+$0xF0]  }
0x2c1: {  	[tilespmem:s21+$0x90] =	vst v1;
	v1 =	vmul.f32 v9, v5  }
0x2c2: {  	[tilespmem:s21+$0xA0] =	vst v2;
	v2 =	vmul.f32 v4, v5  }
0x2c3: {  	[tilespmem:s21+$0xB0] =	vst v1;
	v1 =	vmul.f32 v7, v5  }
0x2c4: {  	[tilespmem:s21+$0xC0] =	vst v2;
	v2 =	vmul.f32 v3, v5  }
0x2c5: {  	[tilespmem:s21+$0xD0] =	vst v1;
	v1 =	vmul.f32 v6, v5  }
0x2c6: {  	[tilespmem:s21+$0xE0] =	vst v2  }
0x2c7: {  	s26 =	simm.s32 $0x5C00;
	s28 =	simm.s32 $0x500;
	[tilespmem:s21+$0xF0] =	vst v1  }
0x2c8: {  	[spmem:s5] =	stream.indirect.scatter.add.f32 [tilespmem:s26], [sflag:$0x17], $0x80, s28, s14, $0xb8;
	[tilespmem:$0x1F100] =	vst v63  }
0x2c9: {  	_ = 	snop  }
0x2ca: {  	[spmem:s6] =	stream.indirect.scatter.add.f32 [tilespmem:s18], [sflag:$0x1B], $0x1, s28, s14, $0xb8;
	[tilespmem:$0x1F100] =	vst v63  }
0x2cb: {  	_ =	swait.ge [sflag:s7], $0x2800  }
0x2cc: {  	[sflag:s7] =	ssyncset.done $0x0  }
0x2cd: {  	[sflag:s7] =	ssyncadd.s32 $0xFFFFD800  }
0x2ce: {  	_ =	swait.ge [sflag:s11], $0x50  }
0x2cf: {  	[sflag:s11] =	ssyncset.done $0x0  }
0x2d0: {  	s4 =	simm.s32 @!p1 $0x2;
	[sflag:s11] =	ssyncadd.s32 $0xFFFFFFB0  }
0x2d1: {  	_ =	swait.ge @!p1 [sflag:s4], $0x80  }
0x2d2: {  	[sflag:s4] =	ssyncset.done @!p1 $0x0  }
0x2d3: {  	[sflag:s4] =	ssyncadd.s32 @!p1 $0xFFFFFF80;
	s4 =	simm.s32 @!p1 $0x6  }
0x2d4: {  	_ =	swait.ge @!p1 [sflag:s4], $0x80  }
0x2d5: {  	s12 =	simm.s32 @!p1 $0x80;
	[sflag:s4] =	ssyncset.done @!p1 $0x0  }
0x2d6: {  	s21 =	simm.s32 @!p1 $0x3400;
	[sflag:s4] =	ssyncadd.s32 @!p1 $0xFFFFFF80;
	s4 =	simm.s32 @!p1 $0x50  }
0x2d7: {  	[tilespmem:s21], [sflag:$0xA] =	stream.indirect.gather @!p1 [hbm4b:s1+s4], $0x80, s12, s4, $0xb8;
	[tilespmem:$0x1F100] =	vst v63  }
0x2d8: {  	s21 =	simm.s32 @!p1 $0x680  }
0x2d9: {  	[tilespmem:s21], [sflag:$0xE] =	stream.indirect.gather @!p1 [hbm4b:s8+s4], $0x1, s12, s4, $0xb8;
	[tilespmem:$0x1F100] =	vst v63  }
0x2da: {  	s12 =	simm.s32 @!p1 $0x280;
	s21 =	simm.s32 @!p1 $0x880  }
0x2db: {  	[tilespmem:s21], [sflag:$0x12] =	stream.indirect.gather @!p1 [hbm4b:s9+s4], $0x1, s12, s4, $0xb8;
	[tilespmem:$0x1F100] =	vst v63  }
0x2dc: {  	s4 =	sadd.s32 @!p1 $0x300, s16  }
0x2dd: {  	s12 =	sand.u32 @!p1 $0x7C00, s4  }
0x2de: {  	s4 =	sand.u32 @!p1 $0x300, s4;
	s12 =	sadd.s32 @!p1 s10, s12  }
0x2df: {  	s4 =	sor.u32 @!p1 s4, s12  }
0x2e0: {  	s4 =	sshrl.u32 @!p1 s4, $0x3  }
0x2e1: {  	s16 =	simm.s32 @!p1 $0x0;
	s21 =	simm.s32 @!p1 $0x100;
	s12 =	sadd.s32 @!p1 s2, s4  }
0x2e2: {  	[tilespmem:s21], [sflag:$0x3] =	stream.linear.gather @!p1 [hbm4b:s12+s16], $0x80, $0x38;
	[tilespmem:$0x1F100] =	vst v63  }
0x2e3: {  	s4 =	sadd.s32 @!p1 s3, s4;
	s12 =	simm.s32 @!p1 $0x300  }
0x2e4: {  	[tilespmem:s12], [sflag:$0x7] =	stream.linear.gather @!p1 [hbm4b:s4+s16], $0x80, $0x38;
	[tilespmem:$0x1F100] =	vst v63  }
0x2e5: {  	_ =	swait.ge [sflag:s22], $0x50  }
0x2e6: {  	[sflag:s22] =	ssyncset.done $0x0  }
0x2e7: {  	[sflag:s22] =	ssyncadd.s32 $0xFFFFFFB0  }
0x2e8: {  	_ =	swait.ge [sflag:s23], $0x50  }
0x2e9: {  	[sflag:s23] =	ssyncset.done $0x0  }
0x2ea: {  	[sflag:s23] =	ssyncadd.s32 $0xFFFFFFB0  }
0x2eb: {  	_ =	swait.ge [sflag:s24], $0x2800  }
0x2ec: {  	[sflag:s24] =	ssyncset.done $0x0  }
0x2ed: {  	[sflag:s24] =	ssyncadd.s32 $0xFFFFD800  }
0x2ee: {  	v1 =	vld [tilespmem:$0x780]  }
0x2ef: {  	v2 =	vld [tilespmem:$0x980]  }
0x2f0: {  	v3 =	vld [tilespmem:$0x790]  }
0x2f1: {  	v4 =	vld [tilespmem:$0x990]  }
0x2f2: {  	v5 =	vld [tilespmem:$0x7A0]  }
0x2f3: {  	v6 =	vld [tilespmem:$0x9A0]  }
0x2f4: {  	v7 =	vld [tilespmem:$0x9B0];
	v1 =	vadd.f32 v2, v1  }
0x2f5: {  	v2 =	vld [tilespmem:$0x7B0]  }
0x2f6: {  	v9 =	vld [tilespmem:$0x9C0];
	v3 =	vadd.f32 v4, v3;
	v8 =	vmul.f32 $9.999999770e-03, v1  }
0x2f7: {  	v4 =	vld [tilespmem:$0x7C0];
	vm0 =	vge.f32 v1, $0.0e+00  }
0x2f8: {  	v5 =	vadd.f32 v6, v5;
	v1 =	vsel vm0, v1, v8;
	v8 =	vmul.f32 $9.999999770e-03, v3  }
0x2f9: {  	vm12 =	vge.f32 v3, $0.0e+00;
	v1 =	vmul.f32 $1.442695020e+00, v1  }
0x2fa: {  	v6 =	vmul.f32 $9.999999770e-03, v5;
	v2 =	vadd.f32 v7, v2;
	v3 =	vsel vm12, v3, v8  }
0x2fb: {  	vm13 =	vge.f32 v5, $0.0e+00;
	(erf) = vpow2.f32 v1;
	v1 =	vmul.f32 $1.442695020e+00, v3  }
0x2fc: {  	v4 =	vadd.f32 v9, v4;
	v3 =	vsel vm13, v5, v6;
	v5 =	vmul.f32 $9.999999770e-03, v2  }
0x2fd: {  	vm14 =	vge.f32 v2, $0.0e+00;
	(erf) = vpow2.f32 v1;
	v1 =	vmul.f32 $1.442695020e+00, v3  }
0x2fe: {  	v2 =	vsel vm14, v2, v5;
	v3 =	vmul.f32 $9.999999770e-03, v4  }
0x2ff: {  	vm15 =	vge.f32 v4, $0.0e+00;
	(erf) = vpow2.f32 v1;
	v1 =	vmul.f32 $1.442695020e+00, v2  }
0x300: {  	v5 =	vld [tilespmem:$0x380];
	v2 =	vsel vm15, v4, v3  }
0x301: {  	(erf) = vpow2.f32 v1;
	v1 =	vmul.f32 $1.442695020e+00, v2  }
0x302: {  	v3 =	vld [tilespmem:$0x390];
	_ =	sdelay $0x1  }
0x303: {  	v2 =	vld [tilespmem:$0x3A0];
	(erf) = vpow2.f32 v1  }
0x304: {  	[tilespmem:$0x580] =	vst v5;
	v1 =	vpop (erf)  }
0x305: {  	s21 =	simm.s32 $0x0;
	[tilespmem:$0xB80] =	vst v1;
	v1 =	vld [tilespmem:$0x3B0]  }
0x306: {  	s26 =	simm.s32 $0x2;
	[tilespmem:$0x590] =	vst v3;
	v3 =	vmov s21;
	v4 =	vpop (erf)  }
0x307: {  	v5 =	vmov s26;
	v3 =	vand.u32 $0xFFFFFFFC, v3;
	[tilespmem:$0xB90] =	vst v4;
	v4 =	vld [tilespmem:$0x3C0]  }
0x308: {  	[tilespmem:$0x5A0] =	vst v2;
	v2 =	vbroadcast v3, $0x0;
	v3 =	vand.u32 $0xFFFFFFFE, v5;
	v6 =	vpop (erf)  }
0x309: {  	v3 =	vbroadcast v3, $0x0;
	[tilespmem:$0xBA0] =	vst v6  }
0x30a: {  	v5 =	vpop (erf);
	[tilespmem:$0x5B0] =	vst v1  }
0x30b: {  	[tilespmem:$0xBB0] =	vst v5  }
0x30c: {  	[tilespmem:$0x5C0] =	vst v4;
	v1 =	vpop (erf)  }
0x30d: {  	[tilespmem:$0xBC0] =	vst v1  }
0x30e: {  	v1 =	vld.idx.msk [tilespmem:v2+s29+$0x0], $0xffff  }
0x30f: {  	s4 =	simm.s32 $0x8500;
	v2 =	vld.idx.msk [tilespmem:v3+s29+$0x0], $0xffff  }
0x310: {  	v4 =	vld [tilespmem:s4+$0x70]  }
0x311: {  	v5 =	vld [tilespmem:s4+$0xFFFFFF00]  }
0x312: {  	s28 =	simm.s32 $0x1;
	v6 =	vld [tilespmem:s4+$0xFFFFFF10]  }
0x313: {  	v3 =	vmov s28;
	v7 =	vld [tilespmem:s4+$0xFFFFFF20]  }
0x314: {  	v8 =	vld [tilespmem:s4+$0xFFFFFF30];
	v3 =	vand.u32 $0xFFFFFFFD, v3  }
0x315: {  	v9 =	vld [tilespmem:s4+$0xFFFFFF40];
	v3 =	vbroadcast v3, $0x0  }
0x316: {  	v10 =	vld [tilespmem:s4+$0xFFFFFF50]  }
0x317: {  	v11 =	vld [tilespmem:s4+$0xFFFFFF60];
	v5 =	vmul.f32 v5, v1  }
0x318: {  	v13 =	vld [tilespmem:s4+$0x40];
	v4 =	vmul.f32 v4, v2  }
0x319: {  	[tilespmem:s4+$0xFFFFFF00] =	vst v5;
	v5 =	vmul.f32 v6, v1;
	v6 =	vld [tilespmem:s4+$0xFFFFFF70]  }
0x31a: {  	[tilespmem:s4+$0x70] =	vst v4;
	v4 =	vmul.f32 v7, v1;
	v7 =	vld [tilespmem:s4+$0xFFFFFF80]  }
0x31b: {  	v3 =	vld.idx.msk [tilespmem:v3+s29+$0x0], $0xffff;
	[tilespmem:s4+$0xFFFFFF10] =	vst v5;
	v5 =	vmul.f32 v8, v1  }
0x31c: {  	v8 =	vld [tilespmem:s4+$0xFFFFFF90];
	[tilespmem:s4+$0xFFFFFF20] =	vst v4;
	v4 =	vmul.f32 v9, v1  }
0x31d: {  	v9 =	vld [tilespmem:s4+$0xFFFFFFA0];
	[tilespmem:s4+$0xFFFFFF30] =	vst v5;
	v5 =	vmul.f32 v10, v1  }
0x31e: {  	v10 =	vld [tilespmem:s4+$0xFFFFFFB0];
	[tilespmem:s4+$0xFFFFFF40] =	vst v4;
	v4 =	vmul.f32 v11, v1  }
0x31f: {  	v11 =	vld [tilespmem:s4+$0xFFFFFFC0];
	v6 =	vmul.f32 v6, v1;
	[tilespmem:s4+$0xFFFFFF50] =	vst v5  }
0x320: {  	v5 =	vmul.f32 v7, v3;
	v7 =	vld [tilespmem:s4+$0xFFFFFFD0];
	[tilespmem:s4+$0xFFFFFF60] =	vst v4  }
0x321: {  	s16 =	simm.s32 $0x3;
	v4 =	vld [tilespmem:s4+$0xFFFFFFE0];
	v8 =	vmul.f32 v8, v3;
	[tilespmem:s4+$0xFFFFFF70] =	vst v6  }
0x322: {  	v12 =	vmov s16;
	v6 =	vld [tilespmem:s4+$0xFFFFFFF0];
	[tilespmem:s4+$0xFFFFFF80] =	vst v5;
	v5 =	vmul.f32 v9, v3  }
0x323: {  	v9 =	vld [tilespmem:s4+$0x0];
	[tilespmem:s4+$0xFFFFFF90] =	vst v8;
	v8 =	vmul.f32 v10, v3  }
0x324: {  	v10 =	vld [tilespmem:s4+$0x10];
	[tilespmem:s4+$0xFFFFFFA0] =	vst v5;
	v5 =	vmul.f32 v11, v3  }
0x325: {  	[tilespmem:s4+$0xFFFFFFB0] =	vst v8;
	v7 =	vmul.f32 v7, v3;
	v8 =	vld [tilespmem:s4+$0x20]  }
0x326: {  	v11 =	vld [tilespmem:s4+$0x30];
	v4 =	vmul.f32 v4, v3;
	[tilespmem:s4+$0xFFFFFFC0] =	vst v5  }
0x327: {  	v1 =	vld.idx.msk [tilespmem:v12+s29+$0x0], $0xffff;
	v3 =	vmul.f32 v6, v3;
	[tilespmem:s4+$0xFFFFFFD0] =	vst v7  }
0x328: {  	[tilespmem:s4+$0xFFFFFFE0] =	vst v4;
	v5 =	vmul.f32 v9, v2;
	v4 =	vld [tilespmem:s4+$0x50]  }
0x329: {  	s21 =	simm.s32 $0x4;
	[tilespmem:s4+$0xFFFFFFF0] =	vst v3;
	v6 =	vmul.f32 v10, v2;
	v3 =	vld [tilespmem:s4+$0x60]  }
0x32a: {  	s26 =	simm.s32 $0x7;
	v7 =	vmov s21;
	[tilespmem:s4+$0x0] =	vst v5;
	v9 =	vmul.f32 v8, v2;
	v8 =	vld [tilespmem:s4+$0x80]  }
0x32b: {  	s28 =	simm.s32 $0x5;
	v12 =	vand.u32 $0xFFFFFFFC, v7;
	v7 =	vld [tilespmem:s4+$0x90];
	v5 =	vmov s26;
	v10 =	vmul.f32 v11, v2;
	[tilespmem:s4+$0x10] =	vst v6  }
0x32c: {  	s12 =	simm.s32 $0x8500;
	s16 =	simm.s32 $0x8;
	s21 =	simm.s32 $0x6;
	v11 =	vmul.f32 v13, v2;
	v6 =	vbroadcast v12, $0x0;
	v12 =	vmov s28;
	[tilespmem:s4+$0x20] =	vst v9;
	v9 =	vld [tilespmem:s4+$0xA0]  }
.LBB2_11:
0x32d: {  	p1 =	slt.u32 s16, $0x4C;
	v12 =	vand.u32 $0xFFFFFFFD, v12;
	v13 =	vmov s21;
	[tilespmem:s4+$0x30] =	vst v10;
	v4 =	vmul.f32 v4, v2;
	v10 =	vld [tilespmem:s4+$0xB0]  }
0x32e: {  	v12 =	vbroadcast v12, $0x0;
	v13 =	vand.u32 $0xFFFFFFFE, v13;
	[tilespmem:s4+$0x40] =	vst v11;
	v2 =	vmul.f32 v3, v2;
	v3 =	vld [tilespmem:s4+$0xC0]  }
0x32f: {  	v11 =	vbroadcast v13, $0x0;
	[tilespmem:s4+$0x50] =	vst v4;
	v4 =	vmul.f32 v8, v1;
	v8 =	vld [tilespmem:s4+$0xD0]  }
0x330: {  	[tilespmem:s4+$0x60] =	vst v2;
	v2 =	vmul.f32 v7, v1;
	v7 =	vld [tilespmem:s4+$0xE0]  }
0x331: {  	[tilespmem:s4+$0x80] =	vst v4;
	v4 =	vmul.f32 v9, v1;
	v9 =	vld [tilespmem:s4+$0xF0]  }
0x332: {  	v5 =	vld.idx.msk [tilespmem:v5+s29+$0x0], $0xffff;
	[tilespmem:s4+$0x90] =	vst v2;
	v2 =	vmul.f32 v10, v1  }
0x333: {  	v6 =	vld.idx.msk [tilespmem:v6+s29+$0x0], $0xffff;
	[tilespmem:s4+$0xA0] =	vst v4;
	v3 =	vmul.f32 v3, v1  }
0x334: {  	v4 =	vld.idx.msk [tilespmem:v12+s29+$0x0], $0xffff;
	[tilespmem:s4+$0xB0] =	vst v2;
	v8 =	vmul.f32 v8, v1  }
0x335: {  	s4 =	sadd.s32 $0x200, s4;
	v2 =	vld.idx.msk [tilespmem:v11+s29+$0x0], $0xffff;
	[tilespmem:s12+$0xC0] =	vst v3;
	v3 =	vmul.f32 v7, v1  }
0x336: {  	v7 =	vld [tilespmem:s4+$0x70];
	[tilespmem:s12+$0xD0] =	vst v8;
	v9 =	vmul.f32 v9, v1  }
0x337: {  	v8 =	vld [tilespmem:s4+$0xFFFFFF00];
	[tilespmem:s12+$0xE0] =	vst v3  }
0x338: {  	v1 =	vmov v5;
	v3 =	vld [tilespmem:s4+$0xFFFFFF10];
	[tilespmem:s12+$0xF0] =	vst v9;
	s12 =	smov.u32 s4  }
0x339: {  	v5 =	vld [tilespmem:s4+$0xFFFFFF20]  }
0x33a: {  	v9 =	vld [tilespmem:s4+$0xFFFFFF30]  }
0x33b: {  	v10 =	vld [tilespmem:s4+$0xFFFFFF40];
	v7 =	vmul.f32 v7, v2  }
0x33c: {  	v8 =	vmul.f32 v8, v6;
	v11 =	vld [tilespmem:s4+$0xFFFFFF50]  }
0x33d: {  	v3 =	vmul.f32 v3, v6;
	v12 =	vld [tilespmem:s4+$0xFFFFFF60];
	[tilespmem:s4+$0x70] =	vst v7  }
0x33e: {  	[tilespmem:s4+$0xFFFFFF00] =	vst v8;
	v5 =	vmul.f32 v5, v6;
	v7 =	vld [tilespmem:s4+$0xFFFFFF70]  }
0x33f: {  	[tilespmem:s4+$0xFFFFFF10] =	vst v3;
	v3 =	vmul.f32 v9, v6;
	v8 =	vld [tilespmem:s4+$0xFFFFFF80]  }
0x340: {  	[tilespmem:s4+$0xFFFFFF20] =	vst v5;
	v5 =	vmul.f32 v10, v6;
	v9 =	vld [tilespmem:s4+$0xFFFFFF90]  }
0x341: {  	[tilespmem:s4+$0xFFFFFF30] =	vst v3;
	v3 =	vmul.f32 v11, v6;
	v10 =	vld [tilespmem:s4+$0xFFFFFFA0]  }
0x342: {  	[tilespmem:s4+$0xFFFFFF40] =	vst v5;
	v5 =	vmul.f32 v12, v6;
	v11 =	vld [tilespmem:s4+$0xFFFFFFB0]  }
0x343: {  	[tilespmem:s4+$0xFFFFFF50] =	vst v3;
	v3 =	vmul.f32 v7, v6;
	v6 =	vld [tilespmem:s4+$0xFFFFFFC0]  }
0x344: {  	[tilespmem:s4+$0xFFFFFF60] =	vst v5;
	v5 =	vmul.f32 v8, v4;
	v7 =	vld [tilespmem:s4+$0xFFFFFFD0]  }
0x345: {  	[tilespmem:s4+$0xFFFFFF70] =	vst v3;
	v3 =	vmul.f32 v9, v4;
	v8 =	vld [tilespmem:s4+$0xFFFFFFE0]  }
0x346: {  	[tilespmem:s4+$0xFFFFFF80] =	vst v5;
	v5 =	vmul.f32 v10, v4;
	v9 =	vld [tilespmem:s4+$0xFFFFFFF0]  }
0x347: {  	[tilespmem:s4+$0xFFFFFF90] =	vst v3;
	v3 =	vmul.f32 v11, v4;
	v10 =	vld [tilespmem:s4+$0x0]  }
0x348: {  	[tilespmem:s4+$0xFFFFFFA0] =	vst v5;
	v5 =	vmul.f32 v6, v4;
	v6 =	vld [tilespmem:s4+$0x10]  }
0x349: {  	[tilespmem:s4+$0xFFFFFFB0] =	vst v3;
	v3 =	vmul.f32 v7, v4;
	v7 =	vld [tilespmem:s4+$0x20]  }
0x34a: {  	[tilespmem:s4+$0xFFFFFFC0] =	vst v5;
	v5 =	vmul.f32 v8, v4;
	v11 =	vld [tilespmem:s4+$0x30]  }
0x34b: {  	[tilespmem:s4+$0xFFFFFFD0] =	vst v3;
	v3 =	vmul.f32 v9, v4;
	v9 =	vld [tilespmem:s4+$0x40]  }
.Ltmp4:
0x34c: {  	[tilespmem:s4+$0xFFFFFFE0] =	vst v5;
	v5 =	vmul.f32 v10, v2;
	v4 =	vld [tilespmem:s4+$0x50];
	(pc) =	sbr.rel @p1 .LBB2_11-.Ltmp4, $4  }
0x34d: {  	[tilespmem:s4+$0xFFFFFFF0] =	vst v3;
	v6 =	vmul.f32 v6, v2;
	v3 =	vld [tilespmem:s4+$0x60]  }
0x34e: {  	s21 =	sadd.s32 $0x3, s16;
	v10 =	vmov s16;
	[tilespmem:s4+$0x0] =	vst v5;
	v13 =	vmul.f32 v7, v2;
	v8 =	vld [tilespmem:s4+$0x80]  }
0x34f: {  	s26 =	sadd.s32 $0x1, s16;
	v12 =	vand.u32 $0xFFFFFFFC, v10;
	v5 =	vmov s21;
	[tilespmem:s4+$0x10] =	vst v6;
	v10 =	vmul.f32 v11, v2;
	v7 =	vld [tilespmem:s4+$0x90]  }
0x350: {  	s21 =	sadd.s32 $0x2, s16;
	s16 =	sadd.s32 $0x4, s16;
	v6 =	vbroadcast v12, $0x0;
	v12 =	vmov s26;
	[tilespmem:s4+$0x20] =	vst v13;
	v11 =	vmul.f32 v9, v2;
	v9 =	vld [tilespmem:s4+$0xA0]  }
0x351: {  	v13 =	vld [tilespmem:s4+$0xB0]  }
0x352: {  	v15 =	vld [tilespmem:s4+$0xC0]  }
0x353: {  	v16 =	vld [tilespmem:s4+$0xD0]  }
0x354: {  	v17 =	vld [tilespmem:s4+$0xE0]  }
0x355: {  	v29 =	vld [tilespmem:s4+$0xF0];
	[tilespmem:s4+$0x30] =	vst v10;
	v4 =	vmul.f32 v4, v2  }
0x356: {  	v5 =	vld.idx.msk [tilespmem:v5+s29+$0x0], $0xffff;
	[tilespmem:s4+$0x40] =	vst v11;
	v2 =	vmul.f32 v3, v2  }
0x357: {  	s16 =	sadd.s32 $0x200, s4;
	v3 =	vld.idx.msk [tilespmem:v6+s29+$0x0], $0xffff;
	v8 =	vmul.f32 v8, v1;
	[tilespmem:s4+$0x50] =	vst v4  }
0x358: {  	v14 =	vmov s21;
	v34 =	vld [tilespmem:s16+$0x70];
	v30 =	vmul.f32 v7, v1;
	[tilespmem:s4+$0x60] =	vst v2  }
0x359: {  	v14 =	vand.u32 $0xFFFFFFFE, v14;
	v35 =	vld [tilespmem:s16+$0xFFFFFF00];
	[tilespmem:s4+$0x80] =	vst v8;
	v2 =	vmul.f32 v9, v1  }
0x35a: {  	v37 =	vld [tilespmem:s16+$0xFFFFFF10];
	v14 =	vbroadcast v14, $0x0;
	[tilespmem:s4+$0x90] =	vst v30;
	v33 =	vmul.f32 v13, v1  }
0x35b: {  	v38 =	vld [tilespmem:s16+$0xFFFFFF20];
	[tilespmem:s4+$0xA0] =	vst v2;
	v2 =	vmul.f32 v15, v1  }
0x35c: {  	v12 =	vand.u32 $0xFFFFFFFD, v12;
	v39 =	vld [tilespmem:s16+$0xFFFFFF30];
	v36 =	vmul.f32 v16, v1;
	[tilespmem:s4+$0xB0] =	vst v33  }
0x35d: {  	v12 =	vbroadcast v12, $0x0;
	v41 =	vld [tilespmem:s16+$0xFFFFFF50];
	[tilespmem:s12+$0xC0] =	vst v2;
	v2 =	vmul.f32 v17, v1  }
0x35e: {  	v43 =	vld [tilespmem:s16+$0xFFFFFF60];
	[tilespmem:s12+$0xD0] =	vst v36;
	v1 =	vmul.f32 v29, v1  }
0x35f: {  	v42 =	vmul.f32 v37, v3;
	[tilespmem:s12+$0xE0] =	vst v2;
	v2 =	vld [tilespmem:s16+$0xFFFFFF40]  }
0x360: {  	v32 =	vld.idx.msk [tilespmem:v14+s29+$0x0], $0xffff;
	[tilespmem:s12+$0xF0] =	vst v1;
	v1 =	vmul.f32 v35, v3  }
0x361: {  	v44 =	vld [tilespmem:s16+$0xFFFFFF70];
	v4 =	vmul.f32 v39, v3;
	[tilespmem:s16+$0xFFFFFF10] =	vst v42  }
0x362: {  	v45 =	vld [tilespmem:s16+$0xFFFFFF80];
	[tilespmem:s16+$0xFFFFFF00] =	vst v1;
	v1 =	vmul.f32 v38, v3  }
0x363: {  	v46 =	vmul.f32 v41, v3;
	v31 =	vld.idx.msk [tilespmem:v12+s29+$0x0], $0xffff;
	[tilespmem:s16+$0xFFFFFF30] =	vst v4  }
0x364: {  	[tilespmem:s16+$0xFFFFFF20] =	vst v1;
	v1 =	vmul.f32 v2, v3;
	v2 =	vld [tilespmem:s16+$0xFFFFFF90]  }
0x365: {  	v47 =	vld [tilespmem:s16+$0xFFFFFFA0];
	[tilespmem:s16+$0xFFFFFF50] =	vst v46;
	v40 =	vmul.f32 v34, v32  }
0x366: {  	v48 =	vld [tilespmem:s16+$0xFFFFFFB0];
	[tilespmem:s16+$0xFFFFFF40] =	vst v1;
	v1 =	vmul.f32 v43, v3  }
0x367: {  	v49 =	vld [tilespmem:s16+$0xFFFFFFC0];
	[tilespmem:s16+$0x70] =	vst v40;
	v3 =	vmul.f32 v44, v3  }
0x368: {  	v50 =	vld [tilespmem:s16+$0xFFFFFFD0];
	[tilespmem:s16+$0xFFFFFF60] =	vst v1;
	v1 =	vmul.f32 v45, v31  }
0x369: {  	[tilespmem:s16+$0xFFFFFF70] =	vst v3;
	v3 =	vld [tilespmem:s16+$0xFFFFFFE0];
	v2 =	vmul.f32 v2, v31  }
0x36a: {  	v51 =	vld [tilespmem:s16+$0xFFFFFFF0];
	[tilespmem:s16+$0xFFFFFF80] =	vst v1;
	v1 =	vmul.f32 v47, v31  }
0x36b: {  	v52 =	vld [tilespmem:s16+$0x0];
	[tilespmem:s16+$0xFFFFFF90] =	vst v2;
	v2 =	vmul.f32 v48, v31  }
0x36c: {  	v53 =	vld [tilespmem:s16+$0x10];
	[tilespmem:s16+$0xFFFFFFA0] =	vst v1;
	v1 =	vmul.f32 v49, v31  }
0x36d: {  	v54 =	vld [tilespmem:s16+$0x20];
	[tilespmem:s16+$0xFFFFFFB0] =	vst v2;
	v2 =	vmul.f32 v50, v31  }
0x36e: {  	[tilespmem:s16+$0xFFFFFFC0] =	vst v1;
	v1 =	vmul.f32 v3, v31;
	v3 =	vld [tilespmem:s16+$0x30]  }
0x36f: {  	v55 =	vld [tilespmem:s16+$0x40];
	[tilespmem:s16+$0xFFFFFFD0] =	vst v2;
	v2 =	vmul.f32 v51, v31  }
0x370: {  	v56 =	vld [tilespmem:s16+$0x50];
	[tilespmem:s16+$0xFFFFFFE0] =	vst v1;
	v1 =	vmul.f32 v52, v32  }
0x371: {  	v57 =	vld [tilespmem:s16+$0x60];
	[tilespmem:s16+$0xFFFFFFF0] =	vst v2;
	v2 =	vmul.f32 v53, v32  }
0x372: {  	v58 =	vld [tilespmem:s16+$0x80];
	[tilespmem:s16+$0x0] =	vst v1;
	v1 =	vmul.f32 v54, v32  }
0x373: {  	[tilespmem:s16+$0x10] =	vst v2;
	v2 =	vmul.f32 v3, v32;
	v3 =	vld [tilespmem:s16+$0x90]  }
0x374: {  	v59 =	vld [tilespmem:s16+$0xA0];
	[tilespmem:s16+$0x20] =	vst v1;
	v1 =	vmul.f32 v55, v32  }
0x375: {  	v60 =	vld [tilespmem:s16+$0xB0];
	[tilespmem:s16+$0x30] =	vst v2;
	v2 =	vmul.f32 v56, v32  }
0x376: {  	v61 =	vld [tilespmem:s16+$0xC0];
	[tilespmem:s16+$0x40] =	vst v1;
	v1 =	vmul.f32 v57, v32  }
0x377: {  	v62 =	vld [tilespmem:s16+$0xD0];
	[tilespmem:s16+$0x50] =	vst v2;
	v2 =	vmul.f32 v58, v5  }
0x378: {  	[tilespmem:s16+$0x60] =	vst v1;
	v1 =	vmul.f32 v3, v5;
	v3 =	vld [tilespmem:s16+$0xE0]  }
0x379: {  	v63 =	vld [tilespmem:s16+$0xF0];
	[tilespmem:s16+$0x80] =	vst v2;
	v2 =	vmul.f32 v59, v5  }
0x37a: {  	[tilespmem:s16+$0x90] =	vst v1;
	v1 =	vmul.f32 v60, v5  }
0x37b: {  	[tilespmem:s16+$0xA0] =	vst v2;
	v2 =	vmul.f32 v61, v5  }
0x37c: {  	[tilespmem:s16+$0xB0] =	vst v1;
	v1 =	vmul.f32 v62, v5  }
0x37d: {  	s13 =	sadd.s32 $0x1, s13;
	[tilespmem:s16+$0xC0] =	vst v2;
	v2 =	vmul.f32 v3, v5  }
0x37e: {  	p1 =	sne.s32 s13, $0x20;
	[tilespmem:s16+$0xD0] =	vst v1;
	v1 =	vmul.f32 v63, v5  }
.Ltmp5:
0x37f: {  	[tilespmem:s16+$0xE0] =	vst v2;
	(pc) =	sbr.rel @p1 .LBB2_4-.Ltmp5, $4  }
0x380: {  	s28 =	simm.s32 $0x580;
	[tilespmem:s16+$0xF0] =	vst v1  }
0x381: {  	[spmem:s5] =	stream.indirect.scatter.add.f32 [tilespmem:s0], [sflag:$0x18], $0x80, s28, s14, $0xb8;
	[tilespmem:$0x1F100] =	vst v63  }
0x382: {  	_ = 	snop  }
0x383: {  	[spmem:s6] =	stream.indirect.scatter.add.f32 [tilespmem:s29], [sflag:$0x1C], $0x1, s28, s14, $0xb8;
	[tilespmem:$0x1F100] =	vst v63  }
0x384: {  	s0 =	simm.s32 $0x17  }
0x385: {  	_ =	swait.ge [sflag:s0], $0x2800  }
0x386: {  	[sflag:s0] =	ssyncset.done $0x0  }
0x387: {  	s21 =	simm.s32 $0x1B;
	[sflag:s0] =	ssyncadd.s32 $0xFFFFD800  }
0x388: {  	_ =	swait.ge [sflag:s21], $0x50  }
0x389: {  	[sflag:s21] =	ssyncset.done $0x0  }
0x38a: {  	s26 =	simm.s32 $0x18;
	[sflag:s21] =	ssyncadd.s32 $0xFFFFFFB0  }
0x38b: {  	_ =	swait.ge [sflag:s26], $0x2800  }
0x38c: {  	[sflag:s26] =	ssyncset.done $0x0  }
0x38d: {  	s28 =	simm.s32 $0x1C;
	[sflag:s26] =	ssyncadd.s32 $0xFFFFD800  }
0x38e: {  	_ =	swait.ge [sflag:s28], $0x50  }
0x38f: {  	[sflag:s28] =	ssyncset.done $0x0  }
0x390: {  	s4 =	stileid.u32;
	[sflag:s28] =	ssyncadd.s32 $0xFFFFFFB0  }
0x391: {  	s16 =	simm.s32 $0x80;
	s4 =	sshll.u32 s4, $0x6;
	[bflag:$0x0] =	sbarrier.arrive $0xFFFF  }
0x392: {  	s31 =	simm.s32 $0x1;
	s4 =	sor.u32 $0x1C1D, s4;
	s26 =	rddreg [dreg:$0xd]  }
0x393: {  	s21 =	simm.s32 $0x1D;
	s13 =	rddreg [dreg:$0x10];
	s12 =	sshrl.u32 s26, $0x3  }
0x394: {  	[hbm:s13@s16], [sflag:s4] =	dma.strided [spmem:s12@s22], $0x50, s31, $0x10   }
0x395: {  	_ =	swait.ge [sflag:s21], $0x50  }
0x396: {  	[sflag:s21] =	ssyncset.done $0x0;
	s12 =	rddreg [dreg:$0x12]  }
0x397: {  	s13 =	rddreg [dreg:$0x14];
	[sflag:s21] =	ssyncadd.s32 $0xFFFFFFB0  }
0x398: {  	[hbm:s12], [sflag:s4] =	dma.local @p0 [spmem:s13], $0x1900  }
0x399: {  	s12 =	simm.s32 @p0 $0x1D  }
0x39a: {  	_ =	swait.ge @p0 [sflag:s12], $0x1900  }
0x39b: {  	[sflag:s12] =	ssyncset.done @p0 $0x0;
	s21 =	rddreg [dreg:$0xc]  }
0x39c: {  	s13 =	rddreg [dreg:$0x11];
	[sflag:s12] =	ssyncadd.s32 @p0 $0xFFFFE700;
	s12 =	sshrl.u32 @!p0 s21, $0x3  }
0x39d: {  	[hbm:s13], [sflag:s4] =	dma.local @!p0 [spmem:s12], $0x2800  }
0x39e: {  	s4 =	simm.s32 @!p0 $0x1D  }
0x39f: {  	_ =	swait.ge @!p0 [sflag:s4], $0x2800  }
0x3a0: {  	s28 =	rddreg [dreg:$0x1a]  }
0x3a1: {  	s31 =	rddreg [dreg:$0x13];
	s0 =	sadd.s32 $0x1, s28  }
0x3a2: {  	p1 =	sne.s32 s0, s31  }
.Ltmp6:
0x3a3: {  	_ = 	snop;
	(pc) =	sbr.rel @p1 .LBB2_1-.Ltmp6, $3  }
0x3a4: {  	_ =	sdelay $0x1  }
0x3a5: {  	[sflag:s4] =	ssyncset.done @!p0 $0x0  }
0x3a6: {  	[sflag:s4] =	ssyncadd.s32 @!p0 $0xFFFFD800  }
0x3a7: {  	_ =	sfence.sel $0x180000  }
0x3a8: {  	[bflag:$0x0] =	sbarrier.arrive $0xFFFF  }
0x3a9: {  	_ =	strace $0x90000047  }
0x3aa: {  	s0 =	stileid.u32;
	[bflag:$0x2] =	sbarrier.arrive $0xFFFF  }
0x3ab: {  	p0 =	sne.s32 s0, $0x0;
	s0 =	rddreg [dreg:$0x5]  }
0x3ac: {  	s0 =	sadd.s32 @!p0 $0x100000, s0  }
0x3ad: {  	[sflag:s0] =	ssyncadd.tile.s32 @!p0 $0x1;
	_ =	shalt  }
.Lfunc_end2:
_tile_overlayer_lowered:
.L_overlay_start_2:
0x3ae: {  	(tag) =	ssettag $0x2  }
0x3af: {  	s0 =	rddreg [dreg:$0x0];
	s2 =	stileid.u32  }
0x3b0: {  	s1 =	rddreg [dreg:$0x1];
	p0 =	sne.s32 s2, $0x0  }
0x3b1: {  	s3 =	rddreg [dreg:$0x2];
	[bflag:$0x3] =	sbarrier.arrive $0xFFFF;
	s2 =	simm.s32 @!p0 $0x1C1D  }
0x3b2: {  	[timem:s3], [sflag:s2] =	dma.local @!p0 [hbm:s0], s1  }
0x3b3: {  	s0 =	simm.s32 @!p0 $0x1D  }
0x3b4: {  	_ =	swait.ge @!p0 [sflag:s0], s1  }
0x3b5: {  	s1 =	ssub.s32 @!p0 $0x0, s1;
	[sflag:s0] =	ssyncset.done @!p0 $0x0  }
0x3b6: {  	[sflag:s0] =	ssyncadd.s32 @!p0 s1  }
0x3b7: {  	[bflag:$0x3] =	sbarrier.arrive $0xFFFF  }
0x3b8: {  	_ =	shalt  }

</sc_bundles>
